<compile_context>
chip_gen: v7x
topology: tpu7x:2x2x1
jax: 0.10.2.dev20260603
libtpu: 0.0.44.dev20260713+nightly
codegen_flags: <defaults>
</compile_context>

<pallas_src>
import functools

import jax
import jax.numpy as jnp
from jax import lax
from jax.experimental import pallas as pl
from jax.experimental.pallas import tpu as pltpu
from jax.experimental.pallas import tpu_sc as plsc

RES = 32
NVOX = RES ** 3
B, C, N = 4, 64, 65536
CH = 2048


def _prep_body(x1c_ref, x2c_ref, idxp_ref, frac_ref):
    r = float(RES)

    def norm_coords(c):
        mean = jnp.mean(c, axis=1, keepdims=True)
        nc = c - mean
        norm = jnp.sqrt(jnp.sum(nc * nc, axis=0, keepdims=True))
        denom = jnp.max(norm) * 2.0
        nc = nc / denom + 0.5
        return jnp.clip(nc * r, 0.0, r - 1.0)

    nc1 = norm_coords(x1c_ref[0])
    nc2 = norm_coords(x2c_ref[0])

    vox2 = jnp.round(nc2).astype(jnp.int32)
    idx2 = vox2[0:1] * (RES * RES) + vox2[1:2] * RES + vox2[2:3]

    lo = jnp.floor(nc1)
    frac_ref[0] = nc1 - lo
    lo_i = lo.astype(jnp.int32)
    idx000 = lo_i[0:1] * (RES * RES) + lo_i[1:2] * RES + lo_i[2:3]
    idxp_ref[0] = jnp.concatenate([idx000, idx2], axis=0)


def _prep(x1_coords, x2_coords):
    return pl.pallas_call(
        _prep_body,
        grid=(B,),
        in_specs=[
            pl.BlockSpec((1, 3, N), lambda b: (b, 0, 0)),
            pl.BlockSpec((1, 3, N), lambda b: (b, 0, 0)),
        ],
        out_specs=[
            pl.BlockSpec((1, 2, N), lambda b: (b, 0, 0)),
            pl.BlockSpec((1, 3, N), lambda b: (b, 0, 0)),
        ],
        out_shape=[
            jax.ShapeDtypeStruct((B, 2, N), jnp.int32),
            jax.ShapeDtypeStruct((B, 3, N), jnp.float32),
        ],
    )(x1_coords, x2_coords)


def _sc_body(x2f, idxp, frac, out,
             sum0, sum1, cnt,
             ib0, ib1, fa0, fa1, fb0, fb1, fc0, fc1,
             oa0, oa1, ob0, ob1, sin0, sin1, sout0, sout1):
    wid = lax.axis_index("s") * 2 + lax.axis_index("c")
    c0 = wid * 2
    c1 = c0 + 1
    zeros16 = jnp.zeros((16,), jnp.float32)
    ones16 = jnp.ones((16,), jnp.float32)
    NCH = N // CH

    ib = (ib0, ib1)
    fa = (fa0, fa1)
    fb = (fb0, fb1)
    fc = (fc0, fc1)
    oa = (oa0, oa1)
    ob = (ob0, ob1)
    sin = (sin0, sin1)
    sout = (sout0, sout1)

    def batch_body(b, _):
        @plsc.parallel_loop(0, NVOX // 16, unroll=4)
        def _(i):
            ds = pl.ds(i * 16, 16)
            sum0[ds] = zeros16
            sum1[ds] = zeros16
            cnt[ds] = zeros16

        def scat_in(ci, par):
            n0 = ci * CH
            pltpu.async_copy(idxp.at[pl.ds((b * 2 + 1) * N + n0, CH)],
                             ib[par], sin[par])
            pltpu.async_copy(x2f.at[pl.ds((b * C + c0) * N + n0, CH)],
                             fa[par], sin[par])
            pltpu.async_copy(x2f.at[pl.ds((b * C + c1) * N + n0, CH)],
                             fb[par], sin[par])

        def scat_wait(par):
            src = idxp.at[pl.ds(0, CH)]
            pltpu.make_async_copy(src, ib[par], sin[par]).wait()
            srcf = x2f.at[pl.ds(0, CH)]
            pltpu.make_async_copy(srcf, fa[par], sin[par]).wait()
            pltpu.make_async_copy(srcf, fb[par], sin[par]).wait()

        scat_in(0, 0)
        scat_in(1, 1)

        def scat_chunk(ci0, _):
            for par in (0, 1):
                ci = ci0 * 2 + par
                scat_wait(par)

                @plsc.parallel_loop(0, CH // 16, unroll=16)
                def _(g):
                    ds = pl.ds(g * 16, 16)
                    iv = ib[par][ds]
                    plsc.addupdate_scatter(sum0, [iv], fa[par][ds])
                    plsc.addupdate_scatter(sum1, [iv], fb[par][ds])
                    plsc.addupdate_scatter(cnt, [iv], ones16)

                @pl.when(ci + 2 < NCH)
                def _():
                    scat_in(ci + 2, par)
            return ()
        lax.fori_loop(0, NCH // 2, scat_chunk, ())

        @plsc.parallel_loop(0, NVOX // 16, unroll=4)
        def _(i):
            ds = pl.ds(i * 16, 16)
            c = jnp.maximum(cnt[ds], 1.0)
            sum0[ds] = sum0[ds] / c
            sum1[ds] = sum1[ds] / c

        def gath_in(ci, par):
            n0 = ci * CH
            pltpu.async_copy(idxp.at[pl.ds(b * 2 * N + n0, CH)],
                             ib[par], sin[par])
            pltpu.async_copy(frac.at[pl.ds(b * 3 * N + n0, CH)],
                             fa[par], sin[par])
            pltpu.async_copy(frac.at[pl.ds((b * 3 + 1) * N + n0, CH)],
                             fb[par], sin[par])
            pltpu.async_copy(frac.at[pl.ds((b * 3 + 2) * N + n0, CH)],
                             fc[par], sin[par])

        def gath_wait(par):
            src = idxp.at[pl.ds(0, CH)]
            pltpu.make_async_copy(src, ib[par], sin[par]).wait()
            srcf = frac.at[pl.ds(0, CH)]
            pltpu.make_async_copy(srcf, fa[par], sin[par]).wait()
            pltpu.make_async_copy(srcf, fb[par], sin[par]).wait()
            pltpu.make_async_copy(srcf, fc[par], sin[par]).wait()

        def out_issue(ci, par):
            n0 = ci * CH
            pltpu.async_copy(oa[par], out.at[pl.ds((b * C + c0) * N + n0, CH)],
                             sout[par])
            pltpu.async_copy(ob[par], out.at[pl.ds((b * C + c1) * N + n0, CH)],
                             sout[par])

        def out_wait(par):
            dst = out.at[pl.ds(0, CH)]
            pltpu.make_async_copy(oa[par], dst, sout[par]).wait()
            pltpu.make_async_copy(ob[par], dst, sout[par]).wait()

        gath_in(0, 0)
        gath_in(1, 1)

        def gath_chunk(ci0, _):
            for par in (0, 1):
                ci = ci0 * 2 + par
                gath_wait(par)

                @pl.when(ci >= 2)
                def _():
                    out_wait(par)

                @plsc.parallel_loop(0, CH // 16, unroll=4)
                def _(g):
                    ds = pl.ds(g * 16, 16)
                    i000 = ib[par][ds]
                    vfx = fa[par][ds]
                    vfy = fb[par][ds]
                    vfz = fc[par][ds]
                    dx = jnp.where(i000 < (RES - 1) * RES * RES,
                                   RES * RES, 0)
                    dy = jnp.where((i000 & (RES * RES - 1)) < (RES - 1) * RES,
                                   RES, 0)
                    dz = jnp.where((i000 & (RES - 1)) < RES - 1, 1, 0)
                    gx = 1.0 - vfx
                    gy = 1.0 - vfy
                    gz = 1.0 - vfz
                    i0 = i000
                    i1 = i000 + dy
                    i2 = i000 + dx
                    i3 = i2 + dy
                    acc0 = zeros16
                    acc1 = zeros16
                    for ibase, wxy in ((i0, gx * gy), (i1, gx * vfy),
                                       (i2, vfx * gy), (i3, vfx * vfy)):
                        wlo = wxy * gz
                        whi = wxy * vfz
                        ihi = ibase + dz
                        acc0 = acc0 + wlo * plsc.load_gather(sum0, [ibase])
                        acc0 = acc0 + whi * plsc.load_gather(sum0, [ihi])
                        acc1 = acc1 + wlo * plsc.load_gather(sum1, [ibase])
                        acc1 = acc1 + whi * plsc.load_gather(sum1, [ihi])
                    oa[par][ds] = acc0
                    ob[par][ds] = acc1

                @pl.when(ci + 2 < NCH)
                def _():
                    gath_in(ci + 2, par)

                out_issue(ci, par)
            return ()
        lax.fori_loop(0, NCH // 2, gath_chunk, ())
        out_wait(0)
        out_wait(1)
        return ()

    lax.fori_loop(0, B, batch_body, ())


def _devoxelize(x2_features, idxp, frac):
    mesh = plsc.VectorSubcoreMesh(core_axis_name="c", subcore_axis_name="s")
    f = pl.kernel(
        _sc_body,
        mesh=mesh,
        compiler_params=pltpu.CompilerParams(needs_layout_passes=False),
        out_type=jax.ShapeDtypeStruct((B * C * N,), jnp.float32),
        scratch_types=[
            pltpu.VMEM((NVOX,), jnp.float32),
            pltpu.VMEM((NVOX,), jnp.float32),
            pltpu.VMEM((NVOX,), jnp.float32),
            pltpu.VMEM((CH,), jnp.int32),
            pltpu.VMEM((CH,), jnp.int32),
            pltpu.VMEM((CH,), jnp.float32),
            pltpu.VMEM((CH,), jnp.float32),
            pltpu.VMEM((CH,), jnp.float32),
            pltpu.VMEM((CH,), jnp.float32),
            pltpu.VMEM((CH,), jnp.float32),
            pltpu.VMEM((CH,), jnp.float32),
            pltpu.VMEM((CH,), jnp.float32),
            pltpu.VMEM((CH,), jnp.float32),
            pltpu.VMEM((CH,), jnp.float32),
            pltpu.VMEM((CH,), jnp.float32),
            pltpu.SemaphoreType.DMA,
            pltpu.SemaphoreType.DMA,
            pltpu.SemaphoreType.DMA,
            pltpu.SemaphoreType.DMA,
        ],
    )
    flat = f(x2_features.reshape(-1), idxp.reshape(-1), frac.reshape(-1))
    return flat.reshape(B, C, N)


def kernel(x1_features, x2_features, x1_coords, x2_coords):
    idxp, frac = _prep(x1_coords, x2_coords)
    devox = _devoxelize(x2_features, idxp, frac)
    return jnp.concatenate([x1_features, devox], axis=1)

# --- scband reference (transcript-rebuilt; emitter-appended) ---
"""Pipeline reference for scband-feature-voxel-concatenation-20521353740730 (READ-ONLY COPY).

The authoritative reference and input builder live on the scoring server;
editing this copy changes nothing except your own understanding.
"""

import jax, jax.numpy as jnp
import numpy as np

RES = 32
EPS = 0.0


def _voxelize(features, coords, r, normalize=True, eps=0.0):
    # features: (B, C, N), coords: (B, 3, N)
    norm_coords = coords - coords.mean(axis=2, keepdims=True)
    if normalize:
        denom = jnp.max(jnp.linalg.norm(norm_coords, axis=1, keepdims=True), axis=2, keepdims=True) * 2.0 + eps
        norm_coords = norm_coords / denom + 0.5
    else:
        norm_coords = (norm_coords + 1.0) / 2.0
    norm_coords = jnp.clip(norm_coords * r, 0.0, r - 1)
    vox_coords = jnp.round(norm_coords).astype(jnp.int32)
    idx = vox_coords[:, 0] * (r * r) + vox_coords[:, 1] * r + vox_coords[:, 2]  # (B, N)
    B, C, N = features.shape
    R3 = r * r * r

    def scatter_one(feat_b, idx_b):
        sums = jax.ops.segment_sum(feat_b.T, idx_b, num_segments=R3)  # (R3, C)
        cnts = jax.ops.segment_sum(jnp.ones((N,), feat_b.dtype), idx_b, num_segments=R3)  # (R3,)
        avg = sums / jnp.maximum(cnts, 1.0)[:, None]
        return avg.T  # (C, R3)

    vox = jax.vmap(scatter_one)(features, idx)  # (B, C, R3)
    return vox, norm_coords


def _trilinear_devoxelize(vox, coords, r):
    # vox: (B, C, R^3), coords: (B, 3, N) in [0, r-1]
    coords = jnp.clip(coords, 0.0, r - 1)
    lo = jnp.floor(coords)
    frac = coords - lo
    lo_i = lo.astype(jnp.int32)
    hi_i = jnp.minimum(lo_i + 1, r - 1)
    x0, y0, z0 = lo_i[:, 0], lo_i[:, 1], lo_i[:, 2]
    x1, y1, z1 = hi_i[:, 0], hi_i[:, 1], hi_i[:, 2]
    fx = frac[:, 0][:, None, :]
    fy = frac[:, 1][:, None, :]
    fz = frac[:, 2][:, None, :]

    def gather(ix, iy, iz):
        idx = ix * (r * r) + iy * r + iz  # (B, N)
        return jax.vmap(lambda v, i: v[:, i])(vox, idx)  # (B, C, N)

    c000 = gather(x0, y0, z0)
    c001 = gather(x0, y0, z1)
    c010 = gather(x0, y1, z0)
    c011 = gather(x0, y1, z1)
    c100 = gather(x1, y0, z0)
    c101 = gather(x1, y0, z1)
    c110 = gather(x1, y1, z0)
    c111 = gather(x1, y1, z1)
    out = (c000 * (1 - fx) * (1 - fy) * (1 - fz)
           + c001 * (1 - fx) * (1 - fy) * fz
           + c010 * (1 - fx) * fy * (1 - fz)
           + c011 * (1 - fx) * fy * fz
           + c100 * fx * (1 - fy) * (1 - fz)
           + c101 * fx * (1 - fy) * fz
           + c110 * fx * fy * (1 - fz)
           + c111 * fx * fy * fz)
    return out


def setup_inputs(seed: int = 0) -> dict:
    key = jax.random.key(seed)
    k1, k2, k3, k4 = jax.random.split(key, 4)
    B, C, N = 4, 64, 65536
    x1_features = jax.random.normal(k1, (B, C, N), dtype=jnp.float32)
    x2_features = jax.random.normal(k2, (B, C, N), dtype=jnp.float32)
    x1_coords = jax.random.normal(k3, (B, 3, N), dtype=jnp.float32)
    x2_coords = jax.random.normal(k4, (B, 3, N), dtype=jnp.float32)
    return {"x1_features": x1_features, "x2_features": x2_features, "x1_coords": x1_coords, "x2_coords": x2_coords}


def reference(x1_features, x2_features, x1_coords, x2_coords):
    vox_x1, nc_x1 = _voxelize(x1_features, x1_coords, RES, normalize=True, eps=EPS)
    vox_x2, nc_x2 = _voxelize(x2_features, x2_coords, RES, normalize=True, eps=EPS)
    devox_mixed = _trilinear_devoxelize(vox_x2, nc_x1, RES)
    return jnp.concatenate([x1_features, devox_mixed], axis=1)

if __name__ == "__main__":
    import jax
    _d = setup_inputs()
    print(jax.jit(kernel)(*tuple(_d.values())))

</pallas_src>

<mosaic_0001>
#map = affine_map<(d0, d1) -> (0)>
module attributes {stable_mosaic.version = 14 : i64} {
  func.func @_sc_body(%arg0: i32, %arg1: i32, %arg2: memref<16777216xf32, #tpu.memory_space<hbm>>, %arg3: memref<524288xi32, #tpu.memory_space<hbm>>, %arg4: memref<786432xf32, #tpu.memory_space<hbm>>, %arg5: memref<16777216xf32, #tpu.memory_space<hbm>>, %arg6: memref<32768xf32, #tpu.memory_space<vmem>>, %arg7: memref<32768xf32, #tpu.memory_space<vmem>>, %arg8: memref<32768xf32, #tpu.memory_space<vmem>>, %arg9: memref<2048xi32, #tpu.memory_space<vmem>>, %arg10: memref<2048xi32, #tpu.memory_space<vmem>>, %arg11: memref<2048xf32, #tpu.memory_space<vmem>>, %arg12: memref<2048xf32, #tpu.memory_space<vmem>>, %arg13: memref<2048xf32, #tpu.memory_space<vmem>>, %arg14: memref<2048xf32, #tpu.memory_space<vmem>>, %arg15: memref<2048xf32, #tpu.memory_space<vmem>>, %arg16: memref<2048xf32, #tpu.memory_space<vmem>>, %arg17: memref<2048xf32, #tpu.memory_space<vmem>>, %arg18: memref<2048xf32, #tpu.memory_space<vmem>>, %arg19: memref<2048xf32, #tpu.memory_space<vmem>>, %arg20: memref<2048xf32, #tpu.memory_space<vmem>>, %arg21: memref<!tpu.dma_semaphore, #tpu.memory_space<semaphore_mem>>, %arg22: memref<!tpu.dma_semaphore, #tpu.memory_space<semaphore_mem>>, %arg23: memref<!tpu.dma_semaphore, #tpu.memory_space<semaphore_mem>>, %arg24: memref<!tpu.dma_semaphore, #tpu.memory_space<semaphore_mem>>) attributes {dimension_semantics = [#tpu.dimension_semantics<core_parallel>, #tpu.dimension_semantics<subcore_parallel>], iteration_bounds = array<i64: 2, 16>, scalar_prefetch = 0 : i64, scratch_operands = 19 : i64, tpu.core_type = #tpu.core_type<sc_vector_subcore>, window_params = [{transform_indices = #map}, {transform_indices = #map}, {transform_indices = #map}, {transform_indices = #map}]} {
    %mul3A = arith.constant 2 : i32
    %mul3A_0 = arith.muli %arg1, %mul3A : i32
    %add3A = arith.addi %mul3A_0, %arg0 : i32
    %mul3A_1 = arith.constant 2 : i32
    %mul3A_2 = arith.muli %add3A, %mul3A_1 : i32
    %add3A_3 = arith.constant 1 : i32
    %add3A_4 = arith.addi %mul3A_2, %add3A_3 : i32
    %broadcast_in_dim3A = arith.constant 0.000000e+00 : f32
    %broadcast_in_dim3A_5 = vector.broadcast %broadcast_in_dim3A : f32 to vector<16xf32>
    %broadcast_in_dim3A_6 = arith.constant 1.000000e+00 : f32
    %broadcast_in_dim3A_7 = vector.broadcast %broadcast_in_dim3A_6 : f32 to vector<16xf32>
    %scan3A = arith.constant 0 : i32
    %scan3A_8 = arith.constant 4 : i32
    %scan3A_9 = arith.addi %scan3A, %scan3A_8 : i32
    %scan3A_10 = arith.constant 1 : i32
    scf.for %scan3A_12 = %scan3A to %scan3A_9 step %scan3A_10  : i32 {
      %parallel_loop3A = arith.constant 0 : i32
      %parallel_loop3A_13 = arith.constant 2048 : i32
      %parallel_loop3A_14 = arith.constant 1 : i32
      scf.for %parallel_loop3A_170 = %parallel_loop3A to %parallel_loop3A_13 step %parallel_loop3A_14  : i32 {
        %parallel_loop3A_171 = arith.constant 16 : i32
        %parallel_loop3A_172 = arith.muli %parallel_loop3A_170, %parallel_loop3A_171 : i32
        %parallel_loop3A_173 = arith.index_cast %parallel_loop3A_172 : i32 to index
        %parallel_loop3A_174 = tpu.vector_load %arg6[%parallel_loop3A_173] {strides = array<i32>} : memref<32768xf32, #tpu.memory_space<vmem>>, vector<16xf32>,
        tpu.vector_store %arg6[%parallel_loop3A_173], %broadcast_in_dim3A_5 {strides = array<i32>} : memref<32768xf32, #tpu.memory_space<vmem>>, vector<16xf32>,
        %parallel_loop3A_175 = arith.index_cast %parallel_loop3A_172 : i32 to index
        %parallel_loop3A_176 = tpu.vector_load %arg7[%parallel_loop3A_175] {strides = array<i32>} : memref<32768xf32, #tpu.memory_space<vmem>>, vector<16xf32>,
        tpu.vector_store %arg7[%parallel_loop3A_175], %broadcast_in_dim3A_5 {strides = array<i32>} : memref<32768xf32, #tpu.memory_space<vmem>>, vector<16xf32>,
        %parallel_loop3A_177 = arith.index_cast %parallel_loop3A_172 : i32 to index
        %parallel_loop3A_178 = tpu.vector_load %arg8[%parallel_loop3A_177] {strides = array<i32>} : memref<32768xf32, #tpu.memory_space<vmem>>, vector<16xf32>,
        tpu.vector_store %arg8[%parallel_loop3A_177], %broadcast_in_dim3A_5 {strides = array<i32>} : memref<32768xf32, #tpu.memory_space<vmem>>, vector<16xf32>,
      } {sc.loop_unroll_factor = 4 : i64, sc.parallel_access}
      %mul3A_15 = arith.constant 2 : i32
      %mul3A_16 = arith.muli %scan3A_12, %mul3A_15 : i32
      %add3A_17 = arith.constant 1 : i32
      %add3A_18 = arith.addi %mul3A_16, %add3A_17 : i32
      %mul3A_19 = arith.constant 65536 : i32
      %mul3A_20 = arith.muli %add3A_18, %mul3A_19 : i32
      %add3A_21 = arith.constant 0 : i32
      %add3A_22 = arith.addi %mul3A_20, %add3A_21 : i32
      %dma_start3A = tpu.memref_slice %arg3[%add3A_22] : memref<524288xi32, #tpu.memory_space<hbm>> -> memref<2048xi32, #tpu.memory_space<hbm>>
      %dma_start3A_23 = tpu.memref_slice %arg3[%add3A_22] : memref<524288xi32, #tpu.memory_space<hbm>> -> memref<2048xi32, #tpu.memory_space<hbm>>
      tpu.enqueue_dma source(%dma_start3A_23 : memref<2048xi32, #tpu.memory_space<hbm>>) target(%arg9 : memref<2048xi32, #tpu.memory_space<vmem>>) target_semaphore(%arg21 : memref<!tpu.dma_semaphore, #tpu.memory_space<semaphore_mem>>)
      %mul3A_24 = arith.constant 64 : i32
      %mul3A_25 = arith.muli %scan3A_12, %mul3A_24 : i32
      %add3A_26 = arith.addi %mul3A_25, %mul3A_2 : i32
      %mul3A_27 = arith.constant 65536 : i32
      %mul3A_28 = arith.muli %add3A_26, %mul3A_27 : i32
      %add3A_29 = arith.constant 0 : i32
      %add3A_30 = arith.addi %mul3A_28, %add3A_29 : i32
      %dma_start3A_31 = tpu.memref_slice %arg2[%add3A_30] : memref<16777216xf32, #tpu.memory_space<hbm>> -> memref<2048xf32, #tpu.memory_space<hbm>>
      %dma_start3A_32 = tpu.memref_slice %arg2[%add3A_30] : memref<16777216xf32, #tpu.memory_space<hbm>> -> memref<2048xf32, #tpu.memory_space<hbm>>
      tpu.enqueue_dma source(%dma_start3A_32 : memref<2048xf32, #tpu.memory_space<hbm>>) target(%arg11 : memref<2048xf32, #tpu.memory_space<vmem>>) target_semaphore(%arg21 : memref<!tpu.dma_semaphore, #tpu.memory_space<semaphore_mem>>)
      %mul3A_33 = arith.constant 64 : i32
      %mul3A_34 = arith.muli %scan3A_12, %mul3A_33 : i32
      %add3A_35 = arith.addi %mul3A_34, %add3A_4 : i32
      %mul3A_36 = arith.constant 65536 : i32
      %mul3A_37 = arith.muli %add3A_35, %mul3A_36 : i32
      %add3A_38 = arith.constant 0 : i32
      %add3A_39 = arith.addi %mul3A_37, %add3A_38 : i32
      %dma_start3A_40 = tpu.memref_slice %arg2[%add3A_39] : memref<16777216xf32, #tpu.memory_space<hbm>> -> memref<2048xf32, #tpu.memory_space<hbm>>
      %dma_start3A_41 = tpu.memref_slice %arg2[%add3A_39] : memref<16777216xf32, #tpu.memory_space<hbm>> -> memref<2048xf32, #tpu.memory_space<hbm>>
      tpu.enqueue_dma source(%dma_start3A_41 : memref<2048xf32, #tpu.memory_space<hbm>>) target(%arg13 : memref<2048xf32, #tpu.memory_space<vmem>>) target_semaphore(%arg21 : memref<!tpu.dma_semaphore, #tpu.memory_space<semaphore_mem>>)
      %mul3A_42 = arith.constant 2 : i32
      %mul3A_43 = arith.muli %scan3A_12, %mul3A_42 : i32
      %add3A_44 = arith.constant 1 : i32
      %add3A_45 = arith.addi %mul3A_43, %add3A_44 : i32
      %mul3A_46 = arith.constant 65536 : i32
      %mul3A_47 = arith.muli %add3A_45, %mul3A_46 : i32
      %add3A_48 = arith.constant 2048 : i32
      %add3A_49 = arith.addi %mul3A_47, %add3A_48 : i32
      %dma_start3A_50 = tpu.memref_slice %arg3[%add3A_49] : memref<524288xi32, #tpu.memory_space<hbm>> -> memref<2048xi32, #tpu.memory_space<hbm>>
      %dma_start3A_51 = tpu.memref_slice %arg3[%add3A_49] : memref<524288xi32, #tpu.memory_space<hbm>> -> memref<2048xi32, #tpu.memory_space<hbm>>
      tpu.enqueue_dma source(%dma_start3A_51 : memref<2048xi32, #tpu.memory_space<hbm>>) target(%arg10 : memref<2048xi32, #tpu.memory_space<vmem>>) target_semaphore(%arg22 : memref<!tpu.dma_semaphore, #tpu.memory_space<semaphore_mem>>)
      %mul3A_52 = arith.constant 64 : i32
      %mul3A_53 = arith.muli %scan3A_12, %mul3A_52 : i32
      %add3A_54 = arith.addi %mul3A_53, %mul3A_2 : i32
      %mul3A_55 = arith.constant 65536 : i32
      %mul3A_56 = arith.muli %add3A_54, %mul3A_55 : i32
      %add3A_57 = arith.constant 2048 : i32
      %add3A_58 = arith.addi %mul3A_56, %add3A_57 : i32
      %dma_start3A_59 = tpu.memref_slice %arg2[%add3A_58] : memref<16777216xf32, #tpu.memory_space<hbm>> -> memref<2048xf32, #tpu.memory_space<hbm>>
      %dma_start3A_60 = tpu.memref_slice %arg2[%add3A_58] : memref<16777216xf32, #tpu.memory_space<hbm>> -> memref<2048xf32, #tpu.memory_space<hbm>>
      tpu.enqueue_dma source(%dma_start3A_60 : memref<2048xf32, #tpu.memory_space<hbm>>) target(%arg12 : memref<2048xf32, #tpu.memory_space<vmem>>) target_semaphore(%arg22 : memref<!tpu.dma_semaphore, #tpu.memory_space<semaphore_mem>>)
      %mul3A_61 = arith.constant 64 : i32
      %mul3A_62 = arith.muli %scan3A_12, %mul3A_61 : i32
      %add3A_63 = arith.addi %mul3A_62, %add3A_4 : i32
      %mul3A_64 = arith.constant 65536 : i32
      %mul3A_65 = arith.muli %add3A_63, %mul3A_64 : i32
      %add3A_66 = arith.constant 2048 : i32
      %add3A_67 = arith.addi %mul3A_65, %add3A_66 : i32
      %dma_start3A_68 = tpu.memref_slice %arg2[%add3A_67] : memref<16777216xf32, #tpu.memory_space<hbm>> -> memref<2048xf32, #tpu.memory_space<hbm>>
      %dma_start3A_69 = tpu.memref_slice %arg2[%add3A_67] : memref<16777216xf32, #tpu.memory_space<hbm>> -> memref<2048xf32, #tpu.memory_space<hbm>>
      tpu.enqueue_dma source(%dma_start3A_69 : memref<2048xf32, #tpu.memory_space<hbm>>) target(%arg14 : memref<2048xf32, #tpu.memory_space<vmem>>) target_semaphore(%arg22 : memref<!tpu.dma_semaphore, #tpu.memory_space<semaphore_mem>>)
      %scan3A_70 = arith.constant 0 : i32
      %scan3A_71 = arith.constant 16 : i32
      %scan3A_72 = arith.addi %scan3A_70, %scan3A_71 : i32
      %scan3A_73 = arith.constant 1 : i32
      scf.for %scan3A_170 = %scan3A_70 to %scan3A_72 step %scan3A_73  : i32 {
        %mul3A_171 = arith.constant 2 : i32
        %mul3A_172 = arith.muli %scan3A_170, %mul3A_171 : i32
        %add3A_173 = arith.constant 0 : i32
        %add3A_174 = arith.addi %mul3A_172, %add3A_173 : i32
        %dma_wait3A_175 = arith.constant 0 : i32
        %dma_wait3A_176 = tpu.memref_slice %arg3[%dma_wait3A_175] : memref<524288xi32, #tpu.memory_space<hbm>> -> memref<2048xi32, #tpu.memory_space<hbm>>
        %dma_wait3A_177 = arith.constant 0 : i32
        %dma_wait3A_178 = tpu.memref_slice %arg3[%dma_wait3A_177] : memref<524288xi32, #tpu.memory_space<hbm>> -> memref<2048xi32, #tpu.memory_space<hbm>>
        tpu.wait_dma2 semaphore(%arg21 : memref<!tpu.dma_semaphore, #tpu.memory_space<semaphore_mem>>) src(%dma_wait3A_178 : memref<2048xi32, #tpu.memory_space<hbm>>) dst(%arg9 : memref<2048xi32, #tpu.memory_space<vmem>>)
        %dma_wait3A_179 = arith.constant 0 : i32
        %dma_wait3A_180 = tpu.memref_slice %arg2[%dma_wait3A_179] : memref<16777216xf32, #tpu.memory_space<hbm>> -> memref<2048xf32, #tpu.memory_space<hbm>>
        %dma_wait3A_181 = arith.constant 0 : i32
        %dma_wait3A_182 = tpu.memref_slice %arg2[%dma_wait3A_181] : memref<16777216xf32, #tpu.memory_space<hbm>> -> memref<2048xf32, #tpu.memory_space<hbm>>
        tpu.wait_dma2 semaphore(%arg21 : memref<!tpu.dma_semaphore, #tpu.memory_space<semaphore_mem>>) src(%dma_wait3A_182 : memref<2048xf32, #tpu.memory_space<hbm>>) dst(%arg11 : memref<2048xf32, #tpu.memory_space<vmem>>)
        %dma_wait3A_183 = arith.constant 0 : i32
        %dma_wait3A_184 = tpu.memref_slice %arg2[%dma_wait3A_183] : memref<16777216xf32, #tpu.memory_space<hbm>> -> memref<2048xf32, #tpu.memory_space<hbm>>
        %dma_wait3A_185 = arith.constant 0 : i32
        %dma_wait3A_186 = tpu.memref_slice %arg2[%dma_wait3A_185] : memref<16777216xf32, #tpu.memory_space<hbm>> -> memref<2048xf32, #tpu.memory_space<hbm>>
        tpu.wait_dma2 semaphore(%arg21 : memref<!tpu.dma_semaphore, #tpu.memory_space<semaphore_mem>>) src(%dma_wait3A_186 : memref<2048xf32, #tpu.memory_space<hbm>>) dst(%arg13 : memref<2048xf32, #tpu.memory_space<vmem>>)
        %parallel_loop3A_187 = arith.constant 0 : i32
        %parallel_loop3A_188 = arith.constant 128 : i32
        %parallel_loop3A_189 = arith.constant 1 : i32
        scf.for %parallel_loop3A_220 = %parallel_loop3A_187 to %parallel_loop3A_188 step %parallel_loop3A_189  : i32 {
          %parallel_loop3A_221 = arith.constant 16 : i32
          %parallel_loop3A_222 = arith.muli %parallel_loop3A_220, %parallel_loop3A_221 : i32
          %parallel_loop3A_223 = arith.index_cast %parallel_loop3A_222 : i32 to index
          %parallel_loop3A_224 = tpu.vector_load %arg9[%parallel_loop3A_223] {strides = array<i32>} : memref<2048xi32, #tpu.memory_space<vmem>>, vector<16xi32>,
          %parallel_loop3A_225 = arith.index_cast %parallel_loop3A_222 : i32 to index
          %parallel_loop3A_226 = tpu.vector_load %arg11[%parallel_loop3A_225] {strides = array<i32>} : memref<2048xf32, #tpu.memory_space<vmem>>, vector<16xf32>,
          tpu.vector_store_idx %arg6[%parallel_loop3A_224], %parallel_loop3A_226 {add = true} : memref<32768xf32, #tpu.memory_space<vmem>>[vector<16xi32>], vector<16xf32>,
          %parallel_loop3A_227 = arith.index_cast %parallel_loop3A_222 : i32 to index
          %parallel_loop3A_228 = tpu.vector_load %arg13[%parallel_loop3A_227] {strides = array<i32>} : memref<2048xf32, #tpu.memory_space<vmem>>, vector<16xf32>,
          tpu.vector_store_idx %arg7[%parallel_loop3A_224], %parallel_loop3A_228 {add = true} : memref<32768xf32, #tpu.memory_space<vmem>>[vector<16xi32>], vector<16xf32>,
          tpu.vector_store_idx %arg8[%parallel_loop3A_224], %broadcast_in_dim3A_7 {add = true} : memref<32768xf32, #tpu.memory_space<vmem>>[vector<16xi32>], vector<16xf32>,
        } {sc.loop_unroll_factor = 16 : i64, sc.parallel_access}
        %add3A_190 = arith.constant 2 : i32
        %add3A_191 = arith.addi %add3A_174, %add3A_190 : i32
        %lt3A = arith.constant 32 : i32
        %lt3A_192 = arith.cmpi slt, %add3A_191, %lt3A : i32
        %convert_element_type3A = arith.extui %lt3A_192 : i1 to i32
        %cond3A = arith.constant 0 : i32
        %cond3A_193 = arith.cmpi ne, %convert_element_type3A, %cond3A : i32
        scf.if %cond3A_193 {
          %add3A_220 = arith.constant 2 : i32
          %add3A_221 = arith.addi %add3A_174, %add3A_220 : i32
          %mul3A_222 = arith.constant 2048 : i32
          %mul3A_223 = arith.muli %add3A_221, %mul3A_222 : i32
          %mul3A_224 = arith.constant 2 : i32
          %mul3A_225 = arith.muli %scan3A_12, %mul3A_224 : i32
          %add3A_226 = arith.constant 1 : i32
          %add3A_227 = arith.addi %mul3A_225, %add3A_226 : i32
          %mul3A_228 = arith.constant 65536 : i32
          %mul3A_229 = arith.muli %add3A_227, %mul3A_228 : i32
          %add3A_230 = arith.addi %mul3A_229, %mul3A_223 : i32
          %dma_start3A_231 = tpu.memref_slice %arg3[%add3A_230] : memref<524288xi32, #tpu.memory_space<hbm>> -> memref<2048xi32, #tpu.memory_space<hbm>>
          %dma_start3A_232 = tpu.memref_slice %arg3[%add3A_230] : memref<524288xi32, #tpu.memory_space<hbm>> -> memref<2048xi32, #tpu.memory_space<hbm>>
          tpu.enqueue_dma source(%dma_start3A_232 : memref<2048xi32, #tpu.memory_space<hbm>>) target(%arg9 : memref<2048xi32, #tpu.memory_space<vmem>>) target_semaphore(%arg21 : memref<!tpu.dma_semaphore, #tpu.memory_space<semaphore_mem>>)
          %mul3A_233 = arith.constant 64 : i32
          %mul3A_234 = arith.muli %scan3A_12, %mul3A_233 : i32
          %add3A_235 = arith.addi %mul3A_234, %mul3A_2 : i32
          %mul3A_236 = arith.constant 65536 : i32
          %mul3A_237 = arith.muli %add3A_235, %mul3A_236 : i32
          %add3A_238 = arith.addi %mul3A_237, %mul3A_223 : i32
          %dma_start3A_239 = tpu.memref_slice %arg2[%add3A_238] : memref<16777216xf32, #tpu.memory_space<hbm>> -> memref<2048xf32, #tpu.memory_space<hbm>>
          %dma_start3A_240 = tpu.memref_slice %arg2[%add3A_238] : memref<16777216xf32, #tpu.memory_space<hbm>> -> memref<2048xf32, #tpu.memory_space<hbm>>
          tpu.enqueue_dma source(%dma_start3A_240 : memref<2048xf32, #tpu.memory_space<hbm>>) target(%arg11 : memref<2048xf32, #tpu.memory_space<vmem>>) target_semaphore(%arg21 : memref<!tpu.dma_semaphore, #tpu.memory_space<semaphore_mem>>)
          %mul3A_241 = arith.constant 64 : i32
          %mul3A_242 = arith.muli %scan3A_12, %mul3A_241 : i32
          %add3A_243 = arith.addi %mul3A_242, %add3A_4 : i32
          %mul3A_244 = arith.constant 65536 : i32
          %mul3A_245 = arith.muli %add3A_243, %mul3A_244 : i32
          %add3A_246 = arith.addi %mul3A_245, %mul3A_223 : i32
          %dma_start3A_247 = tpu.memref_slice %arg2[%add3A_246] : memref<16777216xf32, #tpu.memory_space<hbm>> -> memref<2048xf32, #tpu.memory_space<hbm>>
          %dma_start3A_248 = tpu.memref_slice %arg2[%add3A_246] : memref<16777216xf32, #tpu.memory_space<hbm>> -> memref<2048xf32, #tpu.memory_space<hbm>>
          tpu.enqueue_dma source(%dma_start3A_248 : memref<2048xf32, #tpu.memory_space<hbm>>) target(%arg13 : memref<2048xf32, #tpu.memory_space<vmem>>) target_semaphore(%arg21 : memref<!tpu.dma_semaphore, #tpu.memory_space<semaphore_mem>>)
        } else {
        }
        %mul3A_194 = arith.constant 2 : i32
        %mul3A_195 = arith.muli %scan3A_170, %mul3A_194 : i32
        %add3A_196 = arith.constant 1 : i32
        %add3A_197 = arith.addi %mul3A_195, %add3A_196 : i32
        %dma_wait3A_198 = arith.constant 0 : i32
        %dma_wait3A_199 = tpu.memref_slice %arg3[%dma_wait3A_198] : memref<524288xi32, #tpu.memory_space<hbm>> -> memref<2048xi32, #tpu.memory_space<hbm>>
        %dma_wait3A_200 = arith.constant 0 : i32
        %dma_wait3A_201 = tpu.memref_slice %arg3[%dma_wait3A_200] : memref<524288xi32, #tpu.memory_space<hbm>> -> memref<2048xi32, #tpu.memory_space<hbm>>
        tpu.wait_dma2 semaphore(%arg22 : memref<!tpu.dma_semaphore, #tpu.memory_space<semaphore_mem>>) src(%dma_wait3A_201 : memref<2048xi32, #tpu.memory_space<hbm>>) dst(%arg10 : memref<2048xi32, #tpu.memory_space<vmem>>)
        %dma_wait3A_202 = arith.constant 0 : i32
        %dma_wait3A_203 = tpu.memref_slice %arg2[%dma_wait3A_202] : memref<16777216xf32, #tpu.memory_space<hbm>> -> memref<2048xf32, #tpu.memory_space<hbm>>
        %dma_wait3A_204 = arith.constant 0 : i32
        %dma_wait3A_205 = tpu.memref_slice %arg2[%dma_wait3A_204] : memref<16777216xf32, #tpu.memory_space<hbm>> -> memref<2048xf32, #tpu.memory_space<hbm>>
        tpu.wait_dma2 semaphore(%arg22 : memref<!tpu.dma_semaphore, #tpu.memory_space<semaphore_mem>>) src(%dma_wait3A_205 : memref<2048xf32, #tpu.memory_space<hbm>>) dst(%arg12 : memref<2048xf32, #tpu.memory_space<vmem>>)
        %dma_wait3A_206 = arith.constant 0 : i32
        %dma_wait3A_207 = tpu.memref_slice %arg2[%dma_wait3A_206] : memref<16777216xf32, #tpu.memory_space<hbm>> -> memref<2048xf32, #tpu.memory_space<hbm>>
        %dma_wait3A_208 = arith.constant 0 : i32
        %dma_wait3A_209 = tpu.memref_slice %arg2[%dma_wait3A_208] : memref<16777216xf32, #tpu.memory_space<hbm>> -> memref<2048xf32, #tpu.memory_space<hbm>>
        tpu.wait_dma2 semaphore(%arg22 : memref<!tpu.dma_semaphore, #tpu.memory_space<semaphore_mem>>) src(%dma_wait3A_209 : memref<2048xf32, #tpu.memory_space<hbm>>) dst(%arg14 : memref<2048xf32, #tpu.memory_space<vmem>>)
        %parallel_loop3A_210 = arith.constant 0 : i32
        %parallel_loop3A_211 = arith.constant 128 : i32
        %parallel_loop3A_212 = arith.constant 1 : i32
        scf.for %parallel_loop3A_220 = %parallel_loop3A_210 to %parallel_loop3A_211 step %parallel_loop3A_212  : i32 {
          %parallel_loop3A_221 = arith.constant 16 : i32
          %parallel_loop3A_222 = arith.muli %parallel_loop3A_220, %parallel_loop3A_221 : i32
          %parallel_loop3A_223 = arith.index_cast %parallel_loop3A_222 : i32 to index
          %parallel_loop3A_224 = tpu.vector_load %arg10[%parallel_loop3A_223] {strides = array<i32>} : memref<2048xi32, #tpu.memory_space<vmem>>, vector<16xi32>,
          %parallel_loop3A_225 = arith.index_cast %parallel_loop3A_222 : i32 to index
          %parallel_loop3A_226 = tpu.vector_load %arg12[%parallel_loop3A_225] {strides = array<i32>} : memref<2048xf32, #tpu.memory_space<vmem>>, vector<16xf32>,
          tpu.vector_store_idx %arg6[%parallel_loop3A_224], %parallel_loop3A_226 {add = true} : memref<32768xf32, #tpu.memory_space<vmem>>[vector<16xi32>], vector<16xf32>,
          %parallel_loop3A_227 = arith.index_cast %parallel_loop3A_222 : i32 to index
          %parallel_loop3A_228 = tpu.vector_load %arg14[%parallel_loop3A_227] {strides = array<i32>} : memref<2048xf32, #tpu.memory_space<vmem>>, vector<16xf32>,
          tpu.vector_store_idx %arg7[%parallel_loop3A_224], %parallel_loop3A_228 {add = true} : memref<32768xf32, #tpu.memory_space<vmem>>[vector<16xi32>], vector<16xf32>,
          tpu.vector_store_idx %arg8[%parallel_loop3A_224], %broadcast_in_dim3A_7 {add = true} : memref<32768xf32, #tpu.memory_space<vmem>>[vector<16xi32>], vector<16xf32>,
        } {sc.loop_unroll_factor = 16 : i64, sc.parallel_access}
        %add3A_213 = arith.constant 2 : i32
        %add3A_214 = arith.addi %add3A_197, %add3A_213 : i32
        %lt3A_215 = arith.constant 32 : i32
        %lt3A_216 = arith.cmpi slt, %add3A_214, %lt3A_215 : i32
        %convert_element_type3A_217 = arith.extui %lt3A_216 : i1 to i32
        %cond3A_218 = arith.constant 0 : i32
        %cond3A_219 = arith.cmpi ne, %convert_element_type3A_217, %cond3A_218 : i32
        scf.if %cond3A_219 {
          %add3A_220 = arith.constant 2 : i32
          %add3A_221 = arith.addi %add3A_197, %add3A_220 : i32
          %mul3A_222 = arith.constant 2048 : i32
          %mul3A_223 = arith.muli %add3A_221, %mul3A_222 : i32
          %mul3A_224 = arith.constant 2 : i32
          %mul3A_225 = arith.muli %scan3A_12, %mul3A_224 : i32
          %add3A_226 = arith.constant 1 : i32
          %add3A_227 = arith.addi %mul3A_225, %add3A_226 : i32
          %mul3A_228 = arith.constant 65536 : i32
          %mul3A_229 = arith.muli %add3A_227, %mul3A_228 : i32
          %add3A_230 = arith.addi %mul3A_229, %mul3A_223 : i32
          %dma_start3A_231 = tpu.memref_slice %arg3[%add3A_230] : memref<524288xi32, #tpu.memory_space<hbm>> -> memref<2048xi32, #tpu.memory_space<hbm>>
          %dma_start3A_232 = tpu.memref_slice %arg3[%add3A_230] : memref<524288xi32, #tpu.memory_space<hbm>> -> memref<2048xi32, #tpu.memory_space<hbm>>
          tpu.enqueue_dma source(%dma_start3A_232 : memref<2048xi32, #tpu.memory_space<hbm>>) target(%arg10 : memref<2048xi32, #tpu.memory_space<vmem>>) target_semaphore(%arg22 : memref<!tpu.dma_semaphore, #tpu.memory_space<semaphore_mem>>)
          %mul3A_233 = arith.constant 64 : i32
          %mul3A_234 = arith.muli %scan3A_12, %mul3A_233 : i32
          %add3A_235 = arith.addi %mul3A_234, %mul3A_2 : i32
          %mul3A_236 = arith.constant 65536 : i32
          %mul3A_237 = arith.muli %add3A_235, %mul3A_236 : i32
          %add3A_238 = arith.addi %mul3A_237, %mul3A_223 : i32
          %dma_start3A_239 = tpu.memref_slice %arg2[%add3A_238] : memref<16777216xf32, #tpu.memory_space<hbm>> -> memref<2048xf32, #tpu.memory_space<hbm>>
          %dma_start3A_240 = tpu.memref_slice %arg2[%add3A_238] : memref<16777216xf32, #tpu.memory_space<hbm>> -> memref<2048xf32, #tpu.memory_space<hbm>>
          tpu.enqueue_dma source(%dma_start3A_240 : memref<2048xf32, #tpu.memory_space<hbm>>) target(%arg12 : memref<2048xf32, #tpu.memory_space<vmem>>) target_semaphore(%arg22 : memref<!tpu.dma_semaphore, #tpu.memory_space<semaphore_mem>>)
          %mul3A_241 = arith.constant 64 : i32
          %mul3A_242 = arith.muli %scan3A_12, %mul3A_241 : i32
          %add3A_243 = arith.addi %mul3A_242, %add3A_4 : i32
          %mul3A_244 = arith.constant 65536 : i32
          %mul3A_245 = arith.muli %add3A_243, %mul3A_244 : i32
          %add3A_246 = arith.addi %mul3A_245, %mul3A_223 : i32
          %dma_start3A_247 = tpu.memref_slice %arg2[%add3A_246] : memref<16777216xf32, #tpu.memory_space<hbm>> -> memref<2048xf32, #tpu.memory_space<hbm>>
          %dma_start3A_248 = tpu.memref_slice %arg2[%add3A_246] : memref<16777216xf32, #tpu.memory_space<hbm>> -> memref<2048xf32, #tpu.memory_space<hbm>>
          tpu.enqueue_dma source(%dma_start3A_248 : memref<2048xf32, #tpu.memory_space<hbm>>) target(%arg14 : memref<2048xf32, #tpu.memory_space<vmem>>) target_semaphore(%arg22 : memref<!tpu.dma_semaphore, #tpu.memory_space<semaphore_mem>>)
        } else {
        }
      }
      %scan3A_74 = arith.constant 16 : i32
      %parallel_loop3A_75 = arith.constant 0 : i32
      %parallel_loop3A_76 = arith.constant 2048 : i32
      %parallel_loop3A_77 = arith.constant 1 : i32
      scf.for %parallel_loop3A_170 = %parallel_loop3A_75 to %parallel_loop3A_76 step %parallel_loop3A_77  : i32 {
        %parallel_loop3A_171 = arith.constant 16 : i32
        %parallel_loop3A_172 = arith.muli %parallel_loop3A_170, %parallel_loop3A_171 : i32
        %parallel_loop3A_173 = arith.index_cast %parallel_loop3A_172 : i32 to index
        %parallel_loop3A_174 = tpu.vector_load %arg8[%parallel_loop3A_173] {strides = array<i32>} : memref<32768xf32, #tpu.memory_space<vmem>>, vector<16xf32>,
        %parallel_loop3A_175 = arith.constant 1.000000e+00 : f32
        %parallel_loop3A_176 = vector.broadcast %parallel_loop3A_175 : f32 to vector<16xf32>
        %parallel_loop3A_177 = arith.maximumf %parallel_loop3A_174, %parallel_loop3A_176 : vector<16xf32>
        %parallel_loop3A_178 = arith.index_cast %parallel_loop3A_172 : i32 to index
        %parallel_loop3A_179 = tpu.vector_load %arg6[%parallel_loop3A_178] {strides = array<i32>} : memref<32768xf32, #tpu.memory_space<vmem>>, vector<16xf32>,
        %parallel_loop3A_180 = arith.divf %parallel_loop3A_179, %parallel_loop3A_177 : vector<16xf32>
        %parallel_loop3A_181 = arith.index_cast %parallel_loop3A_172 : i32 to index
        %parallel_loop3A_182 = tpu.vector_load %arg6[%parallel_loop3A_181] {strides = array<i32>} : memref<32768xf32, #tpu.memory_space<vmem>>, vector<16xf32>,
        tpu.vector_store %arg6[%parallel_loop3A_181], %parallel_loop3A_180 {strides = array<i32>} : memref<32768xf32, #tpu.memory_space<vmem>>, vector<16xf32>,
        %parallel_loop3A_183 = arith.index_cast %parallel_loop3A_172 : i32 to index
        %parallel_loop3A_184 = tpu.vector_load %arg7[%parallel_loop3A_183] {strides = array<i32>} : memref<32768xf32, #tpu.memory_space<vmem>>, vector<16xf32>,
        %parallel_loop3A_185 = arith.divf %parallel_loop3A_184, %parallel_loop3A_177 : vector<16xf32>
        %parallel_loop3A_186 = arith.index_cast %parallel_loop3A_172 : i32 to index
        %parallel_loop3A_187 = tpu.vector_load %arg7[%parallel_loop3A_186] {strides = array<i32>} : memref<32768xf32, #tpu.memory_space<vmem>>, vector<16xf32>,
        tpu.vector_store %arg7[%parallel_loop3A_186], %parallel_loop3A_185 {strides = array<i32>} : memref<32768xf32, #tpu.memory_space<vmem>>, vector<16xf32>,
      } {sc.loop_unroll_factor = 4 : i64, sc.parallel_access}
      %mul3A_78 = arith.constant 2 : i32
      %mul3A_79 = arith.muli %scan3A_12, %mul3A_78 : i32
      %mul3A_80 = arith.constant 65536 : i32
      %mul3A_81 = arith.muli %mul3A_79, %mul3A_80 : i32
      %add3A_82 = arith.constant 0 : i32
      %add3A_83 = arith.addi %mul3A_81, %add3A_82 : i32
      %dma_start3A_84 = tpu.memref_slice %arg3[%add3A_83] : memref<524288xi32, #tpu.memory_space<hbm>> -> memref<2048xi32, #tpu.memory_space<hbm>>
      %dma_start3A_85 = tpu.memref_slice %arg3[%add3A_83] : memref<524288xi32, #tpu.memory_space<hbm>> -> memref<2048xi32, #tpu.memory_space<hbm>>
      tpu.enqueue_dma source(%dma_start3A_85 : memref<2048xi32, #tpu.memory_space<hbm>>) target(%arg9 : memref<2048xi32, #tpu.memory_space<vmem>>) target_semaphore(%arg21 : memref<!tpu.dma_semaphore, #tpu.memory_space<semaphore_mem>>)
      %mul3A_86 = arith.constant 3 : i32
      %mul3A_87 = arith.muli %scan3A_12, %mul3A_86 : i32
      %mul3A_88 = arith.constant 65536 : i32
      %mul3A_89 = arith.muli %mul3A_87, %mul3A_88 : i32
      %add3A_90 = arith.constant 0 : i32
      %add3A_91 = arith.addi %mul3A_89, %add3A_90 : i32
      %dma_start3A_92 = tpu.memref_slice %arg4[%add3A_91] : memref<786432xf32, #tpu.memory_space<hbm>> -> memref<2048xf32, #tpu.memory_space<hbm>>
      %dma_start3A_93 = tpu.memref_slice %arg4[%add3A_91] : memref<786432xf32, #tpu.memory_space<hbm>> -> memref<2048xf32, #tpu.memory_space<hbm>>
      tpu.enqueue_dma source(%dma_start3A_93 : memref<2048xf32, #tpu.memory_space<hbm>>) target(%arg11 : memref<2048xf32, #tpu.memory_space<vmem>>) target_semaphore(%arg21 : memref<!tpu.dma_semaphore, #tpu.memory_space<semaphore_mem>>)
      %mul3A_94 = arith.constant 3 : i32
      %mul3A_95 = arith.muli %scan3A_12, %mul3A_94 : i32
      %add3A_96 = arith.constant 1 : i32
      %add3A_97 = arith.addi %mul3A_95, %add3A_96 : i32
      %mul3A_98 = arith.constant 65536 : i32
      %mul3A_99 = arith.muli %add3A_97, %mul3A_98 : i32
      %add3A_100 = arith.constant 0 : i32
      %add3A_101 = arith.addi %mul3A_99, %add3A_100 : i32
      %dma_start3A_102 = tpu.memref_slice %arg4[%add3A_101] : memref<786432xf32, #tpu.memory_space<hbm>> -> memref<2048xf32, #tpu.memory_space<hbm>>
      %dma_start3A_103 = tpu.memref_slice %arg4[%add3A_101] : memref<786432xf32, #tpu.memory_space<hbm>> -> memref<2048xf32, #tpu.memory_space<hbm>>
      tpu.enqueue_dma source(%dma_start3A_103 : memref<2048xf32, #tpu.memory_space<hbm>>) target(%arg13 : memref<2048xf32, #tpu.memory_space<vmem>>) target_semaphore(%arg21 : memref<!tpu.dma_semaphore, #tpu.memory_space<semaphore_mem>>)
      %mul3A_104 = arith.constant 3 : i32
      %mul3A_105 = arith.muli %scan3A_12, %mul3A_104 : i32
      %add3A_106 = arith.constant 2 : i32
      %add3A_107 = arith.addi %mul3A_105, %add3A_106 : i32
      %mul3A_108 = arith.constant 65536 : i32
      %mul3A_109 = arith.muli %add3A_107, %mul3A_108 : i32
      %add3A_110 = arith.constant 0 : i32
      %add3A_111 = arith.addi %mul3A_109, %add3A_110 : i32
      %dma_start3A_112 = tpu.memref_slice %arg4[%add3A_111] : memref<786432xf32, #tpu.memory_space<hbm>> -> memref<2048xf32, #tpu.memory_space<hbm>>
      %dma_start3A_113 = tpu.memref_slice %arg4[%add3A_111] : memref<786432xf32, #tpu.memory_space<hbm>> -> memref<2048xf32, #tpu.memory_space<hbm>>
      tpu.enqueue_dma source(%dma_start3A_113 : memref<2048xf32, #tpu.memory_space<hbm>>) target(%arg15 : memref<2048xf32, #tpu.memory_space<vmem>>) target_semaphore(%arg21 : memref<!tpu.dma_semaphore, #tpu.memory_space<semaphore_mem>>)
      %mul3A_114 = arith.constant 2 : i32
      %mul3A_115 = arith.muli %scan3A_12, %mul3A_114 : i32
      %mul3A_116 = arith.constant 65536 : i32
      %mul3A_117 = arith.muli %mul3A_115, %mul3A_116 : i32
      %add3A_118 = arith.constant 2048 : i32
      %add3A_119 = arith.addi %mul3A_117, %add3A_118 : i32
      %dma_start3A_120 = tpu.memref_slice %arg3[%add3A_119] : memref<524288xi32, #tpu.memory_space<hbm>> -> memref<2048xi32, #tpu.memory_space<hbm>>
      %dma_start3A_121 = tpu.memref_slice %arg3[%add3A_119] : memref<524288xi32, #tpu.memory_space<hbm>> -> memref<2048xi32, #tpu.memory_space<hbm>>
      tpu.enqueue_dma source(%dma_start3A_121 : memref<2048xi32, #tpu.memory_space<hbm>>) target(%arg10 : memref<2048xi32, #tpu.memory_space<vmem>>) target_semaphore(%arg22 : memref<!tpu.dma_semaphore, #tpu.memory_space<semaphore_mem>>)
      %mul3A_122 = arith.constant 3 : i32
      %mul3A_123 = arith.muli %scan3A_12, %mul3A_122 : i32
      %mul3A_124 = arith.constant 65536 : i32
      %mul3A_125 = arith.muli %mul3A_123, %mul3A_124 : i32
      %add3A_126 = arith.constant 2048 : i32
      %add3A_127 = arith.addi %mul3A_125, %add3A_126 : i32
      %dma_start3A_128 = tpu.memref_slice %arg4[%add3A_127] : memref<786432xf32, #tpu.memory_space<hbm>> -> memref<2048xf32, #tpu.memory_space<hbm>>
      %dma_start3A_129 = tpu.memref_slice %arg4[%add3A_127] : memref<786432xf32, #tpu.memory_space<hbm>> -> memref<2048xf32, #tpu.memory_space<hbm>>
      tpu.enqueue_dma source(%dma_start3A_129 : memref<2048xf32, #tpu.memory_space<hbm>>) target(%arg12 : memref<2048xf32, #tpu.memory_space<vmem>>) target_semaphore(%arg22 : memref<!tpu.dma_semaphore, #tpu.memory_space<semaphore_mem>>)
      %mul3A_130 = arith.constant 3 : i32
      %mul3A_131 = arith.muli %scan3A_12, %mul3A_130 : i32
      %add3A_132 = arith.constant 1 : i32
      %add3A_133 = arith.addi %mul3A_131, %add3A_132 : i32
      %mul3A_134 = arith.constant 65536 : i32
      %mul3A_135 = arith.muli %add3A_133, %mul3A_134 : i32
      %add3A_136 = arith.constant 2048 : i32
      %add3A_137 = arith.addi %mul3A_135, %add3A_136 : i32
      %dma_start3A_138 = tpu.memref_slice %arg4[%add3A_137] : memref<786432xf32, #tpu.memory_space<hbm>> -> memref<2048xf32, #tpu.memory_space<hbm>>
      %dma_start3A_139 = tpu.memref_slice %arg4[%add3A_137] : memref<786432xf32, #tpu.memory_space<hbm>> -> memref<2048xf32, #tpu.memory_space<hbm>>
      tpu.enqueue_dma source(%dma_start3A_139 : memref<2048xf32, #tpu.memory_space<hbm>>) target(%arg14 : memref<2048xf32, #tpu.memory_space<vmem>>) target_semaphore(%arg22 : memref<!tpu.dma_semaphore, #tpu.memory_space<semaphore_mem>>)
      %mul3A_140 = arith.constant 3 : i32
      %mul3A_141 = arith.muli %scan3A_12, %mul3A_140 : i32
      %add3A_142 = arith.constant 2 : i32
      %add3A_143 = arith.addi %mul3A_141, %add3A_142 : i32
      %mul3A_144 = arith.constant 65536 : i32
      %mul3A_145 = arith.muli %add3A_143, %mul3A_144 : i32
      %add3A_146 = arith.constant 2048 : i32
      %add3A_147 = arith.addi %mul3A_145, %add3A_146 : i32
      %dma_start3A_148 = tpu.memref_slice %arg4[%add3A_147] : memref<786432xf32, #tpu.memory_space<hbm>> -> memref<2048xf32, #tpu.memory_space<hbm>>
      %dma_start3A_149 = tpu.memref_slice %arg4[%add3A_147] : memref<786432xf32, #tpu.memory_space<hbm>> -> memref<2048xf32, #tpu.memory_space<hbm>>
      tpu.enqueue_dma source(%dma_start3A_149 : memref<2048xf32, #tpu.memory_space<hbm>>) target(%arg16 : memref<2048xf32, #tpu.memory_space<vmem>>) target_semaphore(%arg22 : memref<!tpu.dma_semaphore, #tpu.memory_space<semaphore_mem>>)
      %scan3A_150 = arith.constant 0 : i32
      %scan3A_151 = arith.constant 16 : i32
      %scan3A_152 = arith.addi %scan3A_150, %scan3A_151 : i32
      %scan3A_153 = arith.constant 1 : i32
      scf.for %scan3A_170 = %scan3A_150 to %scan3A_152 step %scan3A_153  : i32 {
        %mul3A_171 = arith.constant 2 : i32
        %mul3A_172 = arith.muli %scan3A_170, %mul3A_171 : i32
        %add3A_173 = arith.constant 0 : i32
        %add3A_174 = arith.addi %mul3A_172, %add3A_173 : i32
        %dma_wait3A_175 = arith.constant 0 : i32
        %dma_wait3A_176 = tpu.memref_slice %arg3[%dma_wait3A_175] : memref<524288xi32, #tpu.memory_space<hbm>> -> memref<2048xi32, #tpu.memory_space<hbm>>
        %dma_wait3A_177 = arith.constant 0 : i32
        %dma_wait3A_178 = tpu.memref_slice %arg3[%dma_wait3A_177] : memref<524288xi32, #tpu.memory_space<hbm>> -> memref<2048xi32, #tpu.memory_space<hbm>>
        tpu.wait_dma2 semaphore(%arg21 : memref<!tpu.dma_semaphore, #tpu.memory_space<semaphore_mem>>) src(%dma_wait3A_178 : memref<2048xi32, #tpu.memory_space<hbm>>) dst(%arg9 : memref<2048xi32, #tpu.memory_space<vmem>>)
        %dma_wait3A_179 = arith.constant 0 : i32
        %dma_wait3A_180 = tpu.memref_slice %arg4[%dma_wait3A_179] : memref<786432xf32, #tpu.memory_space<hbm>> -> memref<2048xf32, #tpu.memory_space<hbm>>
        %dma_wait3A_181 = arith.constant 0 : i32
        %dma_wait3A_182 = tpu.memref_slice %arg4[%dma_wait3A_181] : memref<786432xf32, #tpu.memory_space<hbm>> -> memref<2048xf32, #tpu.memory_space<hbm>>
        tpu.wait_dma2 semaphore(%arg21 : memref<!tpu.dma_semaphore, #tpu.memory_space<semaphore_mem>>) src(%dma_wait3A_182 : memref<2048xf32, #tpu.memory_space<hbm>>) dst(%arg11 : memref<2048xf32, #tpu.memory_space<vmem>>)
        %dma_wait3A_183 = arith.constant 0 : i32
        %dma_wait3A_184 = tpu.memref_slice %arg4[%dma_wait3A_183] : memref<786432xf32, #tpu.memory_space<hbm>> -> memref<2048xf32, #tpu.memory_space<hbm>>
        %dma_wait3A_185 = arith.constant 0 : i32
        %dma_wait3A_186 = tpu.memref_slice %arg4[%dma_wait3A_185] : memref<786432xf32, #tpu.memory_space<hbm>> -> memref<2048xf32, #tpu.memory_space<hbm>>
        tpu.wait_dma2 semaphore(%arg21 : memref<!tpu.dma_semaphore, #tpu.memory_space<semaphore_mem>>) src(%dma_wait3A_186 : memref<2048xf32, #tpu.memory_space<hbm>>) dst(%arg13 : memref<2048xf32, #tpu.memory_space<vmem>>)
        %dma_wait3A_187 = arith.constant 0 : i32
        %dma_wait3A_188 = tpu.memref_slice %arg4[%dma_wait3A_187] : memref<786432xf32, #tpu.memory_space<hbm>> -> memref<2048xf32, #tpu.memory_space<hbm>>
        %dma_wait3A_189 = arith.constant 0 : i32
        %dma_wait3A_190 = tpu.memref_slice %arg4[%dma_wait3A_189] : memref<786432xf32, #tpu.memory_space<hbm>> -> memref<2048xf32, #tpu.memory_space<hbm>>
        tpu.wait_dma2 semaphore(%arg21 : memref<!tpu.dma_semaphore, #tpu.memory_space<semaphore_mem>>) src(%dma_wait3A_190 : memref<2048xf32, #tpu.memory_space<hbm>>) dst(%arg15 : memref<2048xf32, #tpu.memory_space<vmem>>)
        %ge3A = arith.constant 2 : i32
        %ge3A_191 = arith.cmpi sge, %add3A_174, %ge3A : i32
        %convert_element_type3A = arith.extui %ge3A_191 : i1 to i32
        %cond3A = arith.constant 0 : i32
        %cond3A_192 = arith.cmpi ne, %convert_element_type3A, %cond3A : i32
        scf.if %cond3A_192 {
          %dma_wait3A_273 = arith.constant 0 : i32
          %dma_wait3A_274 = tpu.memref_slice %arg5[%dma_wait3A_273] : memref<16777216xf32, #tpu.memory_space<hbm>> -> memref<2048xf32, #tpu.memory_space<hbm>>
          %dma_wait3A_275 = arith.constant 0 : i32
          %dma_wait3A_276 = tpu.memref_slice %arg5[%dma_wait3A_275] : memref<16777216xf32, #tpu.memory_space<hbm>> -> memref<2048xf32, #tpu.memory_space<hbm>>
          tpu.wait_dma2 semaphore(%arg23 : memref<!tpu.dma_semaphore, #tpu.memory_space<semaphore_mem>>) src(%arg17 : memref<2048xf32, #tpu.memory_space<vmem>>) dst(%dma_wait3A_276 : memref<2048xf32, #tpu.memory_space<hbm>>)
          %dma_wait3A_277 = arith.constant 0 : i32
          %dma_wait3A_278 = tpu.memref_slice %arg5[%dma_wait3A_277] : memref<16777216xf32, #tpu.memory_space<hbm>> -> memref<2048xf32, #tpu.memory_space<hbm>>
          %dma_wait3A_279 = arith.constant 0 : i32
          %dma_wait3A_280 = tpu.memref_slice %arg5[%dma_wait3A_279] : memref<16777216xf32, #tpu.memory_space<hbm>> -> memref<2048xf32, #tpu.memory_space<hbm>>
          tpu.wait_dma2 semaphore(%arg23 : memref<!tpu.dma_semaphore, #tpu.memory_space<semaphore_mem>>) src(%arg19 : memref<2048xf32, #tpu.memory_space<vmem>>) dst(%dma_wait3A_280 : memref<2048xf32, #tpu.memory_space<hbm>>)
        } else {
        }
        %parallel_loop3A_193 = arith.constant 0 : i32
        %parallel_loop3A_194 = arith.constant 128 : i32
        %parallel_loop3A_195 = arith.constant 1 : i32
        scf.for %parallel_loop3A_273 = %parallel_loop3A_193 to %parallel_loop3A_194 step %parallel_loop3A_195  : i32 {
          %parallel_loop3A_274 = arith.constant 16 : i32
          %parallel_loop3A_275 = arith.muli %parallel_loop3A_273, %parallel_loop3A_274 : i32
          %parallel_loop3A_276 = arith.index_cast %parallel_loop3A_275 : i32 to index
          %parallel_loop3A_277 = tpu.vector_load %arg9[%parallel_loop3A_276] {strides = array<i32>} : memref<2048xi32, #tpu.memory_space<vmem>>, vector<16xi32>,
          %parallel_loop3A_278 = arith.index_cast %parallel_loop3A_275 : i32 to index
          %parallel_loop3A_279 = tpu.vector_load %arg11[%parallel_loop3A_278] {strides = array<i32>} : memref<2048xf32, #tpu.memory_space<vmem>>, vector<16xf32>,
          %parallel_loop3A_280 = arith.index_cast %parallel_loop3A_275 : i32 to index
          %parallel_loop3A_281 = tpu.vector_load %arg13[%parallel_loop3A_280] {strides = array<i32>} : memref<2048xf32, #tpu.memory_space<vmem>>, vector<16xf32>,
          %parallel_loop3A_282 = arith.index_cast %parallel_loop3A_275 : i32 to index
          %parallel_loop3A_283 = tpu.vector_load %arg15[%parallel_loop3A_282] {strides = array<i32>} : memref<2048xf32, #tpu.memory_space<vmem>>, vector<16xf32>,
          %parallel_loop3A_284 = arith.constant 31744 : i32
          %parallel_loop3A_285 = vector.broadcast %parallel_loop3A_284 : i32 to vector<16xi32>
          %parallel_loop3A_286 = arith.cmpi slt, %parallel_loop3A_277, %parallel_loop3A_285 : vector<16xi32>
          %parallel_loop3A_287 = arith.constant 1024 : i32
          %parallel_loop3A_288 = arith.constant 0 : i32
          %parallel_loop3A_289 = vector.broadcast %parallel_loop3A_287 : i32 to vector<16xi32>
          %parallel_loop3A_290 = vector.broadcast %parallel_loop3A_288 : i32 to vector<16xi32>
          %parallel_loop3A_291 = arith.select %parallel_loop3A_286, %parallel_loop3A_289, %parallel_loop3A_290 : vector<16xi1>, vector<16xi32>
          %parallel_loop3A_292 = arith.constant 1023 : i32
          %parallel_loop3A_293 = vector.broadcast %parallel_loop3A_292 : i32 to vector<16xi32>
          %parallel_loop3A_294 = arith.andi %parallel_loop3A_277, %parallel_loop3A_293 : vector<16xi32>
          %parallel_loop3A_295 = arith.constant 992 : i32
          %parallel_loop3A_296 = vector.broadcast %parallel_loop3A_295 : i32 to vector<16xi32>
          %parallel_loop3A_297 = arith.cmpi slt, %parallel_loop3A_294, %parallel_loop3A_296 : vector<16xi32>
          %parallel_loop3A_298 = arith.constant 32 : i32
          %parallel_loop3A_299 = arith.constant 0 : i32
          %parallel_loop3A_300 = vector.broadcast %parallel_loop3A_298 : i32 to vector<16xi32>
          %parallel_loop3A_301 = vector.broadcast %parallel_loop3A_299 : i32 to vector<16xi32>
          %parallel_loop3A_302 = arith.select %parallel_loop3A_297, %parallel_loop3A_300, %parallel_loop3A_301 : vector<16xi1>, vector<16xi32>
          %parallel_loop3A_303 = arith.constant 31 : i32
          %parallel_loop3A_304 = vector.broadcast %parallel_loop3A_303 : i32 to vector<16xi32>
          %parallel_loop3A_305 = arith.andi %parallel_loop3A_277, %parallel_loop3A_304 : vector<16xi32>
          %parallel_loop3A_306 = arith.constant 31 : i32
          %parallel_loop3A_307 = vector.broadcast %parallel_loop3A_306 : i32 to vector<16xi32>
          %parallel_loop3A_308 = arith.cmpi slt, %parallel_loop3A_305, %parallel_loop3A_307 : vector<16xi32>
          %parallel_loop3A_309 = arith.constant 1 : i32
          %parallel_loop3A_310 = arith.constant 0 : i32
          %parallel_loop3A_311 = vector.broadcast %parallel_loop3A_309 : i32 to vector<16xi32>
          %parallel_loop3A_312 = vector.broadcast %parallel_loop3A_310 : i32 to vector<16xi32>
          %parallel_loop3A_313 = arith.select %parallel_loop3A_308, %parallel_loop3A_311, %parallel_loop3A_312 : vector<16xi1>, vector<16xi32>
          %parallel_loop3A_314 = arith.constant 1.000000e+00 : f32
          %parallel_loop3A_315 = vector.broadcast %parallel_loop3A_314 : f32 to vector<16xf32>
          %parallel_loop3A_316 = arith.subf %parallel_loop3A_315, %parallel_loop3A_279 : vector<16xf32>
          %parallel_loop3A_317 = arith.constant 1.000000e+00 : f32
          %parallel_loop3A_318 = vector.broadcast %parallel_loop3A_317 : f32 to vector<16xf32>
          %parallel_loop3A_319 = arith.subf %parallel_loop3A_318, %parallel_loop3A_281 : vector<16xf32>
          %parallel_loop3A_320 = arith.constant 1.000000e+00 : f32
          %parallel_loop3A_321 = vector.broadcast %parallel_loop3A_320 : f32 to vector<16xf32>
          %parallel_loop3A_322 = arith.subf %parallel_loop3A_321, %parallel_loop3A_283 : vector<16xf32>
          %parallel_loop3A_323 = arith.addi %parallel_loop3A_277, %parallel_loop3A_302 : vector<16xi32>
          %parallel_loop3A_324 = arith.addi %parallel_loop3A_277, %parallel_loop3A_291 : vector<16xi32>
          %parallel_loop3A_325 = arith.addi %parallel_loop3A_324, %parallel_loop3A_302 : vector<16xi32>
          %parallel_loop3A_326 = arith.mulf %parallel_loop3A_316, %parallel_loop3A_319 : vector<16xf32>
          %parallel_loop3A_327 = arith.mulf %parallel_loop3A_316, %parallel_loop3A_281 : vector<16xf32>
          %parallel_loop3A_328 = arith.mulf %parallel_loop3A_279, %parallel_loop3A_319 : vector<16xf32>
          %parallel_loop3A_329 = arith.mulf %parallel_loop3A_279, %parallel_loop3A_281 : vector<16xf32>
          %parallel_loop3A_330 = arith.mulf %parallel_loop3A_326, %parallel_loop3A_322 : vector<16xf32>
          %parallel_loop3A_331 = arith.mulf %parallel_loop3A_326, %parallel_loop3A_283 : vector<16xf32>
          %parallel_loop3A_332 = arith.addi %parallel_loop3A_277, %parallel_loop3A_313 : vector<16xi32>
          %parallel_loop3A_333 = tpu.vector_load_idx %arg6[%parallel_loop3A_277] : memref<32768xf32, #tpu.memory_space<vmem>>[vector<16xi32>], vector<16xf32>,
          %parallel_loop3A_334 = arith.mulf %parallel_loop3A_330, %parallel_loop3A_333 : vector<16xf32>
          %parallel_loop3A_335 = arith.addf %broadcast_in_dim3A_5, %parallel_loop3A_334 : vector<16xf32>
          %parallel_loop3A_336 = tpu.vector_load_idx %arg6[%parallel_loop3A_332] : memref<32768xf32, #tpu.memory_space<vmem>>[vector<16xi32>], vector<16xf32>,
          %parallel_loop3A_337 = arith.mulf %parallel_loop3A_331, %parallel_loop3A_336 : vector<16xf32>
          %parallel_loop3A_338 = arith.addf %parallel_loop3A_335, %parallel_loop3A_337 : vector<16xf32>
          %parallel_loop3A_339 = tpu.vector_load_idx %arg7[%parallel_loop3A_277] : memref<32768xf32, #tpu.memory_space<vmem>>[vector<16xi32>], vector<16xf32>,
          %parallel_loop3A_340 = arith.mulf %parallel_loop3A_330, %parallel_loop3A_339 : vector<16xf32>
          %parallel_loop3A_341 = arith.addf %broadcast_in_dim3A_5, %parallel_loop3A_340 : vector<16xf32>
          %parallel_loop3A_342 = tpu.vector_load_idx %arg7[%parallel_loop3A_332] : memref<32768xf32, #tpu.memory_space<vmem>>[vector<16xi32>], vector<16xf32>,
          %parallel_loop3A_343 = arith.mulf %parallel_loop3A_331, %parallel_loop3A_342 : vector<16xf32>
          %parallel_loop3A_344 = arith.addf %parallel_loop3A_341, %parallel_loop3A_343 : vector<16xf32>
          %parallel_loop3A_345 = arith.mulf %parallel_loop3A_327, %parallel_loop3A_322 : vector<16xf32>
          %parallel_loop3A_346 = arith.mulf %parallel_loop3A_327, %parallel_loop3A_283 : vector<16xf32>
          %parallel_loop3A_347 = arith.addi %parallel_loop3A_323, %parallel_loop3A_313 : vector<16xi32>
          %parallel_loop3A_348 = tpu.vector_load_idx %arg6[%parallel_loop3A_323] : memref<32768xf32, #tpu.memory_space<vmem>>[vector<16xi32>], vector<16xf32>,
          %parallel_loop3A_349 = arith.mulf %parallel_loop3A_345, %parallel_loop3A_348 : vector<16xf32>
          %parallel_loop3A_350 = arith.addf %parallel_loop3A_338, %parallel_loop3A_349 : vector<16xf32>
          %parallel_loop3A_351 = tpu.vector_load_idx %arg6[%parallel_loop3A_347] : memref<32768xf32, #tpu.memory_space<vmem>>[vector<16xi32>], vector<16xf32>,
          %parallel_loop3A_352 = arith.mulf %parallel_loop3A_346, %parallel_loop3A_351 : vector<16xf32>
          %parallel_loop3A_353 = arith.addf %parallel_loop3A_350, %parallel_loop3A_352 : vector<16xf32>
          %parallel_loop3A_354 = tpu.vector_load_idx %arg7[%parallel_loop3A_323] : memref<32768xf32, #tpu.memory_space<vmem>>[vector<16xi32>], vector<16xf32>,
          %parallel_loop3A_355 = arith.mulf %parallel_loop3A_345, %parallel_loop3A_354 : vector<16xf32>
          %parallel_loop3A_356 = arith.addf %parallel_loop3A_344, %parallel_loop3A_355 : vector<16xf32>
          %parallel_loop3A_357 = tpu.vector_load_idx %arg7[%parallel_loop3A_347] : memref<32768xf32, #tpu.memory_space<vmem>>[vector<16xi32>], vector<16xf32>,
          %parallel_loop3A_358 = arith.mulf %parallel_loop3A_346, %parallel_loop3A_357 : vector<16xf32>
          %parallel_loop3A_359 = arith.addf %parallel_loop3A_356, %parallel_loop3A_358 : vector<16xf32>
          %parallel_loop3A_360 = arith.mulf %parallel_loop3A_328, %parallel_loop3A_322 : vector<16xf32>
          %parallel_loop3A_361 = arith.mulf %parallel_loop3A_328, %parallel_loop3A_283 : vector<16xf32>
          %parallel_loop3A_362 = arith.addi %parallel_loop3A_324, %parallel_loop3A_313 : vector<16xi32>
          %parallel_loop3A_363 = tpu.vector_load_idx %arg6[%parallel_loop3A_324] : memref<32768xf32, #tpu.memory_space<vmem>>[vector<16xi32>], vector<16xf32>,
          %parallel_loop3A_364 = arith.mulf %parallel_loop3A_360, %parallel_loop3A_363 : vector<16xf32>
          %parallel_loop3A_365 = arith.addf %parallel_loop3A_353, %parallel_loop3A_364 : vector<16xf32>
          %parallel_loop3A_366 = tpu.vector_load_idx %arg6[%parallel_loop3A_362] : memref<32768xf32, #tpu.memory_space<vmem>>[vector<16xi32>], vector<16xf32>,
          %parallel_loop3A_367 = arith.mulf %parallel_loop3A_361, %parallel_loop3A_366 : vector<16xf32>
          %parallel_loop3A_368 = arith.addf %parallel_loop3A_365, %parallel_loop3A_367 : vector<16xf32>
          %parallel_loop3A_369 = tpu.vector_load_idx %arg7[%parallel_loop3A_324] : memref<32768xf32, #tpu.memory_space<vmem>>[vector<16xi32>], vector<16xf32>,
          %parallel_loop3A_370 = arith.mulf %parallel_loop3A_360, %parallel_loop3A_369 : vector<16xf32>
          %parallel_loop3A_371 = arith.addf %parallel_loop3A_359, %parallel_loop3A_370 : vector<16xf32>
          %parallel_loop3A_372 = tpu.vector_load_idx %arg7[%parallel_loop3A_362] : memref<32768xf32, #tpu.memory_space<vmem>>[vector<16xi32>], vector<16xf32>,
          %parallel_loop3A_373 = arith.mulf %parallel_loop3A_361, %parallel_loop3A_372 : vector<16xf32>
          %parallel_loop3A_374 = arith.addf %parallel_loop3A_371, %parallel_loop3A_373 : vector<16xf32>
          %parallel_loop3A_375 = arith.mulf %parallel_loop3A_329, %parallel_loop3A_322 : vector<16xf32>
          %parallel_loop3A_376 = arith.mulf %parallel_loop3A_329, %parallel_loop3A_283 : vector<16xf32>
          %parallel_loop3A_377 = arith.addi %parallel_loop3A_325, %parallel_loop3A_313 : vector<16xi32>
          %parallel_loop3A_378 = tpu.vector_load_idx %arg6[%parallel_loop3A_325] : memref<32768xf32, #tpu.memory_space<vmem>>[vector<16xi32>], vector<16xf32>,
          %parallel_loop3A_379 = arith.mulf %parallel_loop3A_375, %parallel_loop3A_378 : vector<16xf32>
          %parallel_loop3A_380 = arith.addf %parallel_loop3A_368, %parallel_loop3A_379 : vector<16xf32>
          %parallel_loop3A_381 = tpu.vector_load_idx %arg6[%parallel_loop3A_377] : memref<32768xf32, #tpu.memory_space<vmem>>[vector<16xi32>], vector<16xf32>,
          %parallel_loop3A_382 = arith.mulf %parallel_loop3A_376, %parallel_loop3A_381 : vector<16xf32>
          %parallel_loop3A_383 = arith.addf %parallel_loop3A_380, %parallel_loop3A_382 : vector<16xf32>
          %parallel_loop3A_384 = tpu.vector_load_idx %arg7[%parallel_loop3A_325] : memref<32768xf32, #tpu.memory_space<vmem>>[vector<16xi32>], vector<16xf32>,
          %parallel_loop3A_385 = arith.mulf %parallel_loop3A_375, %parallel_loop3A_384 : vector<16xf32>
          %parallel_loop3A_386 = arith.addf %parallel_loop3A_374, %parallel_loop3A_385 : vector<16xf32>
          %parallel_loop3A_387 = tpu.vector_load_idx %arg7[%parallel_loop3A_377] : memref<32768xf32, #tpu.memory_space<vmem>>[vector<16xi32>], vector<16xf32>,
          %parallel_loop3A_388 = arith.mulf %parallel_loop3A_376, %parallel_loop3A_387 : vector<16xf32>
          %parallel_loop3A_389 = arith.addf %parallel_loop3A_386, %parallel_loop3A_388 : vector<16xf32>
          %parallel_loop3A_390 = arith.index_cast %parallel_loop3A_275 : i32 to index
          %parallel_loop3A_391 = tpu.vector_load %arg17[%parallel_loop3A_390] {strides = array<i32>} : memref<2048xf32, #tpu.memory_space<vmem>>, vector<16xf32>,
          tpu.vector_store %arg17[%parallel_loop3A_390], %parallel_loop3A_383 {strides = array<i32>} : memref<2048xf32, #tpu.memory_space<vmem>>, vector<16xf32>,
          %parallel_loop3A_392 = arith.index_cast %parallel_loop3A_275 : i32 to index
          %parallel_loop3A_393 = tpu.vector_load %arg19[%parallel_loop3A_392] {strides = array<i32>} : memref<2048xf32, #tpu.memory_space<vmem>>, vector<16xf32>,
          tpu.vector_store %arg19[%parallel_loop3A_392], %parallel_loop3A_389 {strides = array<i32>} : memref<2048xf32, #tpu.memory_space<vmem>>, vector<16xf32>,
        } {sc.loop_unroll_factor = 4 : i64, sc.parallel_access}
        %add3A_196 = arith.constant 2 : i32
        %add3A_197 = arith.addi %add3A_174, %add3A_196 : i32
        %lt3A = arith.constant 32 : i32
        %lt3A_198 = arith.cmpi slt, %add3A_197, %lt3A : i32
        %convert_element_type3A_199 = arith.extui %lt3A_198 : i1 to i32
        %cond3A_200 = arith.constant 0 : i32
        %cond3A_201 = arith.cmpi ne, %convert_element_type3A_199, %cond3A_200 : i32
        scf.if %cond3A_201 {
          %add3A_273 = arith.constant 2 : i32
          %add3A_274 = arith.addi %add3A_174, %add3A_273 : i32
          %mul3A_275 = arith.constant 2048 : i32
          %mul3A_276 = arith.muli %add3A_274, %mul3A_275 : i32
          %mul3A_277 = arith.constant 2 : i32
          %mul3A_278 = arith.muli %scan3A_12, %mul3A_277 : i32
          %mul3A_279 = arith.constant 65536 : i32
          %mul3A_280 = arith.muli %mul3A_278, %mul3A_279 : i32
          %add3A_281 = arith.addi %mul3A_280, %mul3A_276 : i32
          %dma_start3A_282 = tpu.memref_slice %arg3[%add3A_281] : memref<524288xi32, #tpu.memory_space<hbm>> -> memref<2048xi32, #tpu.memory_space<hbm>>
          %dma_start3A_283 = tpu.memref_slice %arg3[%add3A_281] : memref<524288xi32, #tpu.memory_space<hbm>> -> memref<2048xi32, #tpu.memory_space<hbm>>
          tpu.enqueue_dma source(%dma_start3A_283 : memref<2048xi32, #tpu.memory_space<hbm>>) target(%arg9 : memref<2048xi32, #tpu.memory_space<vmem>>) target_semaphore(%arg21 : memref<!tpu.dma_semaphore, #tpu.memory_space<semaphore_mem>>)
          %mul3A_284 = arith.constant 3 : i32
          %mul3A_285 = arith.muli %scan3A_12, %mul3A_284 : i32
          %mul3A_286 = arith.constant 65536 : i32
          %mul3A_287 = arith.muli %mul3A_285, %mul3A_286 : i32
          %add3A_288 = arith.addi %mul3A_287, %mul3A_276 : i32
          %dma_start3A_289 = tpu.memref_slice %arg4[%add3A_288] : memref<786432xf32, #tpu.memory_space<hbm>> -> memref<2048xf32, #tpu.memory_space<hbm>>
          %dma_start3A_290 = tpu.memref_slice %arg4[%add3A_288] : memref<786432xf32, #tpu.memory_space<hbm>> -> memref<2048xf32, #tpu.memory_space<hbm>>
          tpu.enqueue_dma source(%dma_start3A_290 : memref<2048xf32, #tpu.memory_space<hbm>>) target(%arg11 : memref<2048xf32, #tpu.memory_space<vmem>>) target_semaphore(%arg21 : memref<!tpu.dma_semaphore, #tpu.memory_space<semaphore_mem>>)
          %mul3A_291 = arith.constant 3 : i32
          %mul3A_292 = arith.muli %scan3A_12, %mul3A_291 : i32
          %add3A_293 = arith.constant 1 : i32
          %add3A_294 = arith.addi %mul3A_292, %add3A_293 : i32
          %mul3A_295 = arith.constant 65536 : i32
          %mul3A_296 = arith.muli %add3A_294, %mul3A_295 : i32
          %add3A_297 = arith.addi %mul3A_296, %mul3A_276 : i32
          %dma_start3A_298 = tpu.memref_slice %arg4[%add3A_297] : memref<786432xf32, #tpu.memory_space<hbm>> -> memref<2048xf32, #tpu.memory_space<hbm>>
          %dma_start3A_299 = tpu.memref_slice %arg4[%add3A_297] : memref<786432xf32, #tpu.memory_space<hbm>> -> memref<2048xf32, #tpu.memory_space<hbm>>
          tpu.enqueue_dma source(%dma_start3A_299 : memref<2048xf32, #tpu.memory_space<hbm>>) target(%arg13 : memref<2048xf32, #tpu.memory_space<vmem>>) target_semaphore(%arg21 : memref<!tpu.dma_semaphore, #tpu.memory_space<semaphore_mem>>)
          %mul3A_300 = arith.constant 3 : i32
          %mul3A_301 = arith.muli %scan3A_12, %mul3A_300 : i32
          %add3A_302 = arith.constant 2 : i32
          %add3A_303 = arith.addi %mul3A_301, %add3A_302 : i32
          %mul3A_304 = arith.constant 65536 : i32
          %mul3A_305 = arith.muli %add3A_303, %mul3A_304 : i32
          %add3A_306 = arith.addi %mul3A_305, %mul3A_276 : i32
          %dma_start3A_307 = tpu.memref_slice %arg4[%add3A_306] : memref<786432xf32, #tpu.memory_space<hbm>> -> memref<2048xf32, #tpu.memory_space<hbm>>
          %dma_start3A_308 = tpu.memref_slice %arg4[%add3A_306] : memref<786432xf32, #tpu.memory_space<hbm>> -> memref<2048xf32, #tpu.memory_space<hbm>>
          tpu.enqueue_dma source(%dma_start3A_308 : memref<2048xf32, #tpu.memory_space<hbm>>) target(%arg15 : memref<2048xf32, #tpu.memory_space<vmem>>) target_semaphore(%arg21 : memref<!tpu.dma_semaphore, #tpu.memory_space<semaphore_mem>>)
        } else {
        }
        %mul3A_202 = arith.constant 2048 : i32
        %mul3A_203 = arith.muli %add3A_174, %mul3A_202 : i32
        %mul3A_204 = arith.constant 64 : i32
        %mul3A_205 = arith.muli %scan3A_12, %mul3A_204 : i32
        %add3A_206 = arith.addi %mul3A_205, %mul3A_2 : i32
        %mul3A_207 = arith.constant 65536 : i32
        %mul3A_208 = arith.muli %add3A_206, %mul3A_207 : i32
        %add3A_209 = arith.addi %mul3A_208, %mul3A_203 : i32
        %dma_start3A_210 = tpu.memref_slice %arg5[%add3A_209] : memref<16777216xf32, #tpu.memory_space<hbm>> -> memref<2048xf32, #tpu.memory_space<hbm>>
        %dma_start3A_211 = tpu.memref_slice %arg5[%add3A_209] : memref<16777216xf32, #tpu.memory_space<hbm>> -> memref<2048xf32, #tpu.memory_space<hbm>>
        tpu.enqueue_dma source(%arg17 : memref<2048xf32, #tpu.memory_space<vmem>>) target(%dma_start3A_211 : memref<2048xf32, #tpu.memory_space<hbm>>) target_semaphore(%arg23 : memref<!tpu.dma_semaphore, #tpu.memory_space<semaphore_mem>>)
        %mul3A_212 = arith.constant 64 : i32
        %mul3A_213 = arith.muli %scan3A_12, %mul3A_212 : i32
        %add3A_214 = arith.addi %mul3A_213, %add3A_4 : i32
        %mul3A_215 = arith.constant 65536 : i32
        %mul3A_216 = arith.muli %add3A_214, %mul3A_215 : i32
        %add3A_217 = arith.addi %mul3A_216, %mul3A_203 : i32
        %dma_start3A_218 = tpu.memref_slice %arg5[%add3A_217] : memref<16777216xf32, #tpu.memory_space<hbm>> -> memref<2048xf32, #tpu.memory_space<hbm>>
        %dma_start3A_219 = tpu.memref_slice %arg5[%add3A_217] : memref<16777216xf32, #tpu.memory_space<hbm>> -> memref<2048xf32, #tpu.memory_space<hbm>>
        tpu.enqueue_dma source(%arg19 : memref<2048xf32, #tpu.memory_space<vmem>>) target(%dma_start3A_219 : memref<2048xf32, #tpu.memory_space<hbm>>) target_semaphore(%arg23 : memref<!tpu.dma_semaphore, #tpu.memory_space<semaphore_mem>>)
        %mul3A_220 = arith.constant 2 : i32
        %mul3A_221 = arith.muli %scan3A_170, %mul3A_220 : i32
        %add3A_222 = arith.constant 1 : i32
        %add3A_223 = arith.addi %mul3A_221, %add3A_222 : i32
        %dma_wait3A_224 = arith.constant 0 : i32
        %dma_wait3A_225 = tpu.memref_slice %arg3[%dma_wait3A_224] : memref<524288xi32, #tpu.memory_space<hbm>> -> memref<2048xi32, #tpu.memory_space<hbm>>
        %dma_wait3A_226 = arith.constant 0 : i32
        %dma_wait3A_227 = tpu.memref_slice %arg3[%dma_wait3A_226] : memref<524288xi32, #tpu.memory_space<hbm>> -> memref<2048xi32, #tpu.memory_space<hbm>>
        tpu.wait_dma2 semaphore(%arg22 : memref<!tpu.dma_semaphore, #tpu.memory_space<semaphore_mem>>) src(%dma_wait3A_227 : memref<2048xi32, #tpu.memory_space<hbm>>) dst(%arg10 : memref<2048xi32, #tpu.memory_space<vmem>>)
        %dma_wait3A_228 = arith.constant 0 : i32
        %dma_wait3A_229 = tpu.memref_slice %arg4[%dma_wait3A_228] : memref<786432xf32, #tpu.memory_space<hbm>> -> memref<2048xf32, #tpu.memory_space<hbm>>
        %dma_wait3A_230 = arith.constant 0 : i32
        %dma_wait3A_231 = tpu.memref_slice %arg4[%dma_wait3A_230] : memref<786432xf32, #tpu.memory_space<hbm>> -> memref<2048xf32, #tpu.memory_space<hbm>>
        tpu.wait_dma2 semaphore(%arg22 : memref<!tpu.dma_semaphore, #tpu.memory_space<semaphore_mem>>) src(%dma_wait3A_231 : memref<2048xf32, #tpu.memory_space<hbm>>) dst(%arg12 : memref<2048xf32, #tpu.memory_space<vmem>>)
        %dma_wait3A_232 = arith.constant 0 : i32
        %dma_wait3A_233 = tpu.memref_slice %arg4[%dma_wait3A_232] : memref<786432xf32, #tpu.memory_space<hbm>> -> memref<2048xf32, #tpu.memory_space<hbm>>
        %dma_wait3A_234 = arith.constant 0 : i32
        %dma_wait3A_235 = tpu.memref_slice %arg4[%dma_wait3A_234] : memref<786432xf32, #tpu.memory_space<hbm>> -> memref<2048xf32, #tpu.memory_space<hbm>>
        tpu.wait_dma2 semaphore(%arg22 : memref<!tpu.dma_semaphore, #tpu.memory_space<semaphore_mem>>) src(%dma_wait3A_235 : memref<2048xf32, #tpu.memory_space<hbm>>) dst(%arg14 : memref<2048xf32, #tpu.memory_space<vmem>>)
        %dma_wait3A_236 = arith.constant 0 : i32
        %dma_wait3A_237 = tpu.memref_slice %arg4[%dma_wait3A_236] : memref<786432xf32, #tpu.memory_space<hbm>> -> memref<2048xf32, #tpu.memory_space<hbm>>
        %dma_wait3A_238 = arith.constant 0 : i32
        %dma_wait3A_239 = tpu.memref_slice %arg4[%dma_wait3A_238] : memref<786432xf32, #tpu.memory_space<hbm>> -> memref<2048xf32, #tpu.memory_space<hbm>>
        tpu.wait_dma2 semaphore(%arg22 : memref<!tpu.dma_semaphore, #tpu.memory_space<semaphore_mem>>) src(%dma_wait3A_239 : memref<2048xf32, #tpu.memory_space<hbm>>) dst(%arg16 : memref<2048xf32, #tpu.memory_space<vmem>>)
        %ge3A_240 = arith.constant 2 : i32
        %ge3A_241 = arith.cmpi sge, %add3A_223, %ge3A_240 : i32
        %convert_element_type3A_242 = arith.extui %ge3A_241 : i1 to i32
        %cond3A_243 = arith.constant 0 : i32
        %cond3A_244 = arith.cmpi ne, %convert_element_type3A_242, %cond3A_243 : i32
        scf.if %cond3A_244 {
          %dma_wait3A_273 = arith.constant 0 : i32
          %dma_wait3A_274 = tpu.memref_slice %arg5[%dma_wait3A_273] : memref<16777216xf32, #tpu.memory_space<hbm>> -> memref<2048xf32, #tpu.memory_space<hbm>>
          %dma_wait3A_275 = arith.constant 0 : i32
          %dma_wait3A_276 = tpu.memref_slice %arg5[%dma_wait3A_275] : memref<16777216xf32, #tpu.memory_space<hbm>> -> memref<2048xf32, #tpu.memory_space<hbm>>
          tpu.wait_dma2 semaphore(%arg24 : memref<!tpu.dma_semaphore, #tpu.memory_space<semaphore_mem>>) src(%arg18 : memref<2048xf32, #tpu.memory_space<vmem>>) dst(%dma_wait3A_276 : memref<2048xf32, #tpu.memory_space<hbm>>)
          %dma_wait3A_277 = arith.constant 0 : i32
          %dma_wait3A_278 = tpu.memref_slice %arg5[%dma_wait3A_277] : memref<16777216xf32, #tpu.memory_space<hbm>> -> memref<2048xf32, #tpu.memory_space<hbm>>
          %dma_wait3A_279 = arith.constant 0 : i32
          %dma_wait3A_280 = tpu.memref_slice %arg5[%dma_wait3A_279] : memref<16777216xf32, #tpu.memory_space<hbm>> -> memref<2048xf32, #tpu.memory_space<hbm>>
          tpu.wait_dma2 semaphore(%arg24 : memref<!tpu.dma_semaphore, #tpu.memory_space<semaphore_mem>>) src(%arg20 : memref<2048xf32, #tpu.memory_space<vmem>>) dst(%dma_wait3A_280 : memref<2048xf32, #tpu.memory_space<hbm>>)
        } else {
        }
        %parallel_loop3A_245 = arith.constant 0 : i32
        %parallel_loop3A_246 = arith.constant 128 : i32
        %parallel_loop3A_247 = arith.constant 1 : i32
        scf.for %parallel_loop3A_273 = %parallel_loop3A_245 to %parallel_loop3A_246 step %parallel_loop3A_247  : i32 {
          %parallel_loop3A_274 = arith.constant 16 : i32
          %parallel_loop3A_275 = arith.muli %parallel_loop3A_273, %parallel_loop3A_274 : i32
          %parallel_loop3A_276 = arith.index_cast %parallel_loop3A_275 : i32 to index
          %parallel_loop3A_277 = tpu.vector_load %arg10[%parallel_loop3A_276] {strides = array<i32>} : memref<2048xi32, #tpu.memory_space<vmem>>, vector<16xi32>,
          %parallel_loop3A_278 = arith.index_cast %parallel_loop3A_275 : i32 to index
          %parallel_loop3A_279 = tpu.vector_load %arg12[%parallel_loop3A_278] {strides = array<i32>} : memref<2048xf32, #tpu.memory_space<vmem>>, vector<16xf32>,
          %parallel_loop3A_280 = arith.index_cast %parallel_loop3A_275 : i32 to index
          %parallel_loop3A_281 = tpu.vector_load %arg14[%parallel_loop3A_280] {strides = array<i32>} : memref<2048xf32, #tpu.memory_space<vmem>>, vector<16xf32>,
          %parallel_loop3A_282 = arith.index_cast %parallel_loop3A_275 : i32 to index
          %parallel_loop3A_283 = tpu.vector_load %arg16[%parallel_loop3A_282] {strides = array<i32>} : memref<2048xf32, #tpu.memory_space<vmem>>, vector<16xf32>,
          %parallel_loop3A_284 = arith.constant 31744 : i32
          %parallel_loop3A_285 = vector.broadcast %parallel_loop3A_284 : i32 to vector<16xi32>
          %parallel_loop3A_286 = arith.cmpi slt, %parallel_loop3A_277, %parallel_loop3A_285 : vector<16xi32>
          %parallel_loop3A_287 = arith.constant 1024 : i32
          %parallel_loop3A_288 = arith.constant 0 : i32
          %parallel_loop3A_289 = vector.broadcast %parallel_loop3A_287 : i32 to vector<16xi32>
          %parallel_loop3A_290 = vector.broadcast %parallel_loop3A_288 : i32 to vector<16xi32>
          %parallel_loop3A_291 = arith.select %parallel_loop3A_286, %parallel_loop3A_289, %parallel_loop3A_290 : vector<16xi1>, vector<16xi32>
          %parallel_loop3A_292 = arith.constant 1023 : i32
          %parallel_loop3A_293 = vector.broadcast %parallel_loop3A_292 : i32 to vector<16xi32>
          %parallel_loop3A_294 = arith.andi %parallel_loop3A_277, %parallel_loop3A_293 : vector<16xi32>
          %parallel_loop3A_295 = arith.constant 992 : i32
          %parallel_loop3A_296 = vector.broadcast %parallel_loop3A_295 : i32 to vector<16xi32>
          %parallel_loop3A_297 = arith.cmpi slt, %parallel_loop3A_294, %parallel_loop3A_296 : vector<16xi32>
          %parallel_loop3A_298 = arith.constant 32 : i32
          %parallel_loop3A_299 = arith.constant 0 : i32
          %parallel_loop3A_300 = vector.broadcast %parallel_loop3A_298 : i32 to vector<16xi32>
          %parallel_loop3A_301 = vector.broadcast %parallel_loop3A_299 : i32 to vector<16xi32>
          %parallel_loop3A_302 = arith.select %parallel_loop3A_297, %parallel_loop3A_300, %parallel_loop3A_301 : vector<16xi1>, vector<16xi32>
          %parallel_loop3A_303 = arith.constant 31 : i32
          %parallel_loop3A_304 = vector.broadcast %parallel_loop3A_303 : i32 to vector<16xi32>
          %parallel_loop3A_305 = arith.andi %parallel_loop3A_277, %parallel_loop3A_304 : vector<16xi32>
          %parallel_loop3A_306 = arith.constant 31 : i32
          %parallel_loop3A_307 = vector.broadcast %parallel_loop3A_306 : i32 to vector<16xi32>
          %parallel_loop3A_308 = arith.cmpi slt, %parallel_loop3A_305, %parallel_loop3A_307 : vector<16xi32>
          %parallel_loop3A_309 = arith.constant 1 : i32
          %parallel_loop3A_310 = arith.constant 0 : i32
          %parallel_loop3A_311 = vector.broadcast %parallel_loop3A_309 : i32 to vector<16xi32>
          %parallel_loop3A_312 = vector.broadcast %parallel_loop3A_310 : i32 to vector<16xi32>
          %parallel_loop3A_313 = arith.select %parallel_loop3A_308, %parallel_loop3A_311, %parallel_loop3A_312 : vector<16xi1>, vector<16xi32>
          %parallel_loop3A_314 = arith.constant 1.000000e+00 : f32
          %parallel_loop3A_315 = vector.broadcast %parallel_loop3A_314 : f32 to vector<16xf32>
          %parallel_loop3A_316 = arith.subf %parallel_loop3A_315, %parallel_loop3A_279 : vector<16xf32>
          %parallel_loop3A_317 = arith.constant 1.000000e+00 : f32
          %parallel_loop3A_318 = vector.broadcast %parallel_loop3A_317 : f32 to vector<16xf32>
          %parallel_loop3A_319 = arith.subf %parallel_loop3A_318, %parallel_loop3A_281 : vector<16xf32>
          %parallel_loop3A_320 = arith.constant 1.000000e+00 : f32
          %parallel_loop3A_321 = vector.broadcast %parallel_loop3A_320 : f32 to vector<16xf32>
          %parallel_loop3A_322 = arith.subf %parallel_loop3A_321, %parallel_loop3A_283 : vector<16xf32>
          %parallel_loop3A_323 = arith.addi %parallel_loop3A_277, %parallel_loop3A_302 : vector<16xi32>
          %parallel_loop3A_324 = arith.addi %parallel_loop3A_277, %parallel_loop3A_291 : vector<16xi32>
          %parallel_loop3A_325 = arith.addi %parallel_loop3A_324, %parallel_loop3A_302 : vector<16xi32>
          %parallel_loop3A_326 = arith.mulf %parallel_loop3A_316, %parallel_loop3A_319 : vector<16xf32>
          %parallel_loop3A_327 = arith.mulf %parallel_loop3A_316, %parallel_loop3A_281 : vector<16xf32>
          %parallel_loop3A_328 = arith.mulf %parallel_loop3A_279, %parallel_loop3A_319 : vector<16xf32>
          %parallel_loop3A_329 = arith.mulf %parallel_loop3A_279, %parallel_loop3A_281 : vector<16xf32>
          %parallel_loop3A_330 = arith.mulf %parallel_loop3A_326, %parallel_loop3A_322 : vector<16xf32>
          %parallel_loop3A_331 = arith.mulf %parallel_loop3A_326, %parallel_loop3A_283 : vector<16xf32>
          %parallel_loop3A_332 = arith.addi %parallel_loop3A_277, %parallel_loop3A_313 : vector<16xi32>
          %parallel_loop3A_333 = tpu.vector_load_idx %arg6[%parallel_loop3A_277] : memref<32768xf32, #tpu.memory_space<vmem>>[vector<16xi32>], vector<16xf32>,
          %parallel_loop3A_334 = arith.mulf %parallel_loop3A_330, %parallel_loop3A_333 : vector<16xf32>
          %parallel_loop3A_335 = arith.addf %broadcast_in_dim3A_5, %parallel_loop3A_334 : vector<16xf32>
          %parallel_loop3A_336 = tpu.vector_load_idx %arg6[%parallel_loop3A_332] : memref<32768xf32, #tpu.memory_space<vmem>>[vector<16xi32>], vector<16xf32>,
          %parallel_loop3A_337 = arith.mulf %parallel_loop3A_331, %parallel_loop3A_336 : vector<16xf32>
          %parallel_loop3A_338 = arith.addf %parallel_loop3A_335, %parallel_loop3A_337 : vector<16xf32>
          %parallel_loop3A_339 = tpu.vector_load_idx %arg7[%parallel_loop3A_277] : memref<32768xf32, #tpu.memory_space<vmem>>[vector<16xi32>], vector<16xf32>,
          %parallel_loop3A_340 = arith.mulf %parallel_loop3A_330, %parallel_loop3A_339 : vector<16xf32>
          %parallel_loop3A_341 = arith.addf %broadcast_in_dim3A_5, %parallel_loop3A_340 : vector<16xf32>
          %parallel_loop3A_342 = tpu.vector_load_idx %arg7[%parallel_loop3A_332] : memref<32768xf32, #tpu.memory_space<vmem>>[vector<16xi32>], vector<16xf32>,
          %parallel_loop3A_343 = arith.mulf %parallel_loop3A_331, %parallel_loop3A_342 : vector<16xf32>
          %parallel_loop3A_344 = arith.addf %parallel_loop3A_341, %parallel_loop3A_343 : vector<16xf32>
          %parallel_loop3A_345 = arith.mulf %parallel_loop3A_327, %parallel_loop3A_322 : vector<16xf32>
          %parallel_loop3A_346 = arith.mulf %parallel_loop3A_327, %parallel_loop3A_283 : vector<16xf32>
          %parallel_loop3A_347 = arith.addi %parallel_loop3A_323, %parallel_loop3A_313 : vector<16xi32>
          %parallel_loop3A_348 = tpu.vector_load_idx %arg6[%parallel_loop3A_323] : memref<32768xf32, #tpu.memory_space<vmem>>[vector<16xi32>], vector<16xf32>,
          %parallel_loop3A_349 = arith.mulf %parallel_loop3A_345, %parallel_loop3A_348 : vector<16xf32>
          %parallel_loop3A_350 = arith.addf %parallel_loop3A_338, %parallel_loop3A_349 : vector<16xf32>
          %parallel_loop3A_351 = tpu.vector_load_idx %arg6[%parallel_loop3A_347] : memref<32768xf32, #tpu.memory_space<vmem>>[vector<16xi32>], vector<16xf32>,
          %parallel_loop3A_352 = arith.mulf %parallel_loop3A_346, %parallel_loop3A_351 : vector<16xf32>
          %parallel_loop3A_353 = arith.addf %parallel_loop3A_350, %parallel_loop3A_352 : vector<16xf32>
          %parallel_loop3A_354 = tpu.vector_load_idx %arg7[%parallel_loop3A_323] : memref<32768xf32, #tpu.memory_space<vmem>>[vector<16xi32>], vector<16xf32>,
          %parallel_loop3A_355 = arith.mulf %parallel_loop3A_345, %parallel_loop3A_354 : vector<16xf32>
          %parallel_loop3A_356 = arith.addf %parallel_loop3A_344, %parallel_loop3A_355 : vector<16xf32>
          %parallel_loop3A_357 = tpu.vector_load_idx %arg7[%parallel_loop3A_347] : memref<32768xf32, #tpu.memory_space<vmem>>[vector<16xi32>], vector<16xf32>,
          %parallel_loop3A_358 = arith.mulf %parallel_loop3A_346, %parallel_loop3A_357 : vector<16xf32>
          %parallel_loop3A_359 = arith.addf %parallel_loop3A_356, %parallel_loop3A_358 : vector<16xf32>
          %parallel_loop3A_360 = arith.mulf %parallel_loop3A_328, %parallel_loop3A_322 : vector<16xf32>
          %parallel_loop3A_361 = arith.mulf %parallel_loop3A_328, %parallel_loop3A_283 : vector<16xf32>
          %parallel_loop3A_362 = arith.addi %parallel_loop3A_324, %parallel_loop3A_313 : vector<16xi32>
          %parallel_loop3A_363 = tpu.vector_load_idx %arg6[%parallel_loop3A_324] : memref<32768xf32, #tpu.memory_space<vmem>>[vector<16xi32>], vector<16xf32>,
          %parallel_loop3A_364 = arith.mulf %parallel_loop3A_360, %parallel_loop3A_363 : vector<16xf32>
          %parallel_loop3A_365 = arith.addf %parallel_loop3A_353, %parallel_loop3A_364 : vector<16xf32>
          %parallel_loop3A_366 = tpu.vector_load_idx %arg6[%parallel_loop3A_362] : memref<32768xf32, #tpu.memory_space<vmem>>[vector<16xi32>], vector<16xf32>,
          %parallel_loop3A_367 = arith.mulf %parallel_loop3A_361, %parallel_loop3A_366 : vector<16xf32>
          %parallel_loop3A_368 = arith.addf %parallel_loop3A_365, %parallel_loop3A_367 : vector<16xf32>
          %parallel_loop3A_369 = tpu.vector_load_idx %arg7[%parallel_loop3A_324] : memref<32768xf32, #tpu.memory_space<vmem>>[vector<16xi32>], vector<16xf32>,
          %parallel_loop3A_370 = arith.mulf %parallel_loop3A_360, %parallel_loop3A_369 : vector<16xf32>
          %parallel_loop3A_371 = arith.addf %parallel_loop3A_359, %parallel_loop3A_370 : vector<16xf32>
          %parallel_loop3A_372 = tpu.vector_load_idx %arg7[%parallel_loop3A_362] : memref<32768xf32, #tpu.memory_space<vmem>>[vector<16xi32>], vector<16xf32>,
          %parallel_loop3A_373 = arith.mulf %parallel_loop3A_361, %parallel_loop3A_372 : vector<16xf32>
          %parallel_loop3A_374 = arith.addf %parallel_loop3A_371, %parallel_loop3A_373 : vector<16xf32>
          %parallel_loop3A_375 = arith.mulf %parallel_loop3A_329, %parallel_loop3A_322 : vector<16xf32>
          %parallel_loop3A_376 = arith.mulf %parallel_loop3A_329, %parallel_loop3A_283 : vector<16xf32>
          %parallel_loop3A_377 = arith.addi %parallel_loop3A_325, %parallel_loop3A_313 : vector<16xi32>
          %parallel_loop3A_378 = tpu.vector_load_idx %arg6[%parallel_loop3A_325] : memref<32768xf32, #tpu.memory_space<vmem>>[vector<16xi32>], vector<16xf32>,
          %parallel_loop3A_379 = arith.mulf %parallel_loop3A_375, %parallel_loop3A_378 : vector<16xf32>
          %parallel_loop3A_380 = arith.addf %parallel_loop3A_368, %parallel_loop3A_379 : vector<16xf32>
          %parallel_loop3A_381 = tpu.vector_load_idx %arg6[%parallel_loop3A_377] : memref<32768xf32, #tpu.memory_space<vmem>>[vector<16xi32>], vector<16xf32>,
          %parallel_loop3A_382 = arith.mulf %parallel_loop3A_376, %parallel_loop3A_381 : vector<16xf32>
          %parallel_loop3A_383 = arith.addf %parallel_loop3A_380, %parallel_loop3A_382 : vector<16xf32>
          %parallel_loop3A_384 = tpu.vector_load_idx %arg7[%parallel_loop3A_325] : memref<32768xf32, #tpu.memory_space<vmem>>[vector<16xi32>], vector<16xf32>,
          %parallel_loop3A_385 = arith.mulf %parallel_loop3A_375, %parallel_loop3A_384 : vector<16xf32>
          %parallel_loop3A_386 = arith.addf %parallel_loop3A_374, %parallel_loop3A_385 : vector<16xf32>
          %parallel_loop3A_387 = tpu.vector_load_idx %arg7[%parallel_loop3A_377] : memref<32768xf32, #tpu.memory_space<vmem>>[vector<16xi32>], vector<16xf32>,
          %parallel_loop3A_388 = arith.mulf %parallel_loop3A_376, %parallel_loop3A_387 : vector<16xf32>
          %parallel_loop3A_389 = arith.addf %parallel_loop3A_386, %parallel_loop3A_388 : vector<16xf32>
          %parallel_loop3A_390 = arith.index_cast %parallel_loop3A_275 : i32 to index
          %parallel_loop3A_391 = tpu.vector_load %arg18[%parallel_loop3A_390] {strides = array<i32>} : memref<2048xf32, #tpu.memory_space<vmem>>, vector<16xf32>,
          tpu.vector_store %arg18[%parallel_loop3A_390], %parallel_loop3A_383 {strides = array<i32>} : memref<2048xf32, #tpu.memory_space<vmem>>, vector<16xf32>,
          %parallel_loop3A_392 = arith.index_cast %parallel_loop3A_275 : i32 to index
          %parallel_loop3A_393 = tpu.vector_load %arg20[%parallel_loop3A_392] {strides = array<i32>} : memref<2048xf32, #tpu.memory_space<vmem>>, vector<16xf32>,
          tpu.vector_store %arg20[%parallel_loop3A_392], %parallel_loop3A_389 {strides = array<i32>} : memref<2048xf32, #tpu.memory_space<vmem>>, vector<16xf32>,
        } {sc.loop_unroll_factor = 4 : i64, sc.parallel_access}
        %add3A_248 = arith.constant 2 : i32
        %add3A_249 = arith.addi %add3A_223, %add3A_248 : i32
        %lt3A_250 = arith.constant 32 : i32
        %lt3A_251 = arith.cmpi slt, %add3A_249, %lt3A_250 : i32
        %convert_element_type3A_252 = arith.extui %lt3A_251 : i1 to i32
        %cond3A_253 = arith.constant 0 : i32
        %cond3A_254 = arith.cmpi ne, %convert_element_type3A_252, %cond3A_253 : i32
        scf.if %cond3A_254 {
          %add3A_273 = arith.constant 2 : i32
          %add3A_274 = arith.addi %add3A_223, %add3A_273 : i32
          %mul3A_275 = arith.constant 2048 : i32
          %mul3A_276 = arith.muli %add3A_274, %mul3A_275 : i32
          %mul3A_277 = arith.constant 2 : i32
          %mul3A_278 = arith.muli %scan3A_12, %mul3A_277 : i32
          %mul3A_279 = arith.constant 65536 : i32
          %mul3A_280 = arith.muli %mul3A_278, %mul3A_279 : i32
          %add3A_281 = arith.addi %mul3A_280, %mul3A_276 : i32
          %dma_start3A_282 = tpu.memref_slice %arg3[%add3A_281] : memref<524288xi32, #tpu.memory_space<hbm>> -> memref<2048xi32, #tpu.memory_space<hbm>>
          %dma_start3A_283 = tpu.memref_slice %arg3[%add3A_281] : memref<524288xi32, #tpu.memory_space<hbm>> -> memref<2048xi32, #tpu.memory_space<hbm>>
          tpu.enqueue_dma source(%dma_start3A_283 : memref<2048xi32, #tpu.memory_space<hbm>>) target(%arg10 : memref<2048xi32, #tpu.memory_space<vmem>>) target_semaphore(%arg22 : memref<!tpu.dma_semaphore, #tpu.memory_space<semaphore_mem>>)
          %mul3A_284 = arith.constant 3 : i32
          %mul3A_285 = arith.muli %scan3A_12, %mul3A_284 : i32
          %mul3A_286 = arith.constant 65536 : i32
          %mul3A_287 = arith.muli %mul3A_285, %mul3A_286 : i32
          %add3A_288 = arith.addi %mul3A_287, %mul3A_276 : i32
          %dma_start3A_289 = tpu.memref_slice %arg4[%add3A_288] : memref<786432xf32, #tpu.memory_space<hbm>> -> memref<2048xf32, #tpu.memory_space<hbm>>
          %dma_start3A_290 = tpu.memref_slice %arg4[%add3A_288] : memref<786432xf32, #tpu.memory_space<hbm>> -> memref<2048xf32, #tpu.memory_space<hbm>>
          tpu.enqueue_dma source(%dma_start3A_290 : memref<2048xf32, #tpu.memory_space<hbm>>) target(%arg12 : memref<2048xf32, #tpu.memory_space<vmem>>) target_semaphore(%arg22 : memref<!tpu.dma_semaphore, #tpu.memory_space<semaphore_mem>>)
          %mul3A_291 = arith.constant 3 : i32
          %mul3A_292 = arith.muli %scan3A_12, %mul3A_291 : i32
          %add3A_293 = arith.constant 1 : i32
          %add3A_294 = arith.addi %mul3A_292, %add3A_293 : i32
          %mul3A_295 = arith.constant 65536 : i32
          %mul3A_296 = arith.muli %add3A_294, %mul3A_295 : i32
          %add3A_297 = arith.addi %mul3A_296, %mul3A_276 : i32
          %dma_start3A_298 = tpu.memref_slice %arg4[%add3A_297] : memref<786432xf32, #tpu.memory_space<hbm>> -> memref<2048xf32, #tpu.memory_space<hbm>>
          %dma_start3A_299 = tpu.memref_slice %arg4[%add3A_297] : memref<786432xf32, #tpu.memory_space<hbm>> -> memref<2048xf32, #tpu.memory_space<hbm>>
          tpu.enqueue_dma source(%dma_start3A_299 : memref<2048xf32, #tpu.memory_space<hbm>>) target(%arg14 : memref<2048xf32, #tpu.memory_space<vmem>>) target_semaphore(%arg22 : memref<!tpu.dma_semaphore, #tpu.memory_space<semaphore_mem>>)
          %mul3A_300 = arith.constant 3 : i32
          %mul3A_301 = arith.muli %scan3A_12, %mul3A_300 : i32
          %add3A_302 = arith.constant 2 : i32
          %add3A_303 = arith.addi %mul3A_301, %add3A_302 : i32
          %mul3A_304 = arith.constant 65536 : i32
          %mul3A_305 = arith.muli %add3A_303, %mul3A_304 : i32
          %add3A_306 = arith.addi %mul3A_305, %mul3A_276 : i32
          %dma_start3A_307 = tpu.memref_slice %arg4[%add3A_306] : memref<786432xf32, #tpu.memory_space<hbm>> -> memref<2048xf32, #tpu.memory_space<hbm>>
          %dma_start3A_308 = tpu.memref_slice %arg4[%add3A_306] : memref<786432xf32, #tpu.memory_space<hbm>> -> memref<2048xf32, #tpu.memory_space<hbm>>
          tpu.enqueue_dma source(%dma_start3A_308 : memref<2048xf32, #tpu.memory_space<hbm>>) target(%arg16 : memref<2048xf32, #tpu.memory_space<vmem>>) target_semaphore(%arg22 : memref<!tpu.dma_semaphore, #tpu.memory_space<semaphore_mem>>)
        } else {
        }
        %mul3A_255 = arith.constant 2048 : i32
        %mul3A_256 = arith.muli %add3A_223, %mul3A_255 : i32
        %mul3A_257 = arith.constant 64 : i32
        %mul3A_258 = arith.muli %scan3A_12, %mul3A_257 : i32
        %add3A_259 = arith.addi %mul3A_258, %mul3A_2 : i32
        %mul3A_260 = arith.constant 65536 : i32
        %mul3A_261 = arith.muli %add3A_259, %mul3A_260 : i32
        %add3A_262 = arith.addi %mul3A_261, %mul3A_256 : i32
        %dma_start3A_263 = tpu.memref_slice %arg5[%add3A_262] : memref<16777216xf32, #tpu.memory_space<hbm>> -> memref<2048xf32, #tpu.memory_space<hbm>>
        %dma_start3A_264 = tpu.memref_slice %arg5[%add3A_262] : memref<16777216xf32, #tpu.memory_space<hbm>> -> memref<2048xf32, #tpu.memory_space<hbm>>
        tpu.enqueue_dma source(%arg18 : memref<2048xf32, #tpu.memory_space<vmem>>) target(%dma_start3A_264 : memref<2048xf32, #tpu.memory_space<hbm>>) target_semaphore(%arg24 : memref<!tpu.dma_semaphore, #tpu.memory_space<semaphore_mem>>)
        %mul3A_265 = arith.constant 64 : i32
        %mul3A_266 = arith.muli %scan3A_12, %mul3A_265 : i32
        %add3A_267 = arith.addi %mul3A_266, %add3A_4 : i32
        %mul3A_268 = arith.constant 65536 : i32
        %mul3A_269 = arith.muli %add3A_267, %mul3A_268 : i32
        %add3A_270 = arith.addi %mul3A_269, %mul3A_256 : i32
        %dma_start3A_271 = tpu.memref_slice %arg5[%add3A_270] : memref<16777216xf32, #tpu.memory_space<hbm>> -> memref<2048xf32, #tpu.memory_space<hbm>>
        %dma_start3A_272 = tpu.memref_slice %arg5[%add3A_270] : memref<16777216xf32, #tpu.memory_space<hbm>> -> memref<2048xf32, #tpu.memory_space<hbm>>
        tpu.enqueue_dma source(%arg20 : memref<2048xf32, #tpu.memory_space<vmem>>) target(%dma_start3A_272 : memref<2048xf32, #tpu.memory_space<hbm>>) target_semaphore(%arg24 : memref<!tpu.dma_semaphore, #tpu.memory_space<semaphore_mem>>)
      }
      %scan3A_154 = arith.constant 16 : i32
      %dma_wait3A = arith.constant 0 : i32
      %dma_wait3A_155 = tpu.memref_slice %arg5[%dma_wait3A] : memref<16777216xf32, #tpu.memory_space<hbm>> -> memref<2048xf32, #tpu.memory_space<hbm>>
      %dma_wait3A_156 = arith.constant 0 : i32
      %dma_wait3A_157 = tpu.memref_slice %arg5[%dma_wait3A_156] : memref<16777216xf32, #tpu.memory_space<hbm>> -> memref<2048xf32, #tpu.memory_space<hbm>>
      tpu.wait_dma2 semaphore(%arg23 : memref<!tpu.dma_semaphore, #tpu.memory_space<semaphore_mem>>) src(%arg17 : memref<2048xf32, #tpu.memory_space<vmem>>) dst(%dma_wait3A_157 : memref<2048xf32, #tpu.memory_space<hbm>>)
      %dma_wait3A_158 = arith.constant 0 : i32
      %dma_wait3A_159 = tpu.memref_slice %arg5[%dma_wait3A_158] : memref<16777216xf32, #tpu.memory_space<hbm>> -> memref<2048xf32, #tpu.memory_space<hbm>>
      %dma_wait3A_160 = arith.constant 0 : i32
      %dma_wait3A_161 = tpu.memref_slice %arg5[%dma_wait3A_160] : memref<16777216xf32, #tpu.memory_space<hbm>> -> memref<2048xf32, #tpu.memory_space<hbm>>
      tpu.wait_dma2 semaphore(%arg23 : memref<!tpu.dma_semaphore, #tpu.memory_space<semaphore_mem>>) src(%arg19 : memref<2048xf32, #tpu.memory_space<vmem>>) dst(%dma_wait3A_161 : memref<2048xf32, #tpu.memory_space<hbm>>)
      %dma_wait3A_162 = arith.constant 0 : i32
      %dma_wait3A_163 = tpu.memref_slice %arg5[%dma_wait3A_162] : memref<16777216xf32, #tpu.memory_space<hbm>> -> memref<2048xf32, #tpu.memory_space<hbm>>
      %dma_wait3A_164 = arith.constant 0 : i32
      %dma_wait3A_165 = tpu.memref_slice %arg5[%dma_wait3A_164] : memref<16777216xf32, #tpu.memory_space<hbm>> -> memref<2048xf32, #tpu.memory_space<hbm>>
      tpu.wait_dma2 semaphore(%arg24 : memref<!tpu.dma_semaphore, #tpu.memory_space<semaphore_mem>>) src(%arg18 : memref<2048xf32, #tpu.memory_space<vmem>>) dst(%dma_wait3A_165 : memref<2048xf32, #tpu.memory_space<hbm>>)
      %dma_wait3A_166 = arith.constant 0 : i32
      %dma_wait3A_167 = tpu.memref_slice %arg5[%dma_wait3A_166] : memref<16777216xf32, #tpu.memory_space<hbm>> -> memref<2048xf32, #tpu.memory_space<hbm>>
      %dma_wait3A_168 = arith.constant 0 : i32
      %dma_wait3A_169 = tpu.memref_slice %arg5[%dma_wait3A_168] : memref<16777216xf32, #tpu.memory_space<hbm>> -> memref<2048xf32, #tpu.memory_space<hbm>>
      tpu.wait_dma2 semaphore(%arg24 : memref<!tpu.dma_semaphore, #tpu.memory_space<semaphore_mem>>) src(%arg20 : memref<2048xf32, #tpu.memory_space<vmem>>) dst(%dma_wait3A_169 : memref<2048xf32, #tpu.memory_space<hbm>>)
    }
    %scan3A_11 = arith.constant 4 : i32
    return
  }
}

module attributes {stable_mosaic.version = 14 : i64} {
  func.func @_prep_body(%arg0: i32, %arg1: memref<1x3x65536xf32, #tpu.memory_space<vmem>>, %arg2: memref<1x3x65536xf32, #tpu.memory_space<vmem>>, %arg3: memref<1x2x65536xi32, #tpu.memory_space<vmem>>, %arg4: memref<1x3x65536xf32, #tpu.memory_space<vmem>>) attributes {dimension_semantics = [#tpu.dimension_semantics<arbitrary>], iteration_bounds = array<i64: 4>, scalar_prefetch = 0 : i64, scratch_operands = 0 : i64, tpu.core_type = #tpu.core_type<tc>, window_params = [{transform_indices = @transform_0, window_bounds = array<i64: 1, 3, 65536>}, {transform_indices = @transform_1, window_bounds = array<i64: 1, 3, 65536>}, {transform_indices = @transform_2, window_bounds = array<i64: 1, 2, 65536>}, {transform_indices = @transform_3, window_bounds = array<i64: 1, 3, 65536>}]} {
    %get3A = arith.constant 0 : index
    %get3A_0 = arith.constant 0 : index
    %get3A_1 = arith.constant 0 : index
    %get3A_2 = vector.load %arg1[%get3A, %get3A_0, %get3A_1] : memref<1x3x65536xf32, #tpu.memory_space<vmem>>, vector<1x3x65536xf32>
    %get3A_3 = vector.shape_cast %get3A_2 : vector<1x3x65536xf32> to vector<3x65536xf32>
    %reduce_sum3A = arith.constant dense<0.000000e+00> : vector<3xf32>
    %reduce_sum3A_4 = vector.multi_reduction <add>, %get3A_3, %reduce_sum3A [1] : vector<3x65536xf32> to vector<3xf32>
    %broadcast_in_dim3A = vector.shape_cast %reduce_sum3A_4 : vector<3xf32> to vector<3x1xf32>
    %div3A = arith.constant 6.553600e+04 : f32
    %div3A_5 = vector.broadcast %div3A : f32 to vector<3x1xf32>
    %div3A_6 = arith.divf %broadcast_in_dim3A, %div3A_5 : vector<3x1xf32>
    %sub3A = vector.broadcast %div3A_6 : vector<3x1xf32> to vector<3x65536xf32>
    %sub3A_7 = arith.subf %get3A_3, %sub3A : vector<3x65536xf32>
    %mul3A = arith.mulf %sub3A_7, %sub3A_7 : vector<3x65536xf32>
    %reduce_sum3A_8 = arith.constant dense<0.000000e+00> : vector<65536xf32>
    %reduce_sum3A_9 = vector.multi_reduction <add>, %mul3A, %reduce_sum3A_8 [0] : vector<3x65536xf32> to vector<65536xf32>
    %broadcast_in_dim3A_10 = vector.shape_cast %reduce_sum3A_9 : vector<65536xf32> to vector<1x65536xf32>
    %sqrt3A = math.sqrt %broadcast_in_dim3A_10 : vector<1x65536xf32>
    %reduce_max3A = vector.shape_cast %sqrt3A : vector<1x65536xf32> to vector<1x1x65536xf32>
    %reduce_max3A_11 = arith.constant dense<0xFF800000> : vector<1xf32>
    %reduce_max3A_12 = vector.multi_reduction <maximumf>, %reduce_max3A, %reduce_max3A_11 [1, 2] : vector<1x1x65536xf32> to vector<1xf32>
    %reduce_max3A_13 = vector.shape_cast %reduce_max3A_12 : vector<1xf32> to vector<1x1x1xf32>
    %reduce_max3A_14 = vector.extract %reduce_max3A_13[0, 0, 0] : f32 from vector<1x1x1xf32>
    %mul3A_15 = arith.constant 2.000000e+00 : f32
    %mul3A_16 = arith.mulf %reduce_max3A_14, %mul3A_15 : f32
    %div3A_17 = vector.broadcast %mul3A_16 : f32 to vector<3x65536xf32>
    %div3A_18 = arith.divf %sub3A_7, %div3A_17 : vector<3x65536xf32>
    %add3A = arith.constant 5.000000e-01 : f32
    %add3A_19 = vector.broadcast %add3A : f32 to vector<3x65536xf32>
    %add3A_20 = arith.addf %div3A_18, %add3A_19 : vector<3x65536xf32>
    %mul3A_21 = arith.constant 3.200000e+01 : f32
    %mul3A_22 = vector.broadcast %mul3A_21 : f32 to vector<3x65536xf32>
    %mul3A_23 = arith.mulf %add3A_20, %mul3A_22 : vector<3x65536xf32>
    %jit3A = arith.constant 0.000000e+00 : f32
    %jit3A_24 = arith.constant 3.100000e+01 : f32
    %max3A = vector.broadcast %jit3A : f32 to vector<3x65536xf32>
    %max3A_25 = arith.maximumf %max3A, %mul3A_23 : vector<3x65536xf32>
    %min3A = vector.broadcast %jit3A_24 : f32 to vector<3x65536xf32>
    %min3A_26 = arith.minimumf %min3A, %max3A_25 : vector<3x65536xf32>
    %get3A_27 = arith.constant 0 : index
    %get3A_28 = arith.constant 0 : index
    %get3A_29 = arith.constant 0 : index
    %get3A_30 = vector.load %arg2[%get3A_27, %get3A_28, %get3A_29] : memref<1x3x65536xf32, #tpu.memory_space<vmem>>, vector<1x3x65536xf32>
    %get3A_31 = vector.shape_cast %get3A_30 : vector<1x3x65536xf32> to vector<3x65536xf32>
    %reduce_sum3A_32 = arith.constant dense<0.000000e+00> : vector<3xf32>
    %reduce_sum3A_33 = vector.multi_reduction <add>, %get3A_31, %reduce_sum3A_32 [1] : vector<3x65536xf32> to vector<3xf32>
    %broadcast_in_dim3A_34 = vector.shape_cast %reduce_sum3A_33 : vector<3xf32> to vector<3x1xf32>
    %div3A_35 = arith.constant 6.553600e+04 : f32
    %div3A_36 = vector.broadcast %div3A_35 : f32 to vector<3x1xf32>
    %div3A_37 = arith.divf %broadcast_in_dim3A_34, %div3A_36 : vector<3x1xf32>
    %sub3A_38 = vector.broadcast %div3A_37 : vector<3x1xf32> to vector<3x65536xf32>
    %sub3A_39 = arith.subf %get3A_31, %sub3A_38 : vector<3x65536xf32>
    %mul3A_40 = arith.mulf %sub3A_39, %sub3A_39 : vector<3x65536xf32>
    %reduce_sum3A_41 = arith.constant dense<0.000000e+00> : vector<65536xf32>
    %reduce_sum3A_42 = vector.multi_reduction <add>, %mul3A_40, %reduce_sum3A_41 [0] : vector<3x65536xf32> to vector<65536xf32>
    %broadcast_in_dim3A_43 = vector.shape_cast %reduce_sum3A_42 : vector<65536xf32> to vector<1x65536xf32>
    %sqrt3A_44 = math.sqrt %broadcast_in_dim3A_43 : vector<1x65536xf32>
    %reduce_max3A_45 = vector.shape_cast %sqrt3A_44 : vector<1x65536xf32> to vector<1x1x65536xf32>
    %reduce_max3A_46 = arith.constant dense<0xFF800000> : vector<1xf32>
    %reduce_max3A_47 = vector.multi_reduction <maximumf>, %reduce_max3A_45, %reduce_max3A_46 [1, 2] : vector<1x1x65536xf32> to vector<1xf32>
    %reduce_max3A_48 = vector.shape_cast %reduce_max3A_47 : vector<1xf32> to vector<1x1x1xf32>
    %reduce_max3A_49 = vector.extract %reduce_max3A_48[0, 0, 0] : f32 from vector<1x1x1xf32>
    %mul3A_50 = arith.constant 2.000000e+00 : f32
    %mul3A_51 = arith.mulf %reduce_max3A_49, %mul3A_50 : f32
    %div3A_52 = vector.broadcast %mul3A_51 : f32 to vector<3x65536xf32>
    %div3A_53 = arith.divf %sub3A_39, %div3A_52 : vector<3x65536xf32>
    %add3A_54 = arith.constant 5.000000e-01 : f32
    %add3A_55 = vector.broadcast %add3A_54 : f32 to vector<3x65536xf32>
    %add3A_56 = arith.addf %div3A_53, %add3A_55 : vector<3x65536xf32>
    %mul3A_57 = arith.constant 3.200000e+01 : f32
    %mul3A_58 = vector.broadcast %mul3A_57 : f32 to vector<3x65536xf32>
    %mul3A_59 = arith.mulf %add3A_56, %mul3A_58 : vector<3x65536xf32>
    %jit3A_60 = arith.constant 0.000000e+00 : f32
    %jit3A_61 = arith.constant 3.100000e+01 : f32
    %max3A_62 = vector.broadcast %jit3A_60 : f32 to vector<3x65536xf32>
    %max3A_63 = arith.maximumf %max3A_62, %mul3A_59 : vector<3x65536xf32>
    %min3A_64 = vector.broadcast %jit3A_61 : f32 to vector<3x65536xf32>
    %min3A_65 = arith.minimumf %min3A_64, %max3A_63 : vector<3x65536xf32>
    %round3A = math.roundeven %min3A_65 : vector<3x65536xf32>
    %convert_element_type3A = arith.fptosi %round3A : vector<3x65536xf32> to vector<3x65536xi32>
    %slice3A = vector.extract_strided_slice %convert_element_type3A {offsets = [0, 0], sizes = [1, 65536], strides = [1, 1]} : vector<3x65536xi32> to vector<1x65536xi32>
    %mul3A_66 = arith.constant 1024 : i32
    %mul3A_67 = vector.broadcast %mul3A_66 : i32 to vector<1x65536xi32>
    %mul3A_68 = arith.muli %slice3A, %mul3A_67 : vector<1x65536xi32>
    %slice3A_69 = vector.extract_strided_slice %convert_element_type3A {offsets = [1, 0], sizes = [1, 65536], strides = [1, 1]} : vector<3x65536xi32> to vector<1x65536xi32>
    %mul3A_70 = arith.constant 32 : i32
    %mul3A_71 = vector.broadcast %mul3A_70 : i32 to vector<1x65536xi32>
    %mul3A_72 = arith.muli %slice3A_69, %mul3A_71 : vector<1x65536xi32>
    %add3A_73 = arith.addi %mul3A_68, %mul3A_72 : vector<1x65536xi32>
    %slice3A_74 = vector.extract_strided_slice %convert_element_type3A {offsets = [2, 0], sizes = [1, 65536], strides = [1, 1]} : vector<3x65536xi32> to vector<1x65536xi32>
    %add3A_75 = arith.addi %add3A_73, %slice3A_74 : vector<1x65536xi32>
    %floor3A = math.floor %min3A_26 : vector<3x65536xf32>
    %sub3A_76 = arith.subf %min3A_26, %floor3A : vector<3x65536xf32>
    %swap3A = arith.constant 0 : index
    %swap3A_77 = arith.constant 0 : index
    %swap3A_78 = arith.constant 0 : index
    %swap3A_79 = vector.load %arg4[%swap3A, %swap3A_77, %swap3A_78] : memref<1x3x65536xf32, #tpu.memory_space<vmem>>, vector<1x3x65536xf32>
    %swap3A_80 = vector.shape_cast %swap3A_79 : vector<1x3x65536xf32> to vector<3x65536xf32>
    %swap3A_81 = vector.shape_cast %sub3A_76 : vector<3x65536xf32> to vector<1x3x65536xf32>
    tpu.vector_store %arg4[%swap3A, %swap3A_77, %swap3A_78], %swap3A_81 {strides = array<i32>} : memref<1x3x65536xf32, #tpu.memory_space<vmem>>, vector<1x3x65536xf32>,
    %convert_element_type3A_82 = arith.fptosi %floor3A : vector<3x65536xf32> to vector<3x65536xi32>
    %slice3A_83 = vector.extract_strided_slice %convert_element_type3A_82 {offsets = [0, 0], sizes = [1, 65536], strides = [1, 1]} : vector<3x65536xi32> to vector<1x65536xi32>
    %mul3A_84 = arith.constant 1024 : i32
    %mul3A_85 = vector.broadcast %mul3A_84 : i32 to vector<1x65536xi32>
    %mul3A_86 = arith.muli %slice3A_83, %mul3A_85 : vector<1x65536xi32>
    %slice3A_87 = vector.extract_strided_slice %convert_element_type3A_82 {offsets = [1, 0], sizes = [1, 65536], strides = [1, 1]} : vector<3x65536xi32> to vector<1x65536xi32>
    %mul3A_88 = arith.constant 32 : i32
    %mul3A_89 = vector.broadcast %mul3A_88 : i32 to vector<1x65536xi32>
    %mul3A_90 = arith.muli %slice3A_87, %mul3A_89 : vector<1x65536xi32>
    %add3A_91 = arith.addi %mul3A_86, %mul3A_90 : vector<1x65536xi32>
    %slice3A_92 = vector.extract_strided_slice %convert_element_type3A_82 {offsets = [2, 0], sizes = [1, 65536], strides = [1, 1]} : vector<3x65536xi32> to vector<1x65536xi32>
    %add3A_93 = arith.addi %add3A_91, %slice3A_92 : vector<1x65536xi32>
    %concatenate3A = tpu.concatenate %add3A_93, %add3A_75 in 0 : vector<1x65536xi32>, vector<1x65536xi32> -> vector<2x65536xi32>
    %swap3A_94 = arith.constant 0 : index
    %swap3A_95 = arith.constant 0 : index
    %swap3A_96 = arith.constant 0 : index
    %swap3A_97 = vector.load %arg3[%swap3A_94, %swap3A_95, %swap3A_96] : memref<1x2x65536xi32, #tpu.memory_space<vmem>>, vector<1x2x65536xi32>
    %swap3A_98 = vector.shape_cast %swap3A_97 : vector<1x2x65536xi32> to vector<2x65536xi32>
    %swap3A_99 = vector.shape_cast %concatenate3A : vector<2x65536xi32> to vector<1x2x65536xi32>
    tpu.vector_store %arg3[%swap3A_94, %swap3A_95, %swap3A_96], %swap3A_99 {strides = array<i32>} : memref<1x2x65536xi32, #tpu.memory_space<vmem>>, vector<1x2x65536xi32>,
    return
  }
  func.func @transform_0(%arg0: i32) -> (i32, i32, i32) {
    %c0_i32 = arith.constant 0 : i32
    %c0_i32_0 = arith.constant 0 : i32
    %c0_i32_1 = arith.constant 0 : i32
    return %arg0, %c0_i32, %c0_i32_0 : i32, i32, i32
  }
  func.func @transform_1(%arg0: i32) -> (i32, i32, i32) {
    %c0_i32 = arith.constant 0 : i32
    %c0_i32_0 = arith.constant 0 : i32
    %c0_i32_1 = arith.constant 0 : i32
    return %arg0, %c0_i32, %c0_i32_0 : i32, i32, i32
  }
  func.func @transform_2(%arg0: i32) -> (i32, i32, i32) {
    %c0_i32 = arith.constant 0 : i32
    %c0_i32_0 = arith.constant 0 : i32
    %c0_i32_1 = arith.constant 0 : i32
    return %arg0, %c0_i32, %c0_i32_0 : i32, i32, i32
  }
  func.func @transform_3(%arg0: i32) -> (i32, i32, i32) {
    %c0_i32 = arith.constant 0 : i32
    %c0_i32_0 = arith.constant 0 : i32
    %c0_i32_1 = arith.constant 0 : i32
    return %arg0, %c0_i32, %c0_i32_0 : i32, i32, i32
  }
}

</mosaic_0001>

<sc_bundles>
// kernel: kernel.4.cloned.1.call-start
scs
__scs_entry_jumppad:
0x0: {  	(pc) =	sbr.rel $0x88, $3  }
0x1: {  	(tag) =	ssettag $0x0;
	lr =	simm.s32 $0x1  }
0x2: {  	[smem:$0x3F9D] =	sst lr;
	_ =	strace $0xD0000000  }
0x3: {  	_ = 	snop  }
0x4: {  	_ = 	snop  }
0x5: {  	_ = 	snop  }
0x6: {  	_ = 	snop  }
0x7: {  	_ = 	snop  }
__scs_overlays_trampoline_lowered:
0x8: {  	[smem:$0x3FAC] =	sst s0  }
0x9: {  	[smem:$0x3FAD] =	sst s1  }
0xa: {  	[smem:$0x3FAE] =	sst s2  }
0xb: {  	[smem:$0x3FAF] =	sst s3  }
0xc: {  	[smem:$0x3FB0] =	sst s4  }
0xd: {  	[smem:$0x3FB1] =	sst s5  }
0xe: {  	[smem:$0x3FB2] =	sst s6  }
0xf: {  	[smem:$0x3FB3] =	sst s7  }
0x10: {  	[smem:$0x3FB4] =	sst s8  }
0x11: {  	[smem:$0x3FB5] =	sst s9;
	s0 =	simm.s32 @!p0 $0x0  }
0x12: {  	s1 =	sld [smem:$0x3F9B];
	s0 =	simm.s32 @p0 $0x1  }
0x13: {  	[smem:$0x3FB6] =	sst s0;
	s0 =	simm.s32 @!p1 $0x0  }
0x14: {  	s2 =	sld [smem:$0x3F9A];
	s0 =	simm.s32 @p1 $0x1  }
0x15: {  	[smem:$0x3FB7] =	sst s0;
	s0 =	simm.s32 @!p2 $0x0  }
0x16: {  	s3 =	sld [smem:$0x3FDB];
	s0 =	simm.s32 @p2 $0x1  }
0x17: {  	s4 =	simm.s32 $0x1BF5;
	[smem:$0x3FB9] =	sst s0  }
0x18: {  	s0 =	sld [smem:$0x3F9C];
	_ =	swait.ge [sflag:s4], $0x0  }
0x19: {  	s7 =	sld [smem:$0x3F9D]  }
0x1a: {  	s8 =	sadd.s32 $0xFFFFE003, lr  }
0x1b: {  	s9 =	sadd.s32 $0xFFFFFEF7, lr;
	s5 =	simm.s32 $0xFFFFFFFF;
	p2 =	slt.u32 s8, $0xFFFFF086  }
0x1c: {  	p1 =	slt.u32 s9, $0xF7A;
	s5 =	simm.s32 @!p2 $0x0  }
0x1d: {  	s5 =	simm.s32 @p1 $0x1;
	p0 =	seq.s32 s7, s2  }
0x1e: {  	s7 =	smul.u32 @!p0 $0xF7A, s2;
	p2 =	seq.s32 @!p0 s5, $0x0  }
0x1f: {  	s9 =	smul.u32 $0xF7A, s1;
	s8 =	simm.s32 @!p0 $0x1BF5;
	p2 =	por !p2, p0  }
0x20: {  	[sflag:s8] =	ssyncset.s32 @!p0 $0xFFFFF086;
	s6 =	sadd.s32 @!p0 s3, s7;
	s7 =	simm.s32 @!p0 $0x108  }
0x21: {  	s3 =	sadd.s32 s3, s9;
	s6 =	sadd.s32 @!p0 $0x88, s6;
	s7 =	simm.s32 @p2 $0x1082  }
0x22: {  	[simem:s7], [sflag:s8] =	dma.local @!p0 [hbm:s6], $0xF7A  }
0x23: {  	s9 =	sor.u32 $0xD0000000, s2;
	s6 =	simm.s32 $0x108;
	_ =	swait.ge @!p0 [sflag:s8], $0x0  }
0x24: {  	s3 =	sadd.s32 $0x88, s3;
	s6 =	simm.s32 @!p1 $0x1082;
	[sflag:s4] =	ssyncset.s32 $0xFFFFF086  }
0x25: {  	[simem:s6], [sflag:s4] =	dma.local [hbm:s3], $0xF7A  }
0x26: {  	[smem:$0x3F9D] =	sst s1;
	(tag) =	ssettag s2;
	_ =	strace s9  }
0x27: {  	s1 =	sld [smem:$0x3FAD]  }
0x28: {  	s2 =	sld [smem:$0x3FAE]  }
0x29: {  	s4 =	sld [smem:$0x3FB0]  }
0x2a: {  	p0 =	seq.s32 s5, $0x0;
	s5 =	sld [smem:$0x3FB1]  }
0x2b: {  	s6 =	sld [smem:$0x3FB2]  }
0x2c: {  	s7 =	sld [smem:$0x3FB3]  }
0x2d: {  	s3 =	simm.s32 $0x108;
	s8 =	sld [smem:$0x3FB4]  }
0x2e: {  	s3 =	simm.s32 @!p0 $0x1082;
	s9 =	sld [smem:$0x3FB5]  }
0x2f: {  	lr =	sadd.s32 s0, s3;
	s0 =	sld [smem:$0x3FAC]  }
0x30: {  	s3 =	sld [smem:$0x3FAF]  }
0x31: {  	[smem:$0x3FB8] =	sst s10  }
0x32: {  	s10 =	sld [smem:$0x3FB6];
	_ =	sdelay $0x3  }
0x33: {  	p0 =	seq.s32 s10, $0x1;
	s10 =	sld [smem:$0x3FB8];
	_ =	sdelay $0x3  }
0x34: {  	[smem:$0x3FB8] =	sst s10  }
0x35: {  	s10 =	sld [smem:$0x3FB7];
	_ =	sdelay $0x3  }
0x36: {  	p1 =	seq.s32 s10, $0x1;
	s10 =	sld [smem:$0x3FB8];
	_ =	sdelay $0x3  }
0x37: {  	[smem:$0x3FB8] =	sst s10  }
0x38: {  	s10 =	sld [smem:$0x3FB9]  }
0x39: {  	_ = 	snop;
	(pc) =	sbr.ind lr, $3  }
0x3a: {  	_ = 	snop  }
0x3b: {  	_ = 	snop  }
0x3c: {  	p2 =	seq.s32 s10, $0x1;
	s10 =	sld [smem:$0x3FB8]  }
0x3d: {  	_ =	shalt  }
0x3e: {  	_ =	shalt  }
0x3f: {  	_ =	shalt  }
0x40: {  	_ =	shalt  }
0x41: {  	_ =	shalt  }
0x42: {  	_ =	shalt  }
0x43: {  	_ =	shalt  }
0x44: {  	_ =	shalt  }
0x45: {  	_ =	shalt  }
0x46: {  	_ =	shalt  }
0x47: {  	_ =	shalt  }
0x48: {  	_ =	shalt  }
0x49: {  	_ =	shalt  }
0x4a: {  	_ =	shalt  }
0x4b: {  	_ =	shalt  }
0x4c: {  	_ =	shalt  }
0x4d: {  	_ =	shalt  }
0x4e: {  	_ =	shalt  }
0x4f: {  	_ =	shalt  }
0x50: {  	_ =	shalt  }
0x51: {  	_ =	shalt  }
0x52: {  	_ =	shalt  }
0x53: {  	_ =	shalt  }
0x54: {  	_ =	shalt  }
0x55: {  	_ =	shalt  }
0x56: {  	_ =	shalt  }
0x57: {  	_ =	shalt  }
0x58: {  	_ =	shalt  }
0x59: {  	_ =	shalt  }
0x5a: {  	_ =	shalt  }
0x5b: {  	_ =	shalt  }
0x5c: {  	_ =	shalt  }
0x5d: {  	_ =	shalt  }
0x5e: {  	_ =	shalt  }
0x5f: {  	_ =	shalt  }
0x60: {  	_ =	shalt  }
0x61: {  	_ =	shalt  }
0x62: {  	_ =	shalt  }
0x63: {  	_ =	shalt  }
0x64: {  	_ =	shalt  }
0x65: {  	_ =	shalt  }
0x66: {  	_ =	shalt  }
0x67: {  	_ =	shalt  }
0x68: {  	_ =	shalt  }
0x69: {  	_ =	shalt  }
0x6a: {  	_ =	shalt  }
0x6b: {  	_ =	shalt  }
0x6c: {  	_ =	shalt  }
0x6d: {  	_ =	shalt  }
0x6e: {  	_ =	shalt  }
0x6f: {  	_ =	shalt  }
0x70: {  	_ =	shalt  }
0x71: {  	_ =	shalt  }
0x72: {  	_ =	shalt  }
0x73: {  	_ =	shalt  }
0x74: {  	_ =	shalt  }
0x75: {  	_ =	shalt  }
0x76: {  	_ =	shalt  }
0x77: {  	_ =	shalt  }
0x78: {  	_ =	shalt  }
0x79: {  	_ =	shalt  }
0x7a: {  	_ =	shalt  }
0x7b: {  	_ =	shalt  }
0x7c: {  	_ =	shalt  }
0x7d: {  	_ =	shalt  }
0x7e: {  	_ =	shalt  }
0x7f: {  	_ =	shalt  }
0x80: {  	_ =	shalt  }
0x81: {  	_ =	shalt  }
0x82: {  	_ =	shalt  }
0x83: {  	_ =	shalt  }
0x84: {  	_ =	shalt  }
0x85: {  	_ =	shalt  }
0x86: {  	_ =	shalt  }
0x87: {  	_ =	shalt  }
.Lfunc_end0:
.L_simem_size_0:
called_computation.1_lowered:
.L_overlay_start_0:
0x88: {  	s2 =	sld [smem:$0x3FD9]  }
0x89: {  	s3 =	sld [smem:$0x3FFE];
	_ =	sdelay $0x1  }
0x8a: {  	s1 =	srdreg.scid  }
0x8b: {  	s0 =	sand.u32 $0x1, s1  }
0x8c: {  	s17 =	sshll.u32 s0, $0xA;
	s2 =	sadd.s32 s3, s2  }
0x8d: {  	s2 =	sadd.s32 s2, s17  }
0x8e: {  	[smem:$0x3FC4] =	sst s2  }
0x8f: {  	_ = 	snop  }
0x90: {  	s2 =	sld [smem:$0x3FD0];
	(tm) =	ssettm $0x1  }
0x91: {  	s18 =	sld [smem:$0x3FFB];
	_ =	sdelay $0x3  }
0x92: {  	_ =	strace s18  }
0x93: {  	s3 =	sld [smem:$0x3FFC];
	_ =	sdelay $0x3  }
0x94: {  	_ =	strace s3  }
0x95: {  	s3 =	sld [smem:$0x3FFD];
	_ =	sdelay $0x3  }
0x96: {  	_ =	strace s3  }
0x97: {  	_ =	strace $0x8FFFFFFF  }
0x98: {  	s19 =	sld [smem:$0x3FDB];
	_ =	sdelay $0x1  }
0x99: {  	s4 =	simm.s32 $_scs_section_size  }
0x9a: {  	s5 =	simm.s32 $_size__tile_overlayer_lowered;
	s6 =	simm.s32 $_tile_overlayer_lowered  }
0x9b: {  	s22 =	simm.s32 $0x1BFF;
	s21 =	sshll.u32 s6, $0x1;
	s3 =	sadd.s32 s4, s19  }
0x9c: {  	s7 =	simm.s32 $0x0;
	s20 =	sshll.u32 s5, $0x1;
	s5 =	sadd.s32 s21, s3  }
0x9d: {  	[timem:s7], [sflag:s22] =	dma.local [hbm:s5], s20  }
0x9e: {  	_ =	swait.ge [sflag:s22], s20  }
0x9f: {  	s4 =	ssub.s32 $0x0, s20;
	[sflag:s22] =	ssyncset.done $0x0  }
0xa0: {  	[sflag:s22] =	ssyncadd.s32 s4;
	_ =	sdelay $0x1  }
0xa1: {  	s23 =	simm.s32 $0x1B8B  }
0xa2: {  	_ =	swait.ge [sflag:s23], $0x1  }
0xa3: {  	[sflag:s23] =	ssyncset.done $0x0  }
0xa4: {  	s25 =	simm.s32 $0x1B8E;
	s24 =	sld [smem:$0x3FFE];
	[sflag:s23] =	ssyncadd.s32 $0xFFFFFFFF  }
0xa5: {  	s26 =	simm.s32 $execute0_lowered;
	[smem:$0x3FD2] =	sst s25  }
0xa6: {  	s5 =	sshll.u32 s26, $0x1;
	_ =	strace $0x80000049;
	[dreg:$0x1] =	wrdreg $0xFFFFFFFF  }
0xa7: {  	s28 =	simm.s32 $_size_execute0_lowered;
	s3 =	sadd.s32 s3, s5;
	[dreg:$0x0] =	wrdreg $0x0  }
0xa8: {  	s5 =	sshll.u32 s28, $0x1;
	[dreg:$0x2] =	wrdreg s3  }
0xa9: {  	[dreg:$0x3] =	wrdreg s5  }
0xaa: {  	[dreg:$0x4] =	wrdreg $0xC0  }
0xab: {  	_ =	task [dreg:s7], $0x5FFFF  }
0xac: {  	[dreg:$0x1] =	wrdreg $0xFFFFFFFF  }
0xad: {  	[dreg:$0x0] =	wrdreg $0x60  }
0xae: {  	[dreg:$0x2] =	wrdreg s24  }
0xaf: {  	[dreg:$0x3] =	wrdreg s2  }
0xb0: {  	[dreg:$0x4] =	wrdreg $0x9  }
0xb1: {  	_ =	task.clear_ibuf [dreg:s7], $0x5FFFF;
	_ =	strace $0x90000049  }
0xb2: {  	s29 =	simm.s32 $0x9;
	_ =	strace $0x8000004B  }
0xb3: {  	_ =	swait.ge [sflag:s29], $0x1  }
0xb4: {  	[sflag:s29] =	ssyncadd.s32 $0xFFFFFFFF  }
0xb5: {  	_ =	strace $0x9000004B  }
0xb6: {  	_ =	sfence  }
0xb7: {  	s30 =	sld [smem:$0x0];
	_ =	sdelay $0x2  }
0xb8: {  	s31 =	sshll.u32 s1, $0xD;
	s1 =	sshrl.u32 s1, $0x2  }
0xb9: {  	s3 =	sand.u32 $0x4000, s31;
	s1 =	sadd.s32 s1, s30  }
0xba: {  	s0 =	sor.u32 s3, s0;
	s1 =	sshll.u32 s1, $0x11  }
0xbb: {  	s0 =	sor.u32 s1, s0  }
0xbc: {  	s0 =	sadd.s32 $0x8F2B, s0  }
0xbd: {  	[sflag:s0] =	ssyncadd.remote.s32 $0x1  }
0xbe: {  	_ =	sfence.sel $0xFFFF  }
0xbf: {  	[dreg:$0x0] =	wrdreg $0xFFFFFFFF;
	(pc) =	sbr.abs _section_cstart, $3  }
0xc0: {  	[dreg:$0x1] =	wrdreg $0xFFFFFFFF  }
0xc1: {  	_ =	task.clear_ibuf [dreg:s7], $0x2FFFF;
	_ =	strace $0x9FFFFFFF  }
0xc2: {  	(tm) =	ssettm $0x7FFFFFFF  }
0xc3: {  	_ =	shalt  }
tec
execute0_lowered:
.L_overlay_start_1:
0x0: {  	(tag) =	ssettag $0x1  }
0x1: {  	s0 =	rddreg [dreg:$0x0]  }
0x2: {  	s1 =	rddreg [dreg:$0x1];
	s2 =	simm.s32 $0x0  }
0x3: {  	s3 =	srdreg.scid;
	s6 =	stileid.u32;
	s15 =	simm.s32 $0x18000  }
0x4: {  	s30 =	simm.s32 $0x1A000;
	s16 =	simm.s32 $0x18800;
	s17 =	simm.s32 $0x19800  }
0x5: {  	s18 =	simm.s32 $0x1A800;
	s19 =	simm.s32 $0x1;
	s20 =	simm.s32 $0x8000  }
0x6: {  	s21 =	simm.s32 $0x10000;
	s22 =	simm.s32 $0x2;
	s28 =	simm.s32 $0x1C800  }
0x7: {  	s29 =	simm.s32 $0x1D800;
	[smem:$0x7FF] =	sst s2;
	s4 =	sadd.s32 $0xE00, s0  }
0x8: {  	s5 =	sadd.s32 $0x200E00, s0;
	s9 =	sshll.u32 s6, $0x2;
	s6 =	sadd.s32 $0x210E00, s0  }
0x9: {  	s3 =	sand.u32 $0x1, s3;
	s24 =	sadd.s32 $0x202F00, s0;
	s25 =	sadd.s32 $0xF00, s0  }
0xa: {  	s26 =	sadd.s32 $0x200F00, s0;
	_ =	strace $0x8000004A;
	[dreg:$0x4] =	wrdreg s24  }
0xb: {  	s0 =	sadd.s32 $0x210F00, s0;
	s7 =	ssub.s32 $0x2, s3;
	[dreg:$0x5] =	wrdreg s25  }
0xc: {  	s3 =	sshll.u32 s3, $0x1;
	[dreg:$0x6] =	wrdreg s26;
	s8 =	sshrl.u32 s7, $0x1  }
0xd: {  	[dreg:$0x7] =	wrdreg s0;
	s3 =	sor.u32 s3, s9;
	s7 =	ssub.s32 s7, s8  }
0xe: {  	v0 =	vimm.f32 $0.0e+00;
	s25 =	simm.s32 $0x19000;
	[dreg:$0x3] =	wrdreg s3;
	s31 =	smax.u32 s7, $0x1  }
0xf: {  	v1 =	vimm.f32 $1.000000000e+00;
	v2 =	vimm.s32 $0x0;
	v3 =	vimm.s32 $0x20;
	s26 =	simm.s32 $0x1D000;
	s3 =	simm.s32 $0x0;
	[dreg:$0x8] =	wrdreg s31  }
.LBB2_1:
0x10: {  	[dreg:$0x9] =	wrdreg s3;
	s31 =	simm.s32 $0x0  }
.LBB2_2:
0x11: {  	s7 =	simm.s32 $0x20  }
0x12: {  	[tilespmem:s7+$0xFFFFFFF0] =	vst v0  }
0x13: {  	[tilespmem:s7+$0x0] =	vst v0  }
0x14: {  	[tilespmem:s7+$0x10] =	vst v0  }
0x15: {  	s0 =	simm.s32 $0x8020;
	[tilespmem:s7+$0xFFFFFFE0] =	vst v0  }
0x16: {  	[tilespmem:s0+$0xFFFFFFF0] =	vst v0  }
0x17: {  	[tilespmem:s0+$0x0] =	vst v0  }
0x18: {  	[tilespmem:s0+$0x10] =	vst v0  }
0x19: {  	s3 =	simm.s32 $0x10020;
	[tilespmem:s0+$0xFFFFFFE0] =	vst v0  }
0x1a: {  	[tilespmem:s3+$0xFFFFFFF0] =	vst v0  }
0x1b: {  	[tilespmem:s3+$0x0] =	vst v0  }
0x1c: {  	[tilespmem:s3+$0x10] =	vst v0  }
0x1d: {  	s8 =	simm.s32 $0x60;
	s7 =	simm.s32 $0x0;
	[tilespmem:s3+$0xFFFFFFE0] =	vst v0  }
.LBB2_3:
0x1e: {  	[tilespmem:s8+$0xFFFFFFF0] =	vst v0;
	s0 =	sadd.s32 $0x40, s0  }
0x1f: {  	s3 =	sadd.s32 $0x40, s3;
	[tilespmem:s0+$0xFFFFFFF0] =	vst v0  }
0x20: {  	[tilespmem:s3+$0xFFFFFFF0] =	vst v0  }
0x21: {  	[tilespmem:s8+$0x0] =	vst v0  }
0x22: {  	[tilespmem:s0+$0x0] =	vst v0  }
0x23: {  	s7 =	sadd.s32 $0x4, s7;
	[tilespmem:s3+$0x0] =	vst v0  }
0x24: {  	p0 =	slt.u32 s7, $0x7FC;
	[tilespmem:s8+$0x10] =	vst v0  }
.Ltmp0:
0x25: {  	[tilespmem:s0+$0x10] =	vst v0;
	(pc) =	sbr.rel @p0 .LBB2_3-.Ltmp0, $4  }
0x26: {  	[tilespmem:s3+$0x10] =	vst v0  }
0x27: {  	[tilespmem:s8+$0xFFFFFFE0] =	vst v0  }
0x28: {  	[tilespmem:s0+$0xFFFFFFE0] =	vst v0  }
0x29: {  	s8 =	sadd.s32 $0x40, s8;
	[tilespmem:s3+$0xFFFFFFE0] =	vst v0  }
0x2a: {  	s12 =	sshll.u32 s31, $0x11  }
0x2b: {  	s7 =	sor.u32 $0x10000, s12  }
0x2c: {  	s8 =	simm.s32 $0x0;
	s0 =	sshrl.u32 s7, $0x3  }
0x2d: {  	s13 =	sshll.u32 s31, $0x6;
	s3 =	rddreg [dreg:$0x3];
	s0 =	sadd.s32 s5, s0  }
0x2e: {  	[tilespmem:s15], [sflag:$0x1] =	stream.linear.gather [hbm4b:s0+s8], $0x800, $0x38;
	[tilespmem:$0x1E000] =	vst v63  }
0x2f: {  	s0 =	sor.u32 s3, s13  }
0x30: {  	s3 =	sshll.u32 s0, $0xD;
	s14 =	sor.u32 $0x1, s0  }
0x31: {  	s9 =	sadd.s32 s4, s3;
	s10 =	sshll.u32 s14, $0xD  }
0x32: {  	[tilespmem:s25], [sflag:$0x1] =	stream.linear.gather [hbm4b:s9+s8], $0x800, $0x38;
	[tilespmem:$0x1E000] =	vst v63  }
0x33: {  	s11 =	sadd.s32 s4, s10  }
0x34: {  	[tilespmem:s30], [sflag:$0x1] =	stream.linear.gather [hbm4b:s11+s8], $0x800, $0x38;
	[tilespmem:$0x1E000] =	vst v63  }
0x35: {  	s13 =	rddreg [dreg:$0x4];
	s11 =	sshll.u32 s31, $0xE  }
0x36: {  	s23 =	rddreg [dreg:$0x5];
	s13 =	sadd.s32 s11, s13  }
0x37: {  	[tilespmem:s16], [sflag:$0x2] =	stream.linear.gather [hbm4b:s13+s8], $0x800, $0x38;
	[tilespmem:$0x1E000] =	vst v63  }
0x38: {  	s3 =	sadd.s32 s3, s23  }
0x39: {  	[tilespmem:s17], [sflag:$0x2] =	stream.linear.gather [hbm4b:s3+s8], $0x800, $0x38;
	[tilespmem:$0x1E000] =	vst v63  }
0x3a: {  	s0 =	sshll.u32 s0, $0x10;
	s24 =	sadd.s32 s10, s23;
	s23 =	sshll.u32 s14, $0x10  }
0x3b: {  	[tilespmem:s18], [sflag:$0x2] =	stream.linear.gather [hbm4b:s24+s8], $0x800, $0x38;
	[tilespmem:$0x1E000] =	vst v63  }
.LBB2_5:
0x3c: {  	_ =	swait.ge [sflag:s19], $0x800  }
0x3d: {  	[sflag:s19] =	ssyncset.done $0x0  }
0x3e: {  	[sflag:s19] =	ssyncadd.s32 $0xFFFFF800  }
0x3f: {  	_ =	swait.ge [sflag:s19], $0x800  }
0x40: {  	[sflag:s19] =	ssyncset.done $0x0  }
0x41: {  	[sflag:s19] =	ssyncadd.s32 $0xFFFFF800  }
0x42: {  	_ =	swait.ge [sflag:s19], $0x800  }
0x43: {  	[sflag:s19] =	ssyncset.done $0x0  }
0x44: {  	s10 =	simm.s32 $0x18080;
	[sflag:s19] =	ssyncadd.s32 $0xFFFFF800  }
0x45: {  	v4 =	vld [tilespmem:s10+$0x70]  }
0x46: {  	v5 =	vld [tilespmem:s10+$0xFFFFFF90]  }
0x47: {  	s3 =	simm.s32 $0x19080;
	v6 =	vld [tilespmem:s10+$0xFFFFFFA0]  }
0x48: {  	v7 =	vld [tilespmem:s3+$0x70]  }
0x49: {  	v8 =	vld [tilespmem:s10+$0xFFFFFFB0]  }
0x4a: {  	v9 =	vld [tilespmem:s10+$0xFFFFFFC0]  }
0x4b: {  	v10 =	vld [tilespmem:s10+$0xFFFFFFD0]  }
0x4c: {  	v11 =	vld [tilespmem:s10+$0xFFFFFFE0]  }
0x4d: {  	v12 =	vld [tilespmem:s10+$0xFFFFFFF0]  }
0x4e: {  	v13 =	vld [tilespmem:s10+$0x0]  }
0x4f: {  	v14 =	vld [tilespmem:s10+$0x10]  }
0x50: {  	v15 =	vld [tilespmem:s10+$0x20]  }
0x51: {  	v63 =	vld [tilespmem:s10+$0x40]  }
0x52: {  	v16 =	vld [tilespmem:s10+$0x50]  }
0x53: {  	v17 =	vld [tilespmem:s10+$0x60]  }
0x54: {  	v18 =	vld [tilespmem:s10+$0xFFFFFF80]  }
0x55: {  	v19 =	vld [tilespmem:s3+$0xFFFFFF80]  }
0x56: {  	v20 =	vld [tilespmem:s3+$0xFFFFFF90]  }
0x57: {  	v21 =	vld [tilespmem:s3+$0xFFFFFFA0]  }
0x58: {  	v22 =	vld [tilespmem:s3+$0xFFFFFFB0]  }
0x59: {  	v23 =	vld [tilespmem:s3+$0xFFFFFFC0]  }
0x5a: {  	v24 =	vld [tilespmem:s3+$0xFFFFFFD0]  }
0x5b: {  	v25 =	vld [tilespmem:s3+$0xFFFFFFE0]  }
0x5c: {  	v26 =	vld [tilespmem:s3+$0xFFFFFFF0]  }
0x5d: {  	v27 =	vld [tilespmem:s3+$0x0]  }
0x5e: {  	v28 =	vld [tilespmem:s3+$0x10]  }
0x5f: {  	v29 =	vld [tilespmem:s3+$0x20]  }
0x60: {  	v30 =	vld [tilespmem:s3+$0x30]  }
0x61: {  	v31 =	vld [tilespmem:s3+$0x40]  }
0x62: {  	v32 =	vld [tilespmem:s3+$0x50]  }
0x63: {  	v33 =	vld [tilespmem:s3+$0x60]  }
0x64: {  	[tilespmem:v4+s2+$0x0] =	vst.idx.add.f32.msk $0xffff, v7  }
0x65: {  	[tilespmem:v18+s2+$0x0] =	vst.idx.add.f32.msk $0xffff, v19  }
0x66: {  	[tilespmem:v5+s2+$0x0] =	vst.idx.add.f32.msk $0xffff, v20  }
0x67: {  	[tilespmem:v6+s2+$0x0] =	vst.idx.add.f32.msk $0xffff, v21  }
0x68: {  	[tilespmem:v8+s2+$0x0] =	vst.idx.add.f32.msk $0xffff, v22  }
0x69: {  	[tilespmem:v9+s2+$0x0] =	vst.idx.add.f32.msk $0xffff, v23  }
0x6a: {  	[tilespmem:v10+s2+$0x0] =	vst.idx.add.f32.msk $0xffff, v24  }
0x6b: {  	[tilespmem:v11+s2+$0x0] =	vst.idx.add.f32.msk $0xffff, v25  }
0x6c: {  	[tilespmem:v12+s2+$0x0] =	vst.idx.add.f32.msk $0xffff, v26  }
0x6d: {  	[tilespmem:v13+s2+$0x0] =	vst.idx.add.f32.msk $0xffff, v27  }
0x6e: {  	[tilespmem:v14+s2+$0x0] =	vst.idx.add.f32.msk $0xffff, v28  }
0x6f: {  	[tilespmem:v15+s2+$0x0] =	vst.idx.add.f32.msk $0xffff, v29  }
0x70: {  	[tilespmem:v63+s2+$0x0] =	vst.idx.add.f32.msk $0xffff, v31  }
0x71: {  	[tilespmem:v16+s2+$0x0] =	vst.idx.add.f32.msk $0xffff, v32  }
0x72: {  	s9 =	simm.s32 $0x1A080;
	[tilespmem:v17+s2+$0x0] =	vst.idx.add.f32.msk $0xffff, v33  }
0x73: {  	v7 =	vld [tilespmem:s9+$0x70]  }
0x74: {  	v19 =	vld [tilespmem:s9+$0xFFFFFF80]  }
0x75: {  	v20 =	vld [tilespmem:s9+$0xFFFFFF90]  }
0x76: {  	v21 =	vld [tilespmem:s9+$0xFFFFFFA0]  }
0x77: {  	v22 =	vld [tilespmem:s9+$0xFFFFFFB0]  }
0x78: {  	v23 =	vld [tilespmem:s9+$0xFFFFFFC0]  }
0x79: {  	v24 =	vld [tilespmem:s9+$0xFFFFFFD0]  }
0x7a: {  	v25 =	vld [tilespmem:s9+$0xFFFFFFE0]  }
0x7b: {  	v26 =	vld [tilespmem:s9+$0xFFFFFFF0]  }
0x7c: {  	v27 =	vld [tilespmem:s9+$0x0]  }
0x7d: {  	v28 =	vld [tilespmem:s9+$0x10]  }
0x7e: {  	v29 =	vld [tilespmem:s9+$0x20]  }
0x7f: {  	v31 =	vld [tilespmem:s9+$0x40]  }
0x80: {  	v32 =	vld [tilespmem:s9+$0x50]  }
0x81: {  	v33 =	vld [tilespmem:s9+$0x60]  }
0x82: {  	[tilespmem:v4+s20+$0x0] =	vst.idx.add.f32.msk $0xffff, v7  }
0x83: {  	[tilespmem:v18+s20+$0x0] =	vst.idx.add.f32.msk $0xffff, v19  }
0x84: {  	[tilespmem:v5+s20+$0x0] =	vst.idx.add.f32.msk $0xffff, v20  }
0x85: {  	[tilespmem:v6+s20+$0x0] =	vst.idx.add.f32.msk $0xffff, v21  }
0x86: {  	[tilespmem:v8+s20+$0x0] =	vst.idx.add.f32.msk $0xffff, v22  }
0x87: {  	[tilespmem:v9+s20+$0x0] =	vst.idx.add.f32.msk $0xffff, v23  }
0x88: {  	[tilespmem:v10+s20+$0x0] =	vst.idx.add.f32.msk $0xffff, v24  }
0x89: {  	[tilespmem:v11+s20+$0x0] =	vst.idx.add.f32.msk $0xffff, v25  }
0x8a: {  	[tilespmem:v12+s20+$0x0] =	vst.idx.add.f32.msk $0xffff, v26  }
0x8b: {  	[tilespmem:v13+s20+$0x0] =	vst.idx.add.f32.msk $0xffff, v27  }
0x8c: {  	[tilespmem:v14+s20+$0x0] =	vst.idx.add.f32.msk $0xffff, v28  }
0x8d: {  	[tilespmem:v15+s20+$0x0] =	vst.idx.add.f32.msk $0xffff, v29  }
0x8e: {  	[tilespmem:v63+s20+$0x0] =	vst.idx.add.f32.msk $0xffff, v31  }
0x8f: {  	[tilespmem:v16+s20+$0x0] =	vst.idx.add.f32.msk $0xffff, v32  }
0x90: {  	[tilespmem:v17+s20+$0x0] =	vst.idx.add.f32.msk $0xffff, v33  }
0x91: {  	[tilespmem:v4+s21+$0x0] =	vst.idx.add.f32.msk $0xffff, v1  }
0x92: {  	v4 =	vld [tilespmem:s10+$0x30]  }
0x93: {  	[tilespmem:v18+s21+$0x0] =	vst.idx.add.f32.msk $0xffff, v1  }
0x94: {  	[tilespmem:v5+s21+$0x0] =	vst.idx.add.f32.msk $0xffff, v1  }
0x95: {  	[tilespmem:v6+s21+$0x0] =	vst.idx.add.f32.msk $0xffff, v1  }
0x96: {  	[tilespmem:v8+s21+$0x0] =	vst.idx.add.f32.msk $0xffff, v1  }
0x97: {  	[tilespmem:v9+s21+$0x0] =	vst.idx.add.f32.msk $0xffff, v1  }
0x98: {  	[tilespmem:v10+s21+$0x0] =	vst.idx.add.f32.msk $0xffff, v1  }
0x99: {  	[tilespmem:v11+s21+$0x0] =	vst.idx.add.f32.msk $0xffff, v1  }
0x9a: {  	[tilespmem:v12+s21+$0x0] =	vst.idx.add.f32.msk $0xffff, v1  }
0x9b: {  	[tilespmem:v13+s21+$0x0] =	vst.idx.add.f32.msk $0xffff, v1  }
0x9c: {  	[tilespmem:v14+s21+$0x0] =	vst.idx.add.f32.msk $0xffff, v1  }
0x9d: {  	[tilespmem:v4+s2+$0x0] =	vst.idx.add.f32.msk $0xffff, v30  }
0x9e: {  	v30 =	vld [tilespmem:s9+$0x30]  }
0x9f: {  	[tilespmem:v15+s21+$0x0] =	vst.idx.add.f32.msk $0xffff, v1  }
0xa0: {  	[tilespmem:v63+s21+$0x0] =	vst.idx.add.f32.msk $0xffff, v1  }
0xa1: {  	[tilespmem:v16+s21+$0x0] =	vst.idx.add.f32.msk $0xffff, v1  }
0xa2: {  	[tilespmem:v17+s21+$0x0] =	vst.idx.add.f32.msk $0xffff, v1  }
0xa3: {  	[tilespmem:v4+s20+$0x0] =	vst.idx.add.f32.msk $0xffff, v30  }
0xa4: {  	s13 =	simm.s32 $0x18180;
	s10 =	simm.s32 $0x0;
	[tilespmem:v4+s21+$0x0] =	vst.idx.add.f32.msk $0xffff, v1  }
.LBB2_6:
0xa5: {  	v4 =	vld [tilespmem:s13+$0x70]  }
0xa6: {  	s10 =	sadd.s32 $0x10, s10;
	v16 =	vld [tilespmem:s13+$0xFFFFFF90]  }
0xa7: {  	s3 =	sadd.s32 $0x100, s3;
	p0 =	slt.u32 s10, $0x70;
	v14 =	vld [tilespmem:s13+$0xFFFFFFA0]  }
0xa8: {  	v5 =	vld [tilespmem:s3+$0x70]  }
0xa9: {  	v17 =	vld [tilespmem:s13+$0xFFFFFFB0]  }
0xaa: {  	v15 =	vld [tilespmem:s13+$0xFFFFFFC0]  }
0xab: {  	v12 =	vld [tilespmem:s13+$0xFFFFFFD0]  }
0xac: {  	v10 =	vld [tilespmem:s13+$0xFFFFFFE0]  }
0xad: {  	s9 =	sadd.s32 $0x100, s9;
	[tilespmem:v4+s2+$0x0] =	vst.idx.add.f32.msk $0xffff, v5  }
0xae: {  	v5 =	vld [tilespmem:s9+$0x70]  }
0xaf: {  	v13 =	vld [tilespmem:s13+$0xFFFFFFF0]  }
0xb0: {  	v11 =	vld [tilespmem:s13+$0x0]  }
0xb1: {  	v8 =	vld [tilespmem:s13+$0x10]  }
0xb2: {  	v6 =	vld [tilespmem:s13+$0x20]  }
0xb3: {  	[tilespmem:v4+s20+$0x0] =	vst.idx.add.f32.msk $0xffff, v5  }
0xb4: {  	[tilespmem:v4+s21+$0x0] =	vst.idx.add.f32.msk $0xffff, v1  }
0xb5: {  	v9 =	vld [tilespmem:s13+$0x30]  }
0xb6: {  	v7 =	vld [tilespmem:s13+$0x40]  }
0xb7: {  	v5 =	vld [tilespmem:s13+$0x50]  }
0xb8: {  	v4 =	vld [tilespmem:s13+$0x60]  }
0xb9: {  	v18 =	vld [tilespmem:s13+$0xFFFFFF80]  }
0xba: {  	v19 =	vld [tilespmem:s3+$0xFFFFFF80]  }
0xbb: {  	v20 =	vld [tilespmem:s3+$0xFFFFFF90]  }
0xbc: {  	v21 =	vld [tilespmem:s3+$0xFFFFFFA0]  }
0xbd: {  	v22 =	vld [tilespmem:s3+$0xFFFFFFB0]  }
0xbe: {  	v23 =	vld [tilespmem:s3+$0xFFFFFFC0]  }
0xbf: {  	v24 =	vld [tilespmem:s3+$0xFFFFFFD0]  }
0xc0: {  	v25 =	vld [tilespmem:s3+$0xFFFFFFE0]  }
0xc1: {  	v26 =	vld [tilespmem:s3+$0xFFFFFFF0]  }
0xc2: {  	v27 =	vld [tilespmem:s3+$0x0]  }
0xc3: {  	v28 =	vld [tilespmem:s3+$0x10]  }
0xc4: {  	v29 =	vld [tilespmem:s3+$0x20]  }
0xc5: {  	v30 =	vld [tilespmem:s3+$0x30]  }
0xc6: {  	v31 =	vld [tilespmem:s3+$0x40]  }
0xc7: {  	v32 =	vld [tilespmem:s3+$0x50]  }
0xc8: {  	v33 =	vld [tilespmem:s3+$0x60]  }
0xc9: {  	[tilespmem:v18+s2+$0x0] =	vst.idx.add.f32.msk $0xffff, v19  }
0xca: {  	[tilespmem:v16+s2+$0x0] =	vst.idx.add.f32.msk $0xffff, v20  }
0xcb: {  	[tilespmem:v14+s2+$0x0] =	vst.idx.add.f32.msk $0xffff, v21  }
0xcc: {  	[tilespmem:v17+s2+$0x0] =	vst.idx.add.f32.msk $0xffff, v22  }
0xcd: {  	[tilespmem:v15+s2+$0x0] =	vst.idx.add.f32.msk $0xffff, v23  }
0xce: {  	[tilespmem:v12+s2+$0x0] =	vst.idx.add.f32.msk $0xffff, v24  }
0xcf: {  	[tilespmem:v10+s2+$0x0] =	vst.idx.add.f32.msk $0xffff, v25  }
0xd0: {  	[tilespmem:v13+s2+$0x0] =	vst.idx.add.f32.msk $0xffff, v26  }
0xd1: {  	[tilespmem:v11+s2+$0x0] =	vst.idx.add.f32.msk $0xffff, v27  }
0xd2: {  	[tilespmem:v8+s2+$0x0] =	vst.idx.add.f32.msk $0xffff, v28  }
0xd3: {  	[tilespmem:v6+s2+$0x0] =	vst.idx.add.f32.msk $0xffff, v29  }
0xd4: {  	[tilespmem:v9+s2+$0x0] =	vst.idx.add.f32.msk $0xffff, v30  }
0xd5: {  	[tilespmem:v7+s2+$0x0] =	vst.idx.add.f32.msk $0xffff, v31  }
0xd6: {  	[tilespmem:v5+s2+$0x0] =	vst.idx.add.f32.msk $0xffff, v32  }
0xd7: {  	[tilespmem:v4+s2+$0x0] =	vst.idx.add.f32.msk $0xffff, v33  }
0xd8: {  	v19 =	vld [tilespmem:s9+$0xFFFFFF80]  }
0xd9: {  	v20 =	vld [tilespmem:s9+$0xFFFFFF90]  }
0xda: {  	v21 =	vld [tilespmem:s9+$0xFFFFFFA0]  }
0xdb: {  	v22 =	vld [tilespmem:s9+$0xFFFFFFB0]  }
0xdc: {  	v23 =	vld [tilespmem:s9+$0xFFFFFFC0]  }
0xdd: {  	v24 =	vld [tilespmem:s9+$0xFFFFFFD0]  }
0xde: {  	v25 =	vld [tilespmem:s9+$0xFFFFFFE0]  }
0xdf: {  	v26 =	vld [tilespmem:s9+$0xFFFFFFF0]  }
0xe0: {  	v27 =	vld [tilespmem:s9+$0x0]  }
0xe1: {  	v28 =	vld [tilespmem:s9+$0x10]  }
0xe2: {  	v29 =	vld [tilespmem:s9+$0x20]  }
0xe3: {  	v30 =	vld [tilespmem:s9+$0x30]  }
0xe4: {  	v31 =	vld [tilespmem:s9+$0x40]  }
0xe5: {  	v32 =	vld [tilespmem:s9+$0x50]  }
0xe6: {  	v33 =	vld [tilespmem:s9+$0x60]  }
0xe7: {  	[tilespmem:v18+s20+$0x0] =	vst.idx.add.f32.msk $0xffff, v19  }
0xe8: {  	[tilespmem:v18+s21+$0x0] =	vst.idx.add.f32.msk $0xffff, v1  }
0xe9: {  	[tilespmem:v16+s20+$0x0] =	vst.idx.add.f32.msk $0xffff, v20  }
0xea: {  	[tilespmem:v16+s21+$0x0] =	vst.idx.add.f32.msk $0xffff, v1  }
0xeb: {  	[tilespmem:v14+s20+$0x0] =	vst.idx.add.f32.msk $0xffff, v21  }
0xec: {  	[tilespmem:v14+s21+$0x0] =	vst.idx.add.f32.msk $0xffff, v1  }
0xed: {  	[tilespmem:v17+s20+$0x0] =	vst.idx.add.f32.msk $0xffff, v22  }
0xee: {  	[tilespmem:v17+s21+$0x0] =	vst.idx.add.f32.msk $0xffff, v1  }
0xef: {  	[tilespmem:v15+s20+$0x0] =	vst.idx.add.f32.msk $0xffff, v23  }
0xf0: {  	[tilespmem:v15+s21+$0x0] =	vst.idx.add.f32.msk $0xffff, v1  }
0xf1: {  	[tilespmem:v12+s20+$0x0] =	vst.idx.add.f32.msk $0xffff, v24  }
0xf2: {  	[tilespmem:v12+s21+$0x0] =	vst.idx.add.f32.msk $0xffff, v1  }
0xf3: {  	[tilespmem:v10+s20+$0x0] =	vst.idx.add.f32.msk $0xffff, v25  }
0xf4: {  	[tilespmem:v10+s21+$0x0] =	vst.idx.add.f32.msk $0xffff, v1  }
0xf5: {  	[tilespmem:v13+s20+$0x0] =	vst.idx.add.f32.msk $0xffff, v26  }
0xf6: {  	[tilespmem:v13+s21+$0x0] =	vst.idx.add.f32.msk $0xffff, v1  }
0xf7: {  	[tilespmem:v11+s20+$0x0] =	vst.idx.add.f32.msk $0xffff, v27  }
0xf8: {  	[tilespmem:v11+s21+$0x0] =	vst.idx.add.f32.msk $0xffff, v1  }
0xf9: {  	[tilespmem:v8+s20+$0x0] =	vst.idx.add.f32.msk $0xffff, v28  }
0xfa: {  	[tilespmem:v8+s21+$0x0] =	vst.idx.add.f32.msk $0xffff, v1  }
0xfb: {  	[tilespmem:v6+s20+$0x0] =	vst.idx.add.f32.msk $0xffff, v29  }
0xfc: {  	[tilespmem:v6+s21+$0x0] =	vst.idx.add.f32.msk $0xffff, v1  }
0xfd: {  	[tilespmem:v9+s20+$0x0] =	vst.idx.add.f32.msk $0xffff, v30  }
0xfe: {  	[tilespmem:v9+s21+$0x0] =	vst.idx.add.f32.msk $0xffff, v1  }
0xff: {  	[tilespmem:v7+s20+$0x0] =	vst.idx.add.f32.msk $0xffff, v31  }
.Ltmp1:
0x100: {  	[tilespmem:v7+s21+$0x0] =	vst.idx.add.f32.msk $0xffff, v1;
	(pc) =	sbr.rel @p0 .LBB2_6-.Ltmp1, $4  }
0x101: {  	[tilespmem:v5+s20+$0x0] =	vst.idx.add.f32.msk $0xffff, v32  }
0x102: {  	[tilespmem:v5+s21+$0x0] =	vst.idx.add.f32.msk $0xffff, v1  }
0x103: {  	[tilespmem:v4+s20+$0x0] =	vst.idx.add.f32.msk $0xffff, v33  }
0x104: {  	s13 =	sadd.s32 $0x100, s13;
	[tilespmem:v4+s21+$0x0] =	vst.idx.add.f32.msk $0xffff, v1  }
0x105: {  	s3 =	sshll.u32 s8, $0xC;
	p0 =	seq.s32 s8, $0xF  }
0x106: {  	s9 =	sadd.s32 @!p0 $0x1000, s3  }
0x107: {  	s10 =	sadd.s32 @!p0 s7, s9  }
0x108: {  	s10 =	sshrl.u32 @!p0 s10, $0x3  }
0x109: {  	s13 =	simm.s32 @!p0 $0x0;
	s14 =	simm.s32 @!p0 $0x18000;
	s10 =	sadd.s32 @!p0 s5, s10  }
0x10a: {  	[tilespmem:s14], [sflag:$0x1] =	stream.linear.gather @!p0 [hbm4b:s10+s13], $0x800, $0x38;
	[tilespmem:$0x1E000] =	vst v63  }
0x10b: {  	s10 =	sor.u32 @!p0 s0, s9  }
0x10c: {  	s9 =	sadd.s32 @!p0 s23, s9;
	s10 =	sshrl.u32 @!p0 s10, $0x3  }
0x10d: {  	s14 =	simm.s32 @!p0 $0x19000;
	s9 =	sshrl.u32 @!p0 s9, $0x3;
	s10 =	sadd.s32 @!p0 s4, s10  }
0x10e: {  	[tilespmem:s14], [sflag:$0x1] =	stream.linear.gather @!p0 [hbm4b:s10+s13], $0x800, $0x38;
	[tilespmem:$0x1E000] =	vst v63  }
0x10f: {  	s9 =	sadd.s32 @!p0 s4, s9;
	s10 =	simm.s32 @!p0 $0x1A000  }
0x110: {  	[tilespmem:s10], [sflag:$0x1] =	stream.linear.gather @!p0 [hbm4b:s9+s13], $0x800, $0x38;
	[tilespmem:$0x1E000] =	vst v63  }
0x111: {  	_ =	swait.ge [sflag:s22], $0x800  }
0x112: {  	[sflag:s22] =	ssyncset.done $0x0  }
0x113: {  	[sflag:s22] =	ssyncadd.s32 $0xFFFFF800  }
0x114: {  	_ =	swait.ge [sflag:s22], $0x800  }
0x115: {  	[sflag:s22] =	ssyncset.done $0x0  }
0x116: {  	[sflag:s22] =	ssyncadd.s32 $0xFFFFF800  }
0x117: {  	_ =	swait.ge [sflag:s22], $0x800  }
0x118: {  	[sflag:s22] =	ssyncset.done $0x0  }
0x119: {  	s24 =	simm.s32 $0x18880;
	[sflag:s22] =	ssyncadd.s32 $0xFFFFF800  }
0x11a: {  	v4 =	vld [tilespmem:s24+$0x70]  }
0x11b: {  	v5 =	vld [tilespmem:s24+$0xFFFFFF90]  }
0x11c: {  	s9 =	simm.s32 $0x19880;
	v6 =	vld [tilespmem:s24+$0xFFFFFFA0]  }
0x11d: {  	v7 =	vld [tilespmem:s9+$0x70]  }
0x11e: {  	v8 =	vld [tilespmem:s24+$0xFFFFFFB0]  }
0x11f: {  	v9 =	vld [tilespmem:s24+$0xFFFFFFC0]  }
0x120: {  	v10 =	vld [tilespmem:s24+$0xFFFFFFD0]  }
0x121: {  	v11 =	vld [tilespmem:s24+$0xFFFFFFE0]  }
0x122: {  	v12 =	vld [tilespmem:s24+$0xFFFFFFF0]  }
0x123: {  	v13 =	vld [tilespmem:s24+$0x0]  }
0x124: {  	v14 =	vld [tilespmem:s24+$0x10]  }
0x125: {  	v15 =	vld [tilespmem:s24+$0x20]  }
0x126: {  	v63 =	vld [tilespmem:s24+$0x40]  }
0x127: {  	v16 =	vld [tilespmem:s24+$0x50]  }
0x128: {  	v17 =	vld [tilespmem:s24+$0x60]  }
0x129: {  	v18 =	vld [tilespmem:s24+$0xFFFFFF80]  }
0x12a: {  	v19 =	vld [tilespmem:s9+$0xFFFFFF80]  }
0x12b: {  	v20 =	vld [tilespmem:s9+$0xFFFFFF90]  }
0x12c: {  	v21 =	vld [tilespmem:s9+$0xFFFFFFA0]  }
0x12d: {  	v22 =	vld [tilespmem:s9+$0xFFFFFFB0]  }
0x12e: {  	v23 =	vld [tilespmem:s9+$0xFFFFFFC0]  }
0x12f: {  	v24 =	vld [tilespmem:s9+$0xFFFFFFD0]  }
0x130: {  	v25 =	vld [tilespmem:s9+$0xFFFFFFE0]  }
0x131: {  	v26 =	vld [tilespmem:s9+$0xFFFFFFF0]  }
0x132: {  	v27 =	vld [tilespmem:s9+$0x0]  }
0x133: {  	v28 =	vld [tilespmem:s9+$0x10]  }
0x134: {  	v29 =	vld [tilespmem:s9+$0x20]  }
0x135: {  	v30 =	vld [tilespmem:s9+$0x30]  }
0x136: {  	v31 =	vld [tilespmem:s9+$0x40]  }
0x137: {  	v32 =	vld [tilespmem:s9+$0x50]  }
0x138: {  	v33 =	vld [tilespmem:s9+$0x60]  }
0x139: {  	[tilespmem:v4+s2+$0x0] =	vst.idx.add.f32.msk $0xffff, v7  }
0x13a: {  	[tilespmem:v18+s2+$0x0] =	vst.idx.add.f32.msk $0xffff, v19  }
0x13b: {  	[tilespmem:v5+s2+$0x0] =	vst.idx.add.f32.msk $0xffff, v20  }
0x13c: {  	[tilespmem:v6+s2+$0x0] =	vst.idx.add.f32.msk $0xffff, v21  }
0x13d: {  	[tilespmem:v8+s2+$0x0] =	vst.idx.add.f32.msk $0xffff, v22  }
0x13e: {  	[tilespmem:v9+s2+$0x0] =	vst.idx.add.f32.msk $0xffff, v23  }
0x13f: {  	[tilespmem:v10+s2+$0x0] =	vst.idx.add.f32.msk $0xffff, v24  }
0x140: {  	[tilespmem:v11+s2+$0x0] =	vst.idx.add.f32.msk $0xffff, v25  }
0x141: {  	[tilespmem:v12+s2+$0x0] =	vst.idx.add.f32.msk $0xffff, v26  }
0x142: {  	[tilespmem:v13+s2+$0x0] =	vst.idx.add.f32.msk $0xffff, v27  }
0x143: {  	[tilespmem:v14+s2+$0x0] =	vst.idx.add.f32.msk $0xffff, v28  }
0x144: {  	[tilespmem:v15+s2+$0x0] =	vst.idx.add.f32.msk $0xffff, v29  }
0x145: {  	[tilespmem:v63+s2+$0x0] =	vst.idx.add.f32.msk $0xffff, v31  }
0x146: {  	[tilespmem:v16+s2+$0x0] =	vst.idx.add.f32.msk $0xffff, v32  }
0x147: {  	s10 =	simm.s32 $0x1A880;
	[tilespmem:v17+s2+$0x0] =	vst.idx.add.f32.msk $0xffff, v33  }
0x148: {  	v7 =	vld [tilespmem:s10+$0x70]  }
0x149: {  	v19 =	vld [tilespmem:s10+$0xFFFFFF80]  }
0x14a: {  	v20 =	vld [tilespmem:s10+$0xFFFFFF90]  }
0x14b: {  	v21 =	vld [tilespmem:s10+$0xFFFFFFA0]  }
0x14c: {  	v22 =	vld [tilespmem:s10+$0xFFFFFFB0]  }
0x14d: {  	v23 =	vld [tilespmem:s10+$0xFFFFFFC0]  }
0x14e: {  	v24 =	vld [tilespmem:s10+$0xFFFFFFD0]  }
0x14f: {  	v25 =	vld [tilespmem:s10+$0xFFFFFFE0]  }
0x150: {  	v26 =	vld [tilespmem:s10+$0xFFFFFFF0]  }
0x151: {  	v27 =	vld [tilespmem:s10+$0x0]  }
0x152: {  	v28 =	vld [tilespmem:s10+$0x10]  }
0x153: {  	v29 =	vld [tilespmem:s10+$0x20]  }
0x154: {  	v31 =	vld [tilespmem:s10+$0x40]  }
0x155: {  	v32 =	vld [tilespmem:s10+$0x50]  }
0x156: {  	v33 =	vld [tilespmem:s10+$0x60]  }
0x157: {  	[tilespmem:v4+s20+$0x0] =	vst.idx.add.f32.msk $0xffff, v7  }
0x158: {  	[tilespmem:v18+s20+$0x0] =	vst.idx.add.f32.msk $0xffff, v19  }
0x159: {  	[tilespmem:v5+s20+$0x0] =	vst.idx.add.f32.msk $0xffff, v20  }
0x15a: {  	[tilespmem:v6+s20+$0x0] =	vst.idx.add.f32.msk $0xffff, v21  }
0x15b: {  	[tilespmem:v8+s20+$0x0] =	vst.idx.add.f32.msk $0xffff, v22  }
0x15c: {  	[tilespmem:v9+s20+$0x0] =	vst.idx.add.f32.msk $0xffff, v23  }
0x15d: {  	[tilespmem:v10+s20+$0x0] =	vst.idx.add.f32.msk $0xffff, v24  }
0x15e: {  	[tilespmem:v11+s20+$0x0] =	vst.idx.add.f32.msk $0xffff, v25  }
0x15f: {  	[tilespmem:v12+s20+$0x0] =	vst.idx.add.f32.msk $0xffff, v26  }
0x160: {  	[tilespmem:v13+s20+$0x0] =	vst.idx.add.f32.msk $0xffff, v27  }
0x161: {  	[tilespmem:v14+s20+$0x0] =	vst.idx.add.f32.msk $0xffff, v28  }
0x162: {  	[tilespmem:v15+s20+$0x0] =	vst.idx.add.f32.msk $0xffff, v29  }
0x163: {  	[tilespmem:v63+s20+$0x0] =	vst.idx.add.f32.msk $0xffff, v31  }
0x164: {  	[tilespmem:v16+s20+$0x0] =	vst.idx.add.f32.msk $0xffff, v32  }
0x165: {  	[tilespmem:v17+s20+$0x0] =	vst.idx.add.f32.msk $0xffff, v33  }
0x166: {  	[tilespmem:v4+s21+$0x0] =	vst.idx.add.f32.msk $0xffff, v1  }
0x167: {  	v4 =	vld [tilespmem:s24+$0x30]  }
0x168: {  	[tilespmem:v18+s21+$0x0] =	vst.idx.add.f32.msk $0xffff, v1  }
0x169: {  	[tilespmem:v5+s21+$0x0] =	vst.idx.add.f32.msk $0xffff, v1  }
0x16a: {  	[tilespmem:v6+s21+$0x0] =	vst.idx.add.f32.msk $0xffff, v1  }
0x16b: {  	[tilespmem:v8+s21+$0x0] =	vst.idx.add.f32.msk $0xffff, v1  }
0x16c: {  	[tilespmem:v9+s21+$0x0] =	vst.idx.add.f32.msk $0xffff, v1  }
0x16d: {  	[tilespmem:v10+s21+$0x0] =	vst.idx.add.f32.msk $0xffff, v1  }
0x16e: {  	[tilespmem:v11+s21+$0x0] =	vst.idx.add.f32.msk $0xffff, v1  }
0x16f: {  	[tilespmem:v12+s21+$0x0] =	vst.idx.add.f32.msk $0xffff, v1  }
0x170: {  	[tilespmem:v13+s21+$0x0] =	vst.idx.add.f32.msk $0xffff, v1  }
0x171: {  	[tilespmem:v14+s21+$0x0] =	vst.idx.add.f32.msk $0xffff, v1  }
0x172: {  	[tilespmem:v4+s2+$0x0] =	vst.idx.add.f32.msk $0xffff, v30  }
0x173: {  	v30 =	vld [tilespmem:s10+$0x30]  }
0x174: {  	[tilespmem:v15+s21+$0x0] =	vst.idx.add.f32.msk $0xffff, v1  }
0x175: {  	[tilespmem:v63+s21+$0x0] =	vst.idx.add.f32.msk $0xffff, v1  }
0x176: {  	[tilespmem:v16+s21+$0x0] =	vst.idx.add.f32.msk $0xffff, v1  }
0x177: {  	[tilespmem:v17+s21+$0x0] =	vst.idx.add.f32.msk $0xffff, v1  }
0x178: {  	[tilespmem:v4+s20+$0x0] =	vst.idx.add.f32.msk $0xffff, v30  }
0x179: {  	s14 =	simm.s32 $0x18980;
	s13 =	simm.s32 $0x0;
	[tilespmem:v4+s21+$0x0] =	vst.idx.add.f32.msk $0xffff, v1  }
.LBB2_8:
0x17a: {  	v4 =	vld [tilespmem:s14+$0x70]  }
0x17b: {  	s13 =	sadd.s32 $0x10, s13;
	v16 =	vld [tilespmem:s14+$0xFFFFFF90]  }
0x17c: {  	s9 =	sadd.s32 $0x100, s9;
	p1 =	slt.u32 s13, $0x70;
	v14 =	vld [tilespmem:s14+$0xFFFFFFA0]  }
0x17d: {  	v5 =	vld [tilespmem:s9+$0x70]  }
0x17e: {  	v17 =	vld [tilespmem:s14+$0xFFFFFFB0]  }
0x17f: {  	v15 =	vld [tilespmem:s14+$0xFFFFFFC0]  }
0x180: {  	v12 =	vld [tilespmem:s14+$0xFFFFFFD0]  }
0x181: {  	v10 =	vld [tilespmem:s14+$0xFFFFFFE0]  }
0x182: {  	s10 =	sadd.s32 $0x100, s10;
	[tilespmem:v4+s2+$0x0] =	vst.idx.add.f32.msk $0xffff, v5  }
0x183: {  	v5 =	vld [tilespmem:s10+$0x70]  }
0x184: {  	v13 =	vld [tilespmem:s14+$0xFFFFFFF0]  }
0x185: {  	v11 =	vld [tilespmem:s14+$0x0]  }
0x186: {  	v8 =	vld [tilespmem:s14+$0x10]  }
0x187: {  	v6 =	vld [tilespmem:s14+$0x20]  }
0x188: {  	[tilespmem:v4+s20+$0x0] =	vst.idx.add.f32.msk $0xffff, v5  }
0x189: {  	[tilespmem:v4+s21+$0x0] =	vst.idx.add.f32.msk $0xffff, v1  }
0x18a: {  	v9 =	vld [tilespmem:s14+$0x30]  }
0x18b: {  	v7 =	vld [tilespmem:s14+$0x40]  }
0x18c: {  	v5 =	vld [tilespmem:s14+$0x50]  }
0x18d: {  	v4 =	vld [tilespmem:s14+$0x60]  }
0x18e: {  	v18 =	vld [tilespmem:s14+$0xFFFFFF80]  }
0x18f: {  	v19 =	vld [tilespmem:s9+$0xFFFFFF80]  }
0x190: {  	v20 =	vld [tilespmem:s9+$0xFFFFFF90]  }
0x191: {  	v21 =	vld [tilespmem:s9+$0xFFFFFFA0]  }
0x192: {  	v22 =	vld [tilespmem:s9+$0xFFFFFFB0]  }
0x193: {  	v23 =	vld [tilespmem:s9+$0xFFFFFFC0]  }
0x194: {  	v24 =	vld [tilespmem:s9+$0xFFFFFFD0]  }
0x195: {  	v25 =	vld [tilespmem:s9+$0xFFFFFFE0]  }
0x196: {  	v26 =	vld [tilespmem:s9+$0xFFFFFFF0]  }
0x197: {  	v27 =	vld [tilespmem:s9+$0x0]  }
0x198: {  	v28 =	vld [tilespmem:s9+$0x10]  }
0x199: {  	v29 =	vld [tilespmem:s9+$0x20]  }
0x19a: {  	v30 =	vld [tilespmem:s9+$0x30]  }
0x19b: {  	v31 =	vld [tilespmem:s9+$0x40]  }
0x19c: {  	v32 =	vld [tilespmem:s9+$0x50]  }
0x19d: {  	v33 =	vld [tilespmem:s9+$0x60]  }
0x19e: {  	[tilespmem:v18+s2+$0x0] =	vst.idx.add.f32.msk $0xffff, v19  }
0x19f: {  	[tilespmem:v16+s2+$0x0] =	vst.idx.add.f32.msk $0xffff, v20  }
0x1a0: {  	[tilespmem:v14+s2+$0x0] =	vst.idx.add.f32.msk $0xffff, v21  }
0x1a1: {  	[tilespmem:v17+s2+$0x0] =	vst.idx.add.f32.msk $0xffff, v22  }
0x1a2: {  	[tilespmem:v15+s2+$0x0] =	vst.idx.add.f32.msk $0xffff, v23  }
0x1a3: {  	[tilespmem:v12+s2+$0x0] =	vst.idx.add.f32.msk $0xffff, v24  }
0x1a4: {  	[tilespmem:v10+s2+$0x0] =	vst.idx.add.f32.msk $0xffff, v25  }
0x1a5: {  	[tilespmem:v13+s2+$0x0] =	vst.idx.add.f32.msk $0xffff, v26  }
0x1a6: {  	[tilespmem:v11+s2+$0x0] =	vst.idx.add.f32.msk $0xffff, v27  }
0x1a7: {  	[tilespmem:v8+s2+$0x0] =	vst.idx.add.f32.msk $0xffff, v28  }
0x1a8: {  	[tilespmem:v6+s2+$0x0] =	vst.idx.add.f32.msk $0xffff, v29  }
0x1a9: {  	[tilespmem:v9+s2+$0x0] =	vst.idx.add.f32.msk $0xffff, v30  }
0x1aa: {  	[tilespmem:v7+s2+$0x0] =	vst.idx.add.f32.msk $0xffff, v31  }
0x1ab: {  	[tilespmem:v5+s2+$0x0] =	vst.idx.add.f32.msk $0xffff, v32  }
0x1ac: {  	[tilespmem:v4+s2+$0x0] =	vst.idx.add.f32.msk $0xffff, v33  }
0x1ad: {  	v19 =	vld [tilespmem:s10+$0xFFFFFF80]  }
0x1ae: {  	v20 =	vld [tilespmem:s10+$0xFFFFFF90]  }
0x1af: {  	v21 =	vld [tilespmem:s10+$0xFFFFFFA0]  }
0x1b0: {  	v22 =	vld [tilespmem:s10+$0xFFFFFFB0]  }
0x1b1: {  	v23 =	vld [tilespmem:s10+$0xFFFFFFC0]  }
0x1b2: {  	v24 =	vld [tilespmem:s10+$0xFFFFFFD0]  }
0x1b3: {  	v25 =	vld [tilespmem:s10+$0xFFFFFFE0]  }
0x1b4: {  	v26 =	vld [tilespmem:s10+$0xFFFFFFF0]  }
0x1b5: {  	v27 =	vld [tilespmem:s10+$0x0]  }
0x1b6: {  	v28 =	vld [tilespmem:s10+$0x10]  }
0x1b7: {  	v29 =	vld [tilespmem:s10+$0x20]  }
0x1b8: {  	v30 =	vld [tilespmem:s10+$0x30]  }
0x1b9: {  	v31 =	vld [tilespmem:s10+$0x40]  }
0x1ba: {  	v32 =	vld [tilespmem:s10+$0x50]  }
0x1bb: {  	v33 =	vld [tilespmem:s10+$0x60]  }
0x1bc: {  	[tilespmem:v18+s20+$0x0] =	vst.idx.add.f32.msk $0xffff, v19  }
0x1bd: {  	[tilespmem:v18+s21+$0x0] =	vst.idx.add.f32.msk $0xffff, v1  }
0x1be: {  	[tilespmem:v16+s20+$0x0] =	vst.idx.add.f32.msk $0xffff, v20  }
0x1bf: {  	[tilespmem:v16+s21+$0x0] =	vst.idx.add.f32.msk $0xffff, v1  }
0x1c0: {  	[tilespmem:v14+s20+$0x0] =	vst.idx.add.f32.msk $0xffff, v21  }
0x1c1: {  	[tilespmem:v14+s21+$0x0] =	vst.idx.add.f32.msk $0xffff, v1  }
0x1c2: {  	[tilespmem:v17+s20+$0x0] =	vst.idx.add.f32.msk $0xffff, v22  }
0x1c3: {  	[tilespmem:v17+s21+$0x0] =	vst.idx.add.f32.msk $0xffff, v1  }
0x1c4: {  	[tilespmem:v15+s20+$0x0] =	vst.idx.add.f32.msk $0xffff, v23  }
0x1c5: {  	[tilespmem:v15+s21+$0x0] =	vst.idx.add.f32.msk $0xffff, v1  }
0x1c6: {  	[tilespmem:v12+s20+$0x0] =	vst.idx.add.f32.msk $0xffff, v24  }
0x1c7: {  	[tilespmem:v12+s21+$0x0] =	vst.idx.add.f32.msk $0xffff, v1  }
0x1c8: {  	[tilespmem:v10+s20+$0x0] =	vst.idx.add.f32.msk $0xffff, v25  }
0x1c9: {  	[tilespmem:v10+s21+$0x0] =	vst.idx.add.f32.msk $0xffff, v1  }
0x1ca: {  	[tilespmem:v13+s20+$0x0] =	vst.idx.add.f32.msk $0xffff, v26  }
0x1cb: {  	[tilespmem:v13+s21+$0x0] =	vst.idx.add.f32.msk $0xffff, v1  }
0x1cc: {  	[tilespmem:v11+s20+$0x0] =	vst.idx.add.f32.msk $0xffff, v27  }
0x1cd: {  	[tilespmem:v11+s21+$0x0] =	vst.idx.add.f32.msk $0xffff, v1  }
0x1ce: {  	[tilespmem:v8+s20+$0x0] =	vst.idx.add.f32.msk $0xffff, v28  }
0x1cf: {  	[tilespmem:v8+s21+$0x0] =	vst.idx.add.f32.msk $0xffff, v1  }
0x1d0: {  	[tilespmem:v6+s20+$0x0] =	vst.idx.add.f32.msk $0xffff, v29  }
0x1d1: {  	[tilespmem:v6+s21+$0x0] =	vst.idx.add.f32.msk $0xffff, v1  }
0x1d2: {  	[tilespmem:v9+s20+$0x0] =	vst.idx.add.f32.msk $0xffff, v30  }
0x1d3: {  	[tilespmem:v9+s21+$0x0] =	vst.idx.add.f32.msk $0xffff, v1  }
0x1d4: {  	[tilespmem:v7+s20+$0x0] =	vst.idx.add.f32.msk $0xffff, v31  }
.Ltmp2:
0x1d5: {  	[tilespmem:v7+s21+$0x0] =	vst.idx.add.f32.msk $0xffff, v1;
	(pc) =	sbr.rel @p1 .LBB2_8-.Ltmp2, $4  }
0x1d6: {  	[tilespmem:v5+s20+$0x0] =	vst.idx.add.f32.msk $0xffff, v32  }
0x1d7: {  	[tilespmem:v5+s21+$0x0] =	vst.idx.add.f32.msk $0xffff, v1  }
0x1d8: {  	[tilespmem:v4+s20+$0x0] =	vst.idx.add.f32.msk $0xffff, v33  }
0x1d9: {  	s14 =	sadd.s32 $0x100, s14;
	[tilespmem:v4+s21+$0x0] =	vst.idx.add.f32.msk $0xffff, v1  }
.Ltmp3:
0x1da: {  	(pc) =	sbr.rel @p0 .LBB2_10-.Ltmp3, $1  }
0x1db: {  	_ =	sdelay $0x3  }
0x1dc: {  	s3 =	sadd.s32 $0x1800, s3  }
0x1dd: {  	s9 =	sadd.s32 s7, s3  }
0x1de: {  	s9 =	sshrl.u32 s9, $0x3  }
0x1df: {  	s24 =	sor.u32 s0, s3;
	s9 =	sadd.s32 s5, s9  }
0x1e0: {  	[tilespmem:s16], [sflag:$0x2] =	stream.linear.gather [hbm4b:s9+s2], $0x800, $0x38;
	[tilespmem:$0x1E000] =	vst v63  }
.Ltmp4:
0x1e1: {  	s3 =	sadd.s32 s23, s3;
	s9 =	sshrl.u32 s24, $0x3;
	(pc) =	sbr.rel .LBB2_5-.Ltmp4, $4  }
0x1e2: {  	s3 =	sshrl.u32 s3, $0x3;
	s9 =	sadd.s32 s4, s9  }
0x1e3: {  	[tilespmem:s17], [sflag:$0x2] =	stream.linear.gather [hbm4b:s9+s2], $0x800, $0x38;
	[tilespmem:$0x1E000] =	vst v63  }
0x1e4: {  	s8 =	sadd.s32 $0x1, s8;
	s3 =	sadd.s32 s4, s3  }
0x1e5: {  	[tilespmem:s18], [sflag:$0x2] =	stream.linear.gather [hbm4b:s3+s2], $0x800, $0x38;
	[tilespmem:$0x1E000] =	vst v63  }
.LBB2_10:
0x1e6: {  	s7 =	simm.s32 $0x10020  }
0x1e7: {  	v4 =	vld [tilespmem:s7+$0x10];
	_ =	sdelay $0x4  }
0x1e8: {  	v5 =	vld [tilespmem:s7+$0xFFFFFFF0];
	v4 =	vmax.f32 v4, $1.000000000e+00  }
0x1e9: {  	(erf) = vrcp.f32 v4;
	v4 =	vld [tilespmem:s7+$0x0]  }
0x1ea: {  	v6 =	vld [tilespmem:s7+$0xFFFFFFE0]  }
0x1eb: {  	s14 =	simm.s32 $0x10060  }
0x1ec: {  	v7 =	vld [tilespmem:s14+$0x10]  }
0x1ed: {  	v5 =	vmax.f32 v5, $1.000000000e+00  }
0x1ee: {  	(erf) = vrcp.f32 v5;
	v5 =	vld [tilespmem:s14+$0xFFFFFFF0];
	v4 =	vmax.f32 v4, $1.000000000e+00  }
0x1ef: {  	v6 =	vmax.f32 v6, $1.000000000e+00;
	(erf) = vrcp.f32 v4;
	v4 =	vld [tilespmem:s14+$0x0]  }
0x1f0: {  	s9 =	simm.s32 $0x20;
	(erf) = vrcp.f32 v6;
	v6 =	vld [tilespmem:s14+$0xFFFFFFE0]  }
0x1f1: {  	v8 =	vld [tilespmem:s9+$0x10];
	v7 =	vmax.f32 v7, $1.000000000e+00  }
0x1f2: {  	v10 =	vpop (erf);
	(erf) = vrcp.f32 v7  }
0x1f3: {  	v11 =	vld [tilespmem:s9+$0xFFFFFFF0]  }
0x1f4: {  	s24 =	simm.s32 $0x100A0;
	v12 =	vld [tilespmem:s9+$0x0];
	v5 =	vmax.f32 v5, $1.000000000e+00  }
0x1f5: {  	v13 =	vld [tilespmem:s24+$0x10];
	(erf) = vrcp.f32 v5;
	v4 =	vmax.f32 v4, $1.000000000e+00;
	v5 =	vmax.f32 v6, $1.000000000e+00  }
0x1f6: {  	s8 =	simm.s32 $0x60;
	v7 =	vld [tilespmem:s9+$0xFFFFFFE0];
	v8 =	vmul.f32 v10, v8;
	(erf) = vrcp.f32 v4  }
0x1f7: {  	v6 =	vld [tilespmem:s8+$0x10];
	(erf) = vrcp.f32 v5  }
0x1f8: {  	v15 =	vld [tilespmem:s24+$0xFFFFFFF0];
	v5 =	vpop (erf)  }
0x1f9: {  	v16 =	vld [tilespmem:s24+$0x0];
	v4 =	vpop (erf)  }
0x1fa: {  	s3 =	simm.s32 $0x8020;
	v17 =	vld [tilespmem:s24+$0xFFFFFFE0];
	[tilespmem:s9+$0x10] =	vst v8;
	v8 =	vpop (erf)  }
0x1fb: {  	v14 =	vld [tilespmem:s3+$0x10];
	v9 =	vpop (erf);
	v7 =	vmul.f32 v8, v7  }
0x1fc: {  	v18 =	vld [tilespmem:s8+$0xFFFFFFE0];
	v19 =	vmul.f32 v9, v6  }
0x1fd: {  	v20 =	vld [tilespmem:s8+$0xFFFFFFF0];
	v13 =	vmax.f32 v13, $1.000000000e+00  }
0x1fe: {  	v15 =	vmax.f32 v15, $1.000000000e+00;
	s7 =	simm.s32 $0x8060;
	v11 =	vmul.f32 v5, v11;
	(erf) = vrcp.f32 v13;
	v6 =	vpop (erf);
	[tilespmem:s8+$0x10] =	vst v19;
	v19 =	vld [tilespmem:s8+$0x0]  }
0x1ff: {  	v16 =	vmax.f32 v16, $1.000000000e+00;
	v12 =	vmul.f32 v4, v12;
	(erf) = vrcp.f32 v15;
	[tilespmem:s9+$0xFFFFFFE0] =	vst v7;
	v7 =	vpop (erf);
	v13 =	vld [tilespmem:s7+$0x10]  }
0x200: {  	[tilespmem:s9+$0xFFFFFFF0] =	vst v11;
	v11 =	vmul.f32 v14, v10;
	v15 =	vmax.f32 v17, $1.000000000e+00;
	(erf) = vrcp.f32 v16;
	v14 =	vld [tilespmem:s3+$0xFFFFFFE0];
	v10 =	vpop (erf)  }
0x201: {  	[tilespmem:s9+$0x0] =	vst v12;
	v12 =	vld [tilespmem:s3+$0xFFFFFFF0];
	(erf) = vrcp.f32 v15;
	v17 =	vmul.f32 v10, v18  }
0x202: {  	[tilespmem:s3+$0x10] =	vst v11;
	s9 =	simm.s32 $0xA0;
	v11 =	vld [tilespmem:s3+$0x0];
	v16 =	vmul.f32 v6, v20  }
0x203: {  	s10 =	simm.s32 $0x8;
	s13 =	simm.s32 $0x100E0;
	v15 =	vld [tilespmem:s9+$0x10];
	[tilespmem:s8+$0xFFFFFFE0] =	vst v17;
	v17 =	vmul.f32 v7, v19  }
.LBB2_11:
0x204: {  	v18 =	vld [tilespmem:s13+$0x10];
	s10 =	sadd.s32 $0x4, s10;
	[tilespmem:s8+$0xFFFFFFF0] =	vst v16;
	v19 =	vmul.f32 v13, v9  }
0x205: {  	v13 =	vld [tilespmem:s13+$0xFFFFFFF0];
	p0 =	slt.u32 s10, $0x7FC;
	[tilespmem:s8+$0x0] =	vst v17;
	v14 =	vmul.f32 v14, v8;
	v8 =	vmov v10;
	s8 =	smov.u32 s9  }
0x206: {  	v16 =	vld [tilespmem:s13+$0x0];
	[tilespmem:s7+$0x10] =	vst v19;
	v10 =	vmul.f32 v12, v5;
	v5 =	vmov v6  }
0x207: {  	v12 =	vld [tilespmem:s13+$0xFFFFFFE0];
	v9 =	vpop (erf);
	[tilespmem:s3+$0xFFFFFFE0] =	vst v14;
	v11 =	vmul.f32 v11, v4;
	v4 =	vmov v7  }
0x208: {  	v17 =	vld [tilespmem:s9+$0xFFFFFFE0];
	v14 =	vmul.f32 v9, v15;
	v6 =	vpop (erf);
	[tilespmem:s3+$0xFFFFFFF0] =	vst v10  }
0x209: {  	v19 =	vmax.f32 v18, $1.000000000e+00;
	v15 =	vld [tilespmem:s9+$0xFFFFFFF0];
	v7 =	vpop (erf);
	[tilespmem:s3+$0x0] =	vst v11;
	s3 =	smov.u32 s7  }
0x20a: {  	s7 =	sadd.s32 $0x40, s7;
	v11 =	vmax.f32 v13, $1.000000000e+00;
	(erf) = vrcp.f32 v19;
	v18 =	vld [tilespmem:s9+$0x0];
	[tilespmem:s9+$0x10] =	vst v14;
	v10 =	vpop (erf)  }
.Ltmp5:
0x20b: {  	v14 =	vmax.f32 v16, $1.000000000e+00;
	(erf) = vrcp.f32 v11;
	v13 =	vld [tilespmem:s7+$0x10];
	(pc) =	sbr.rel @p0 .LBB2_11-.Ltmp5, $4  }
0x20c: {  	v11 =	vmax.f32 v12, $1.000000000e+00;
	(erf) = vrcp.f32 v14;
	v14 =	vld [tilespmem:s3+$0xFFFFFFE0]  }
0x20d: {  	(erf) = vrcp.f32 v11;
	v17 =	vmul.f32 v10, v17;
	v12 =	vld [tilespmem:s3+$0xFFFFFFF0]  }
0x20e: {  	s9 =	sadd.s32 $0x40, s9;
	v16 =	vmul.f32 v6, v15;
	v11 =	vld [tilespmem:s3+$0x0]  }
0x20f: {  	s13 =	sadd.s32 $0x40, s13;
	v15 =	vld [tilespmem:s9+$0x10];
	[tilespmem:s8+$0xFFFFFFE0] =	vst v17;
	v17 =	vmul.f32 v7, v18  }
0x210: {  	_ =	sdelay $0x1  }
0x211: {  	v19 =	vld [tilespmem:s9+$0xFFFFFFE0]  }
0x212: {  	[tilespmem:s8+$0xFFFFFFF0] =	vst v16;
	v53 =	vld [tilespmem:s9+$0xFFFFFFF0];
	v9 =	vmul.f32 v13, v9;
	v18 =	vpop (erf)  }
0x213: {  	v55 =	vld [tilespmem:s9+$0x0];
	[tilespmem:s8+$0x0] =	vst v17;
	v5 =	vmul.f32 v12, v5;
	v54 =	vpop (erf)  }
0x214: {  	v59 =	vld [tilespmem:s7+$0xFFFFFFE0];
	[tilespmem:s7+$0x10] =	vst v9;
	v4 =	vmul.f32 v11, v4;
	v56 =	vpop (erf)  }
0x215: {  	v15 =	vmul.f32 v18, v15;
	[tilespmem:s3+$0xFFFFFFF0] =	vst v5;
	v57 =	vpop (erf)  }
0x216: {  	v61 =	vld [tilespmem:s7+$0x0];
	[tilespmem:s3+$0x0] =	vst v4;
	v60 =	vmul.f32 v57, v19  }
0x217: {  	s13 =	sadd.s32 $0x40, s7;
	v5 =	vld [tilespmem:s7+$0xFFFFFFF0];
	v16 =	vmul.f32 v54, v53;
	[tilespmem:s9+$0x10] =	vst v15  }
0x218: {  	v17 =	vmul.f32 v56, v55;
	v58 =	vld [tilespmem:s13+$0x10];
	[tilespmem:s9+$0xFFFFFFE0] =	vst v60  }
0x219: {  	v4 =	vmul.f32 v59, v10;
	[tilespmem:s9+$0xFFFFFFF0] =	vst v16;
	v62 =	vld [tilespmem:s13+$0xFFFFFFE0]  }
0x21a: {  	v8 =	vmul.f32 v14, v8;
	[tilespmem:s9+$0x0] =	vst v17;
	v16 =	vld [tilespmem:s13+$0xFFFFFFF0]  }
0x21b: {  	[tilespmem:s7+$0xFFFFFFE0] =	vst v4;
	v4 =	vmul.f32 v61, v7;
	v63 =	vld [tilespmem:s13+$0x0]  }
0x21c: {  	[tilespmem:s3+$0xFFFFFFE0] =	vst v8;
	v5 =	vmul.f32 v5, v6  }
0x21d: {  	[tilespmem:s7+$0x0] =	vst v4;
	v12 =	vmul.f32 v58, v18  }
0x21e: {  	[tilespmem:s7+$0xFFFFFFF0] =	vst v5;
	v5 =	vmul.f32 v62, v57  }
0x21f: {  	v4 =	vmul.f32 v16, v54;
	[tilespmem:s13+$0x10] =	vst v12  }
0x220: {  	s7 =	smul.u32 $0x30000, s31;
	[tilespmem:s13+$0xFFFFFFE0] =	vst v5;
	v5 =	vmul.f32 v63, v56  }
0x221: {  	s14 =	sadd.s32 s5, s11;
	[tilespmem:s13+$0xFFFFFFF0] =	vst v4  }
0x222: {  	s24 =	simm.s32 $0x0;
	s3 =	sshrl.u32 s7, $0x3;
	s8 =	sadd.s32 $0x10000, s7;
	[tilespmem:s13+$0x0] =	vst v5  }
0x223: {  	[tilespmem:s15], [sflag:$0x1] =	stream.linear.gather [hbm4b:s14+s24], $0x800, $0x38;
	[tilespmem:$0x1E000] =	vst v63  }
0x224: {  	s9 =	sadd.s32 s6, s3;
	s10 =	sshrl.u32 s8, $0x3  }
0x225: {  	[tilespmem:s25], [sflag:$0x1] =	stream.linear.gather [hbm4b:s9+s24], $0x800, $0x38;
	[tilespmem:$0x1E000] =	vst v63  }
0x226: {  	s10 =	sadd.s32 s6, s10  }
0x227: {  	[tilespmem:s30], [sflag:$0x1] =	stream.linear.gather [hbm4b:s10+s24], $0x800, $0x38;
	[tilespmem:$0x1E000] =	vst v63  }
0x228: {  	s10 =	sadd.s32 $0x20000, s7  }
0x229: {  	[dreg:$0xa] =	wrdreg s31;
	s13 =	sshrl.u32 s10, $0x3  }
0x22a: {  	s14 =	simm.s32 $0x1B000;
	s31 =	rddreg [dreg:$0x6];
	s13 =	sadd.s32 s6, s13  }
0x22b: {  	[tilespmem:s14], [sflag:$0x1] =	stream.linear.gather [hbm4b:s13+s24], $0x800, $0x38;
	[tilespmem:$0x1E000] =	vst v63  }
0x22c: {  	s15 =	rddreg [dreg:$0x7];
	s14 =	sadd.s32 s11, s31  }
0x22d: {  	[tilespmem:s16], [sflag:$0x2] =	stream.linear.gather [hbm4b:s14+s24], $0x800, $0x38;
	[tilespmem:$0x1E000] =	vst v63  }
0x22e: {  	s3 =	sadd.s32 s3, s15  }
0x22f: {  	[tilespmem:s17], [sflag:$0x2] =	stream.linear.gather [hbm4b:s3+s24], $0x800, $0x38;
	[tilespmem:$0x1E000] =	vst v63  }
0x230: {  	s25 =	sadd.s32 $0x2100, s9  }
0x231: {  	[tilespmem:s18], [sflag:$0x2] =	stream.linear.gather [hbm4b:s25+s24], $0x800, $0x38;
	[tilespmem:$0x1E000] =	vst v63  }
0x232: {  	s30 =	sadd.s32 $0x4100, s9;
	s31 =	simm.s32 $0x1B800  }
0x233: {  	[tilespmem:s31], [sflag:$0x2] =	stream.linear.gather [hbm4b:s30+s24], $0x800, $0x38;
	[tilespmem:$0x1E000] =	vst v63  }
.LBB2_13:
0x234: {  	_ =	swait.ge [sflag:s19], $0x800  }
0x235: {  	[sflag:s19] =	ssyncset.done $0x0  }
0x236: {  	[sflag:s19] =	ssyncadd.s32 $0xFFFFF800  }
0x237: {  	_ =	swait.ge [sflag:s19], $0x800  }
0x238: {  	[sflag:s19] =	ssyncset.done $0x0  }
0x239: {  	[sflag:s19] =	ssyncadd.s32 $0xFFFFF800  }
0x23a: {  	_ =	swait.ge [sflag:s19], $0x800  }
0x23b: {  	[sflag:s19] =	ssyncset.done $0x0  }
0x23c: {  	[sflag:s19] =	ssyncadd.s32 $0xFFFFF800  }
0x23d: {  	_ =	swait.ge [sflag:s19], $0x800  }
0x23e: {  	p1 =	seq.s32 s24, $0x0;
	[sflag:s19] =	ssyncset.done $0x0  }
0x23f: {  	s3 =	simm.s32 @!p1 $0x3;
	[sflag:s19] =	ssyncadd.s32 $0xFFFFF800  }
0x240: {  	_ =	swait.ge @!p1 [sflag:s3], $0x800  }
0x241: {  	[sflag:s3] =	ssyncset.done @!p1 $0x0  }
0x242: {  	[sflag:s3] =	ssyncadd.s32 @!p1 $0xFFFFF800  }
0x243: {  	_ =	swait.ge @!p1 [sflag:s3], $0x800  }
0x244: {  	[sflag:s3] =	ssyncset.done @!p1 $0x0  }
0x245: {  	s25 =	simm.s32 $0x18020;
	[sflag:s3] =	ssyncadd.s32 @!p1 $0xFFFFF800  }
0x246: {  	v4 =	vld [tilespmem:s25+$0x10]  }
0x247: {  	v14 =	vld [tilespmem:s25+$0xFFFFFFF0]  }
0x248: {  	v16 =	vld [tilespmem:s25+$0xFFFFFFE0]  }
0x249: {  	s13 =	simm.s32 $0x19020;
	v13 =	vld [tilespmem:s25+$0x0]  }
0x24a: {  	s14 =	simm.s32 $0x1A020;
	v11 =	vld [tilespmem:s13+$0x10]  }
0x24b: {  	s15 =	simm.s32 $0x1B020;
	v15 =	vld [tilespmem:s14+$0x10]  }
0x24c: {  	v20 =	vld [tilespmem:s15+$0x10];
	_ =	sdelay $0x1  }
0x24d: {  	v5 =	vand.u32 $0x1F, v4;
	v12 =	vand.u32 $0x3E0, v14;
	v7 =	vand.u32 $0x1F, v14  }
0x24e: {  	v6 =	vand.u32 $0x3E0, v4;
	v8 =	vand.u32 $0x1F, v16;
	v9 =	vand.u32 $0x1F, v13  }
0x24f: {  	v22 =	vsub.f32 $1.000000000e+00, v11;
	v23 =	vsub.f32 $1.000000000e+00, v15;
	vm10 =	vlt.s32 v4, $0x7C00  }
0x250: {  	v28 =	vsub.f32 $1.000000000e+00, v20;
	v32 =	vand.u32 $0x3E0, v16;
	vm0 =	vne.s32 v5, $0x1F  }
0x251: {  	v37 =	vand.u32 $0x3E0, v13;
	vm13 =	vlt.s32 v16, $0x7C00;
	v5 =	vld [tilespmem:s13+$0xFFFFFFE0];
	v17 =	vsel vm0, $0x1, v2  }
0x252: {  	vm14 =	vlt.s32 v14, $0x7C00;
	vm7 =	veq.s32 v6, $0x3E0;
	v6 =	vld [tilespmem:s14+$0xFFFFFFE0];
	v10 =	vadd.s32 v17, v4  }
0x253: {  	vm15 =	vlt.s32 v13, $0x7C00;
	vm8 =	vne.s32 v7, $0x1F;
	v7 =	vld [tilespmem:s13+$0xFFFFFFF0];
	v19 =	vsel vm7, $0x0, v3  }
0x254: {  	vm1 =	vne.s32 v8, $0x1F;
	vm12 =	veq.s32 v12, $0x3E0;
	v12 =	vld [tilespmem:s15+$0xFFFFFFF0];
	v21 =	vadd.s32 v4, v19  }
0x255: {  	vm9 =	vne.s32 v9, $0x1F;
	v27 =	vsel vm10, $0x400, v2;
	vm11 =	veq.s32 v32, $0x3E0;
	v24 =	vld.idx.msk [tilespmem:v4+s2+$0x0], $0xffff  }
0x256: {  	vm2 =	veq.s32 v37, $0x3E0;
	v8 =	vsel vm1, $0x1, v2;
	v25 =	vld.idx.msk [tilespmem:v4+s20+$0x0], $0xffff;
	v4 =	vadd.s32 v4, v27  }
0x257: {  	v9 =	vsel vm8, $0x1, v2;
	v29 =	vmul.f32 v23, v22;
	v22 =	vmul.f32 v15, v22;
	v30 =	vld.idx.msk [tilespmem:v10+s2+$0x0], $0xffff  }
0x258: {  	v23 =	vmul.f32 v23, v11;
	v11 =	vmul.f32 v15, v11;
	v26 =	vadd.s32 v17, v21;
	v27 =	vld.idx.msk [tilespmem:v10+s20+$0x0], $0xffff  }
0x259: {  	v37 =	vsel vm11, $0x0, v3;
	v40 =	vsel vm2, $0x0, v3;
	v63 =	vadd.s32 v8, v16;
	v34 =	vld.idx.msk [tilespmem:v21+s2+$0x0], $0xffff  }
0x25a: {  	v33 =	vmul.f32 v28, v29;
	v36 =	vadd.s32 v17, v4;
	v29 =	vmul.f32 v29, v20;
	v21 =	vld.idx.msk [tilespmem:v21+s20+$0x0], $0xffff  }
0x25b: {  	v19 =	vadd.s32 v19, v4;
	v60 =	vmul.f32 v28, v22;
	v22 =	vmul.f32 v20, v22;
	v39 =	vld.idx.msk [tilespmem:v4+s2+$0x0], $0xffff  }
0x25c: {  	v55 =	vmul.f32 v28, v23;
	v17 =	vadd.s32 v17, v19;
	v24 =	vmul.f32 v33, v24;
	v4 =	vld.idx.msk [tilespmem:v4+s20+$0x0], $0xffff  }
0x25d: {  	v43 =	vadd.s32 v16, v37;
	v23 =	vmul.f32 v23, v20;
	v25 =	vmul.f32 v25, v33;
	v38 =	vld.idx.msk [tilespmem:v26+s2+$0x0], $0xffff  }
0x25e: {  	v28 =	vmul.f32 v28, v11;
	v26 =	vld.idx.msk [tilespmem:v26+s20+$0x0], $0xffff;
	v24 =	vadd.f32 $0.0e+00, v24;
	v30 =	vmul.f32 v30, v29  }
0x25f: {  	v20 =	vmul.f32 v20, v11;
	v62 =	vld.idx.msk [tilespmem:v36+s2+$0x0], $0xffff;
	v25 =	vadd.f32 $0.0e+00, v25;
	v27 =	vmul.f32 v27, v29  }
0x260: {  	v31 =	vsub.f32 $1.000000000e+00, v5;
	v56 =	vld.idx.msk [tilespmem:v19+s2+$0x0], $0xffff;
	v61 =	vmul.f32 v34, v60;
	v24 =	vadd.f32 v24, v30  }
0x261: {  	v18 =	vsub.f32 $1.000000000e+00, v6;
	v57 =	vld.idx.msk [tilespmem:v17+s20+$0x0], $0xffff;
	v21 =	vmul.f32 v21, v60;
	v25 =	vadd.f32 v27, v25  }
0x262: {  	v35 =	vsub.f32 $1.000000000e+00, v7;
	v54 =	vmul.f32 v38, v22;
	v27 =	vld.idx.msk [tilespmem:v36+s20+$0x0], $0xffff;
	v24 =	vadd.f32 v61, v24  }
0x263: {  	v10 =	vsel vm9, $0x1, v2;
	v15 =	vadd.f32 v21, v25;
	v21 =	vmul.f32 v26, v22;
	v22 =	vld.idx.msk [tilespmem:v19+s20+$0x0], $0xffff  }
0x264: {  	v58 =	vadd.s32 v10, v13;
	v25 =	vld.idx.msk [tilespmem:v17+s2+$0x0], $0xffff;
	v19 =	vadd.f32 v54, v24;
	v24 =	vmul.f32 v39, v55  }
0x265: {  	v4 =	vmul.f32 v4, v55;
	v38 =	vsel vm12, $0x0, v3;
	v17 =	vld [tilespmem:s13+$0x0];
	v21 =	vadd.f32 v21, v15  }
0x266: {  	v30 =	vmul.f32 v62, v23;
	v44 =	vadd.s32 v14, v38;
	v15 =	vld [tilespmem:s14+$0xFFFFFFF0];
	v24 =	vadd.f32 v24, v19  }
0x267: {  	v62 =	vsel vm13, $0x400, v2;
	v4 =	vadd.f32 v4, v21;
	v21 =	vmul.f32 v27, v23;
	v19 =	vld [tilespmem:s14+$0x0]  }
0x268: {  	v59 =	vld.idx.msk [tilespmem:v16+s2+$0x0], $0xffff;
	v26 =	vadd.s32 v9, v14;
	v23 =	vadd.f32 v30, v24;
	v24 =	vmul.f32 v56, v28  }
0x269: {  	v11 =	vld [tilespmem:s15+$0xFFFFFFE0];
	v27 =	vmul.f32 v18, v31;
	v22 =	vmul.f32 v22, v28;
	v21 =	vadd.f32 v21, v4  }
0x26a: {  	v41 =	vld.idx.msk [tilespmem:v14+s20+$0x0], $0xffff;
	v31 =	vmul.f32 v6, v31;
	v23 =	vadd.f32 v24, v23;
	v24 =	vmul.f32 v25, v20  }
0x26b: {  	v45 =	vld.idx.msk [tilespmem:v13+s2+$0x0], $0xffff;
	v25 =	vsub.f32 $1.000000000e+00, v15;
	v21 =	vadd.f32 v22, v21;
	v20 =	vmul.f32 v57, v20  }
0x26c: {  	v18 =	vmul.f32 v18, v5;
	v4 =	vld [tilespmem:s15+$0x0];
	v28 =	vsub.f32 $1.000000000e+00, v17;
	v30 =	vsub.f32 $1.000000000e+00, v19  }
0x26d: {  	v49 =	vld.idx.msk [tilespmem:v13+s20+$0x0], $0xffff;
	v23 =	vadd.f32 v24, v23;
	v24 =	vmul.f32 v25, v35;
	v36 =	vadd.f32 v20, v21  }
0x26e: {  	v52 =	vld.idx.msk [tilespmem:v63+s2+$0x0], $0xffff;
	v20 =	vsub.f32 $1.000000000e+00, v11;
	v35 =	vmul.f32 v15, v35;
	v25 =	vmul.f32 v25, v7  }
0x26f: {  	v60 =	vld.idx.msk [tilespmem:v16+s20+$0x0], $0xffff;
	v21 =	vsub.f32 $1.000000000e+00, v12;
	v42 =	vmul.f32 v30, v28;
	v28 =	vmul.f32 v19, v28  }
0x270: {  	v53 =	vadd.s32 v9, v44;
	v61 =	vld.idx.msk [tilespmem:v14+s2+$0x0], $0xffff;
	v30 =	vmul.f32 v30, v17;
	v46 =	vmul.f32 v20, v27  }
0x271: {  	v34 =	vld.idx.msk [tilespmem:v63+s20+$0x0], $0xffff;
	v22 =	vsub.f32 $1.000000000e+00, v4;
	v47 =	vmul.f32 v21, v24;
	v27 =	vmul.f32 v27, v11  }
0x272: {  	v16 =	vadd.s32 v16, v62;
	v54 =	vld.idx.msk [tilespmem:v26+s2+$0x0], $0xffff;
	v24 =	vmul.f32 v24, v12;
	v62 =	vmul.f32 v20, v31  }
0x273: {  	v48 =	vadd.s32 v13, v40;
	v26 =	vld.idx.msk [tilespmem:v26+s20+$0x0], $0xffff;
	v31 =	vmul.f32 v11, v31;
	v51 =	vmul.f32 v22, v42  }
0x274: {  	v50 =	vadd.s32 v8, v43;
	v63 =	vld.idx.msk [tilespmem:v58+s2+$0x0], $0xffff;
	v42 =	vmul.f32 v42, v4;
	v29 =	vmul.f32 v46, v59  }
0x275: {  	v33 =	vld.idx.msk [tilespmem:v58+s20+$0x0], $0xffff;
	v55 =	vsel vm14, $0x400, v2;
	v32 =	vmul.f32 v60, v46;
	v39 =	vmul.f32 v47, v61  }
0x276: {  	v14 =	vadd.s32 v14, v55;
	v57 =	vld.idx.msk [tilespmem:v53+s2+$0x0], $0xffff;
	v41 =	vmul.f32 v41, v47;
	v52 =	vmul.f32 v52, v27  }
0x277: {  	v56 =	vsel vm15, $0x400, v2;
	v27 =	vmul.f32 v34, v27;
	v60 =	vld.idx.msk [tilespmem:v43+s2+$0x0], $0xffff;
	v54 =	vmul.f32 v54, v24  }
0x278: {  	v13 =	vadd.s32 v13, v56;
	v43 =	vld.idx.msk [tilespmem:v43+s20+$0x0], $0xffff;
	v24 =	vmul.f32 v26, v24;
	v45 =	vmul.f32 v51, v45  }
0x279: {  	v46 =	vadd.s32 v10, v48;
	v26 =	vld.idx.msk [tilespmem:v44+s2+$0x0], $0xffff;
	v49 =	vmul.f32 v49, v51;
	v51 =	vmul.f32 v63, v42  }
0x27a: {  	s9 =	simm.s32 $0x1C020;
	v44 =	vld.idx.msk [tilespmem:v44+s20+$0x0], $0xffff;
	v63 =	vmul.f32 v21, v35;
	v29 =	vadd.f32 $0.0e+00, v29;
	v32 =	vadd.f32 $0.0e+00, v32  }
0x27b: {  	s30 =	simm.s32 $0x1D020;
	[tilespmem:s9+$0x10] =	vst v23;
	v47 =	vld.idx.msk [tilespmem:v48+s2+$0x0], $0xffff;
	v35 =	vmul.f32 v12, v35;
	v39 =	vadd.f32 $0.0e+00, v39;
	v41 =	vadd.f32 $0.0e+00, v41  }
0x27c: {  	[tilespmem:s30+$0x10] =	vst v36;
	v61 =	vld.idx.msk [tilespmem:v48+s20+$0x0], $0xffff;
	v33 =	vmul.f32 v33, v42;
	v45 =	vadd.f32 $0.0e+00, v45;
	v23 =	vadd.f32 $0.0e+00, v49  }
0x27d: {  	v59 =	vld.idx.msk [tilespmem:v53+s20+$0x0], $0xffff;
	v49 =	vadd.s32 v9, v14;
	v53 =	vmul.f32 v57, v35;
	v57 =	vmul.f32 v20, v18  }
0x27e: {  	v29 =	vadd.f32 v29, v52;
	v27 =	vadd.f32 v27, v32;
	v32 =	vld.idx.msk [tilespmem:v50+s2+$0x0], $0xffff;
	v52 =	vmul.f32 v22, v28  }
0x27f: {  	v39 =	vadd.f32 v39, v54;
	v50 =	vld.idx.msk [tilespmem:v50+s20+$0x0], $0xffff;
	v24 =	vadd.f32 v24, v41;
	v28 =	vmul.f32 v4, v28  }
0x280: {  	v34 =	vmul.f32 v60, v62;
	v55 =	vmul.f32 v43, v62;
	v56 =	vadd.f32 v45, v51;
	v62 =	vld.idx.msk [tilespmem:v16+s2+$0x0], $0xffff  }
0x281: {  	v23 =	vadd.f32 v33, v23;
	v26 =	vmul.f32 v26, v63;
	v58 =	vmul.f32 v44, v63;
	v63 =	vld.idx.msk [tilespmem:v16+s20+$0x0], $0xffff  }
0x282: {  	v60 =	vadd.s32 v8, v16;
	v51 =	vadd.s32 v10, v13;
	v36 =	vmul.f32 v61, v52;
	v61 =	vld.idx.msk [tilespmem:v46+s2+$0x0], $0xffff  }
0x283: {  	v35 =	vmul.f32 v59, v35;
	v16 =	vadd.s32 v37, v16;
	v46 =	vld.idx.msk [tilespmem:v46+s20+$0x0], $0xffff;
	v29 =	vadd.f32 v34, v29  }
0x284: {  	v47 =	vmul.f32 v47, v52;
	v52 =	vld.idx.msk [tilespmem:v14+s20+$0x0], $0xffff;
	v27 =	vadd.f32 v55, v27;
	v26 =	vadd.f32 v26, v39  }
0x285: {  	v39 =	vld.idx.msk [tilespmem:v14+s2+$0x0], $0xffff;
	v24 =	vadd.f32 v58, v24;
	v14 =	vadd.s32 v38, v14;
	v58 =	vmul.f32 v21, v25  }
0x286: {  	v54 =	vld.idx.msk [tilespmem:v13+s2+$0x0], $0xffff;
	v23 =	vadd.f32 v36, v23;
	v32 =	vmul.f32 v32, v31;
	v31 =	vmul.f32 v50, v31  }
0x287: {  	v50 =	vadd.f32 v47, v56;
	v56 =	vld.idx.msk [tilespmem:v13+s20+$0x0], $0xffff;
	v13 =	vadd.s32 v40, v13;
	v26 =	vadd.f32 v53, v26  }
0x288: {  	v48 =	vld.idx.msk [tilespmem:v49+s20+$0x0], $0xffff;
	v24 =	vadd.f32 v35, v24;
	v34 =	vmul.f32 v62, v57;
	v63 =	vmul.f32 v63, v57  }
0x289: {  	v53 =	vadd.s32 v8, v16;
	v59 =	vld.idx.msk [tilespmem:v60+s2+$0x0], $0xffff;
	v57 =	vmul.f32 v6, v5;
	v55 =	vmul.f32 v61, v28  }
0x28a: {  	v60 =	vld.idx.msk [tilespmem:v60+s20+$0x0], $0xffff;
	v28 =	vmul.f32 v46, v28;
	v29 =	vadd.f32 v32, v29;
	v61 =	vmul.f32 v22, v30  }
0x28b: {  	v62 =	vld.idx.msk [tilespmem:v49+s2+$0x0], $0xffff;
	v27 =	vadd.f32 v31, v27;
	v49 =	vmul.f32 v39, v58;
	v20 =	vmul.f32 v20, v57  }
0x28c: {  	v6 =	vld.idx.msk [tilespmem:v16+s20+$0x0], $0xffff;
	v33 =	vadd.f32 v55, v50;
	v23 =	vadd.f32 v28, v23;
	v50 =	vmul.f32 v52, v58  }
0x28d: {  	v52 =	vld.idx.msk [tilespmem:v51+s2+$0x0], $0xffff;
	v8 =	vmul.f32 v54, v61;
	v55 =	vadd.s32 v9, v14;
	v9 =	vmul.f32 v18, v11  }
0x28e: {  	v18 =	vmul.f32 v25, v12;
	v25 =	vld.idx.msk [tilespmem:v16+s2+$0x0], $0xffff;
	v16 =	vadd.f32 v63, v27;
	v27 =	vmul.f32 v15, v7  }
0x28f: {  	v54 =	vld.idx.msk [tilespmem:v51+s20+$0x0], $0xffff;
	v5 =	vadd.f32 v34, v29;
	v7 =	vmul.f32 v19, v17;
	v32 =	vmul.f32 v56, v61  }
0x290: {  	v58 =	vld.idx.msk [tilespmem:v14+s2+$0x0], $0xffff;
	v56 =	vadd.s32 v10, v13;
	v10 =	vmul.f32 v30, v4;
	v17 =	vadd.f32 v49, v26  }
0x291: {  	v14 =	vld.idx.msk [tilespmem:v14+s20+$0x0], $0xffff;
	v15 =	vmul.f32 v59, v9;
	v19 =	vadd.f32 v50, v24;
	v9 =	vmul.f32 v60, v9  }
0x292: {  	v26 =	vld.idx.msk [tilespmem:v13+s2+$0x0], $0xffff;
	v24 =	vadd.f32 v8, v33;
	v61 =	vmul.f32 v21, v27;
	v63 =	vmul.f32 v6, v20  }
0x293: {  	v13 =	vld.idx.msk [tilespmem:v13+s20+$0x0], $0xffff;
	v12 =	vmul.f32 v12, v27;
	v5 =	vadd.f32 v15, v5;
	v15 =	vmul.f32 v62, v18  }
0x294: {  	v8 =	vld.idx.msk [tilespmem:v53+s2+$0x0], $0xffff;
	v23 =	vadd.f32 v32, v23;
	v18 =	vmul.f32 v48, v18;
	v62 =	vmul.f32 v22, v7  }
0x295: {  	v59 =	vadd.f32 v9, v16;
	v9 =	vld.idx.msk [tilespmem:v53+s20+$0x0], $0xffff;
	v30 =	vmul.f32 v52, v10;
	v60 =	vmul.f32 v54, v10  }
0x296: {  	v10 =	vld.idx.msk [tilespmem:v55+s2+$0x0], $0xffff;
	v25 =	vmul.f32 v25, v20;
	v16 =	vadd.f32 v15, v17;
	v17 =	vadd.f32 v18, v19  }
0x297: {  	v22 =	vmul.f32 v14, v61;
	v18 =	vld.idx.msk [tilespmem:v55+s20+$0x0], $0xffff;
	v15 =	vadd.f32 v30, v24;
	v21 =	vadd.f32 v60, v23  }
0x298: {  	s11 =	sshll.u32 s24, $0xC;
	v19 =	vld.idx.msk [tilespmem:v56+s2+$0x0], $0xffff;
	v24 =	vmul.f32 v58, v61;
	v6 =	vadd.f32 v25, v5;
	v23 =	vmul.f32 v26, v62  }
0x299: {  	s31 =	simm.s32 $0x1D020;
	s3 =	simm.s32 $0x0;
	s25 =	simm.s32 $0x18060;
	v20 =	vld.idx.msk [tilespmem:v56+s20+$0x0], $0xffff;
	v5 =	vmul.f32 v13, v62;
	v13 =	vmul.f32 v11, v57;
	v11 =	vadd.f32 v63, v59  }
.LBB2_14:
0x29a: {  	v14 =	vld [tilespmem:s25+$0x10];
	v24 =	vadd.f32 v24, v16;
	v22 =	vadd.f32 v22, v17;
	v4 =	vmul.f32 v4, v7  }
0x29b: {  	s3 =	sadd.s32 $0x4, s3;
	v5 =	vadd.f32 v5, v21;
	v16 =	vld [tilespmem:s25+$0xFFFFFFF0];
	v7 =	vmul.f32 v8, v13;
	v8 =	vadd.f32 v23, v15  }
0x29c: {  	p0 =	slt.u32 s3, $0x7C;
	v9 =	vmul.f32 v9, v13;
	v10 =	vmul.f32 v10, v12;
	v15 =	vld [tilespmem:s25+$0x0]  }
0x29d: {  	v12 =	vmul.f32 v18, v12;
	v13 =	vmul.f32 v19, v4;
	v17 =	vld [tilespmem:s25+$0xFFFFFFE0];
	v7 =	vadd.f32 v7, v6  }
0x29e: {  	s13 =	sadd.s32 $0x40, s13;
	v9 =	vadd.f32 v9, v11;
	v10 =	vadd.f32 v10, v24;
	v6 =	vmul.f32 v20, v4  }
0x29f: {  	s14 =	sadd.s32 $0x40, s14;
	v12 =	vadd.f32 v12, v22;
	v13 =	vadd.f32 v13, v8;
	v4 =	vld [tilespmem:s13+$0x10];
	v11 =	vand.u32 $0x1F, v14;
	[tilespmem:s9+$0xFFFFFFE0] =	vst v7  }
0x2a0: {  	v22 =	vand.u32 $0x3E0, v16;
	v18 =	vand.u32 $0x1F, v16;
	v19 =	vld [tilespmem:s14+$0x10];
	vm0 =	vne.s32 v11, $0x1F;
	[tilespmem:s30+$0xFFFFFFE0] =	vst v9  }
0x2a1: {  	s15 =	sadd.s32 $0x40, s15;
	v8 =	vand.u32 $0x3E0, v14;
	v7 =	vld [tilespmem:s13+$0xFFFFFFE0];
	v20 =	vand.u32 $0x1F, v15;
	v21 =	vsel vm0, $0x1, v2;
	[tilespmem:s9+$0xFFFFFFF0] =	vst v10  }
0x2a2: {  	vm0 =	veq.s32 v8, $0x3E0;
	v9 =	vand.u32 $0x1F, v17;
	v23 =	vld [tilespmem:s15+$0x10];
	v24 =	vadd.s32 v21, v14;
	[tilespmem:s30+$0xFFFFFFF0] =	vst v12  }
0x2a3: {  	vm2 =	vne.s32 v18, $0x1F;
	v18 =	vsel vm0, $0x0, v3;
	v8 =	vld [tilespmem:s14+$0xFFFFFFE0];
	vm1 =	vne.s32 v9, $0x1F;
	[tilespmem:s9+$0x0] =	vst v13  }
0x2a4: {  	vm0 =	vne.s32 v20, $0x1F;
	v13 =	vadd.s32 v14, v18;
	v11 =	vsel vm1, $0x1, v2;
	v9 =	vld [tilespmem:s13+$0xFFFFFFF0]  }
0x2a5: {  	v10 =	vsel vm2, $0x1, v2;
	v27 =	vsub.f32 $1.000000000e+00, v4;
	v28 =	vsub.f32 $1.000000000e+00, v19;
	v29 =	vld.idx.msk [tilespmem:v14+s2+$0x0], $0xffff  }
0x2a6: {  	vm1 =	vlt.s32 v14, $0x7C00;
	v31 =	vadd.s32 v21, v13;
	v25 =	vsub.f32 $1.000000000e+00, v7;
	v30 =	vld.idx.msk [tilespmem:v14+s20+$0x0], $0xffff  }
0x2a7: {  	v26 =	vsel vm1, $0x400, v2;
	v32 =	vsub.f32 $1.000000000e+00, v23;
	v33 =	vmul.f32 v28, v27;
	v34 =	vld.idx.msk [tilespmem:v24+s2+$0x0], $0xffff  }
0x2a8: {  	v12 =	vsel vm0, $0x1, v2;
	v14 =	vadd.s32 v14, v26;
	v20 =	vsub.f32 $1.000000000e+00, v8;
	v24 =	vld.idx.msk [tilespmem:v24+s20+$0x0], $0xffff  }
0x2a9: {  	v35 =	vand.u32 $0x3E0, v17;
	v26 =	vsub.f32 $1.000000000e+00, v9;
	v36 =	vmul.f32 v32, v33;
	v37 =	vld.idx.msk [tilespmem:v13+s2+$0x0], $0xffff  }
0x2aa: {  	v38 =	vand.u32 $0x3E0, v15;
	v27 =	vmul.f32 v19, v27;
	v39 =	vadd.s32 v21, v14;
	v13 =	vld.idx.msk [tilespmem:v13+s20+$0x0], $0xffff  }
0x2ab: {  	v40 =	vadd.s32 v11, v17;
	v33 =	vmul.f32 v33, v23;
	v29 =	vmul.f32 v36, v29;
	v41 =	vld.idx.msk [tilespmem:v31+s2+$0x0], $0xffff  }
0x2ac: {  	v18 =	vadd.s32 v18, v14;
	v28 =	vmul.f32 v28, v4;
	v30 =	vmul.f32 v30, v36;
	v31 =	vld.idx.msk [tilespmem:v31+s20+$0x0], $0xffff  }
0x2ad: {  	v36 =	vmul.f32 v32, v27;
	v34 =	vmul.f32 v34, v33;
	v29 =	vadd.f32 $0.0e+00, v29;
	v42 =	vld.idx.msk [tilespmem:v14+s2+$0x0], $0xffff  }
0x2ae: {  	v21 =	vadd.s32 v21, v18;
	v30 =	vadd.f32 $0.0e+00, v30;
	v24 =	vmul.f32 v24, v33;
	v14 =	vld.idx.msk [tilespmem:v14+s20+$0x0], $0xffff  }
0x2af: {  	v27 =	vmul.f32 v23, v27;
	v33 =	vmul.f32 v37, v36;
	v29 =	vadd.f32 v29, v34;
	v34 =	vld.idx.msk [tilespmem:v39+s2+$0x0], $0xffff  }
0x2b0: {  	v37 =	vadd.s32 v10, v16;
	v24 =	vadd.f32 v24, v30;
	v13 =	vmul.f32 v13, v36;
	v30 =	vld.idx.msk [tilespmem:v39+s20+$0x0], $0xffff  }
0x2b1: {  	v36 =	vmul.f32 v32, v28;
	v29 =	vadd.f32 v33, v29;
	v33 =	vmul.f32 v41, v27;
	v39 =	vld.idx.msk [tilespmem:v18+s2+$0x0], $0xffff  }
0x2b2: {  	v4 =	vmul.f32 v19, v4;
	v13 =	vadd.f32 v13, v24;
	v19 =	vmul.f32 v31, v27;
	v24 =	vld.idx.msk [tilespmem:v18+s20+$0x0], $0xffff  }
0x2b3: {  	v28 =	vmul.f32 v28, v23;
	v27 =	vadd.f32 v33, v29;
	v29 =	vmul.f32 v42, v36;
	v31 =	vld.idx.msk [tilespmem:v21+s2+$0x0], $0xffff  }
0x2b4: {  	v33 =	vadd.s32 v12, v15;
	v13 =	vadd.f32 v19, v13;
	v14 =	vmul.f32 v14, v36;
	v36 =	vld.idx.msk [tilespmem:v21+s20+$0x0], $0xffff  }
0x2b5: {  	v32 =	vmul.f32 v32, v4;
	v18 =	vld [tilespmem:s14+$0xFFFFFFF0];
	v27 =	vadd.f32 v29, v27;
	v29 =	vmul.f32 v34, v28  }
0x2b6: {  	vm0 =	veq.s32 v35, $0x3E0;
	v14 =	vadd.f32 v14, v13;
	v28 =	vmul.f32 v30, v28;
	v19 =	vld [tilespmem:s13+$0x0]  }
0x2b7: {  	v23 =	vmul.f32 v23, v4;
	v4 =	vmul.f32 v39, v32;
	v21 =	vld [tilespmem:s14+$0x0];
	v27 =	vadd.f32 v29, v27  }
0x2b8: {  	vm1 =	veq.s32 v22, $0x3E0;
	v22 =	vadd.f32 v28, v14;
	v24 =	vmul.f32 v24, v32;
	v13 =	vld [tilespmem:s15+$0xFFFFFFE0]  }
0x2b9: {  	vm2 =	veq.s32 v38, $0x3E0;
	v28 =	vmul.f32 v31, v23;
	v14 =	vld [tilespmem:s15+$0xFFFFFFF0];
	v27 =	vadd.f32 v4, v27  }
0x2ba: {  	v22 =	vadd.f32 v24, v22;
	v23 =	vmul.f32 v36, v23;
	v29 =	vsub.f32 $1.000000000e+00, v18;
	v4 =	vld [tilespmem:s15+$0x0]  }
0x2bb: {  	v32 =	vmul.f32 v20, v25;
	v34 =	vld.idx.msk [tilespmem:v17+s2+$0x0], $0xffff;
	v35 =	vsub.f32 $1.000000000e+00, v19;
	v24 =	vadd.f32 v28, v27  }
0x2bc: {  	s9 =	sadd.s32 $0x40, s9;
	v39 =	vadd.f32 v23, v22;
	v36 =	vld.idx.msk [tilespmem:v17+s20+$0x0], $0xffff;
	v38 =	vmul.f32 v29, v26;
	v31 =	vsub.f32 $1.000000000e+00, v21  }
0x2bd: {  	s30 =	sadd.s32 $0x40, s30;
	v30 =	vsel vm0, $0x0, v3;
	v27 =	vsel vm1, $0x0, v3;
	v22 =	vsub.f32 $1.000000000e+00, v13;
	v41 =	vld.idx.msk [tilespmem:v16+s2+$0x0], $0xffff;
	[tilespmem:s9+$0x10] =	vst v24  }
0x2be: {  	v28 =	vsel vm2, $0x0, v3;
	v23 =	vsub.f32 $1.000000000e+00, v14;
	v42 =	vld.idx.msk [tilespmem:v16+s20+$0x0], $0xffff;
	v43 =	vmul.f32 v31, v35;
	[tilespmem:s30+$0x10] =	vst v39  }
0x2bf: {  	v44 =	vadd.s32 v16, v27;
	v39 =	vadd.s32 v17, v30;
	v24 =	vsub.f32 $1.000000000e+00, v4;
	v45 =	vld.idx.msk [tilespmem:v15+s2+$0x0], $0xffff  }
0x2c0: {  	v48 =	vadd.s32 v15, v28;
	v46 =	vmul.f32 v22, v32;
	v47 =	vmul.f32 v23, v38;
	v49 =	vld.idx.msk [tilespmem:v15+s20+$0x0], $0xffff  }
0x2c1: {  	v52 =	vadd.s32 v10, v44;
	v51 =	vadd.s32 v11, v39;
	v50 =	vld.idx.msk [tilespmem:v40+s2+$0x0], $0xffff;
	v53 =	vmul.f32 v24, v43  }
0x2c2: {  	v34 =	vmul.f32 v46, v34;
	v36 =	vmul.f32 v36, v46;
	v46 =	vadd.s32 v12, v48;
	v40 =	vld.idx.msk [tilespmem:v40+s20+$0x0], $0xffff  }
0x2c3: {  	vm0 =	vlt.s32 v17, $0x7C00;
	vm1 =	vlt.s32 v16, $0x7C00;
	v41 =	vmul.f32 v47, v41;
	v54 =	vld.idx.msk [tilespmem:v37+s2+$0x0], $0xffff  }
0x2c4: {  	vm2 =	vlt.s32 v15, $0x7C00;
	v32 =	vmul.f32 v32, v13;
	v42 =	vmul.f32 v42, v47;
	v37 =	vld.idx.msk [tilespmem:v37+s20+$0x0], $0xffff  }
0x2c5: {  	v38 =	vmul.f32 v38, v14;
	v47 =	vsel vm0, $0x400, v2;
	v45 =	vmul.f32 v53, v45;
	v55 =	vld.idx.msk [tilespmem:v33+s2+$0x0], $0xffff  }
0x2c6: {  	v56 =	vsel vm1, $0x400, v2;
	v43 =	vmul.f32 v43, v4;
	v49 =	vmul.f32 v49, v53;
	v33 =	vld.idx.msk [tilespmem:v33+s20+$0x0], $0xffff  }
0x2c7: {  	v25 =	vmul.f32 v8, v25;
	v26 =	vmul.f32 v18, v26;
	v57 =	vsel vm2, $0x400, v2;
	v53 =	vld.idx.msk [tilespmem:v39+s2+$0x0], $0xffff  }
0x2c8: {  	v35 =	vmul.f32 v21, v35;
	v34 =	vadd.f32 $0.0e+00, v34;
	v50 =	vmul.f32 v50, v32;
	v39 =	vld.idx.msk [tilespmem:v39+s20+$0x0], $0xffff  }
0x2c9: {  	v36 =	vadd.f32 $0.0e+00, v36;
	v32 =	vmul.f32 v40, v32;
	v40 =	vmul.f32 v54, v38;
	v54 =	vld.idx.msk [tilespmem:v44+s2+$0x0], $0xffff  }
0x2ca: {  	v41 =	vadd.f32 $0.0e+00, v41;
	v42 =	vadd.f32 $0.0e+00, v42;
	v37 =	vmul.f32 v37, v38;
	v38 =	vld.idx.msk [tilespmem:v44+s20+$0x0], $0xffff  }
0x2cb: {  	v49 =	vadd.f32 $0.0e+00, v49;
	v44 =	vadd.f32 $0.0e+00, v45;
	v45 =	vmul.f32 v55, v43;
	v55 =	vld.idx.msk [tilespmem:v48+s2+$0x0], $0xffff  }
0x2cc: {  	v16 =	vadd.s32 v16, v56;
	v17 =	vadd.s32 v17, v47;
	v33 =	vmul.f32 v33, v43;
	v43 =	vld.idx.msk [tilespmem:v48+s20+$0x0], $0xffff  }
0x2cd: {  	v56 =	vmul.f32 v23, v26;
	v15 =	vadd.s32 v15, v57;
	v47 =	vmul.f32 v22, v25;
	v48 =	vld.idx.msk [tilespmem:v51+s2+$0x0], $0xffff  }
0x2ce: {  	v34 =	vadd.f32 v34, v50;
	v50 =	vmul.f32 v24, v35;
	v32 =	vadd.f32 v32, v36;
	v36 =	vld.idx.msk [tilespmem:v51+s20+$0x0], $0xffff  }
0x2cf: {  	v40 =	vadd.f32 v41, v40;
	v37 =	vadd.f32 v37, v42;
	v51 =	vmul.f32 v53, v47;
	v41 =	vld.idx.msk [tilespmem:v52+s2+$0x0], $0xffff  }
0x2d0: {  	v44 =	vadd.f32 v44, v45;
	v39 =	vmul.f32 v39, v47;
	v33 =	vadd.f32 v33, v49;
	v42 =	vld.idx.msk [tilespmem:v52+s20+$0x0], $0xffff  }
0x2d1: {  	v45 =	vadd.s32 v11, v17;
	v47 =	vmul.f32 v54, v56;
	v38 =	vmul.f32 v38, v56;
	v49 =	vld.idx.msk [tilespmem:v46+s2+$0x0], $0xffff  }
0x2d2: {  	v52 =	vadd.s32 v10, v16;
	v53 =	vmul.f32 v55, v50;
	v43 =	vmul.f32 v43, v50;
	v46 =	vld.idx.msk [tilespmem:v46+s20+$0x0], $0xffff  }
0x2d3: {  	v26 =	vmul.f32 v14, v26;
	v25 =	vmul.f32 v13, v25;
	v54 =	vadd.s32 v12, v15;
	v50 =	vld.idx.msk [tilespmem:v17+s2+$0x0], $0xffff  }
0x2d4: {  	v20 =	vmul.f32 v20, v7;
	v35 =	vmul.f32 v4, v35;
	v34 =	vadd.f32 v51, v34;
	v51 =	vld.idx.msk [tilespmem:v17+s20+$0x0], $0xffff  }
0x2d5: {  	v29 =	vmul.f32 v29, v9;
	v31 =	vmul.f32 v31, v19;
	v32 =	vadd.f32 v39, v32;
	v39 =	vld.idx.msk [tilespmem:v16+s2+$0x0], $0xffff  }
0x2d6: {  	v40 =	vadd.f32 v47, v40;
	v37 =	vadd.f32 v38, v37;
	v48 =	vmul.f32 v48, v25;
	v38 =	vld.idx.msk [tilespmem:v16+s20+$0x0], $0xffff  }
0x2d7: {  	v25 =	vmul.f32 v36, v25;
	v36 =	vadd.f32 v53, v44;
	v33 =	vadd.f32 v43, v33;
	v43 =	vld.idx.msk [tilespmem:v15+s2+$0x0], $0xffff  }
0x2d8: {  	v17 =	vadd.s32 v30, v17;
	v30 =	vmul.f32 v41, v26;
	v26 =	vmul.f32 v42, v26;
	v41 =	vld.idx.msk [tilespmem:v15+s20+$0x0], $0xffff  }
0x2d9: {  	v16 =	vadd.s32 v27, v16;
	v27 =	vmul.f32 v49, v35;
	v35 =	vmul.f32 v46, v35;
	v42 =	vld.idx.msk [tilespmem:v45+s2+$0x0], $0xffff  }
0x2da: {  	v44 =	vmul.f32 v22, v20;
	v46 =	vmul.f32 v23, v29;
	v15 =	vadd.s32 v28, v15;
	v45 =	vld.idx.msk [tilespmem:v45+s20+$0x0], $0xffff  }
0x2db: {  	v25 =	vadd.f32 v25, v32;
	v28 =	vadd.f32 v48, v34;
	v34 =	vmul.f32 v24, v31;
	v32 =	vld.idx.msk [tilespmem:v52+s2+$0x0], $0xffff  }
0x2dc: {  	v30 =	vadd.f32 v30, v40;
	v26 =	vadd.f32 v26, v37;
	v47 =	vmul.f32 v50, v44;
	v37 =	vld.idx.msk [tilespmem:v52+s20+$0x0], $0xffff  }
0x2dd: {  	v27 =	vadd.f32 v27, v36;
	v40 =	vmul.f32 v51, v44;
	v33 =	vadd.f32 v35, v33;
	v35 =	vld.idx.msk [tilespmem:v54+s2+$0x0], $0xffff  }
0x2de: {  	v11 =	vadd.s32 v11, v17;
	v36 =	vmul.f32 v39, v46;
	v38 =	vmul.f32 v38, v46;
	v39 =	vld.idx.msk [tilespmem:v54+s20+$0x0], $0xffff  }
0x2df: {  	v46 =	vadd.s32 v10, v16;
	v10 =	vmul.f32 v43, v34;
	v34 =	vmul.f32 v41, v34;
	v44 =	vld.idx.msk [tilespmem:v17+s2+$0x0], $0xffff  }
0x2e0: {  	v20 =	vmul.f32 v20, v13;
	v12 =	vadd.s32 v12, v15;
	v41 =	vld.idx.msk [tilespmem:v17+s20+$0x0], $0xffff;
	v17 =	vmul.f32 v29, v14  }
0x2e1: {  	v31 =	vmul.f32 v31, v4;
	v29 =	vmul.f32 v8, v7;
	v8 =	vadd.f32 v47, v28;
	v28 =	vld.idx.msk [tilespmem:v16+s2+$0x0], $0xffff  }
0x2e2: {  	v25 =	vadd.f32 v40, v25;
	v40 =	vmul.f32 v18, v9;
	v7 =	vmul.f32 v21, v19;
	v43 =	vld.idx.msk [tilespmem:v16+s20+$0x0], $0xffff  }
0x2e3: {  	v18 =	vadd.f32 v38, v26;
	v9 =	vmul.f32 v42, v20;
	v16 =	vadd.f32 v36, v30;
	v26 =	vld.idx.msk [tilespmem:v15+s2+$0x0], $0xffff  }
0x2e4: {  	v19 =	vmul.f32 v45, v20;
	v20 =	vadd.f32 v10, v27;
	v21 =	vadd.f32 v34, v33;
	v27 =	vld.idx.msk [tilespmem:v15+s20+$0x0], $0xffff  }
0x2e5: {  	v30 =	vadd.f32 v9, v8;
	v10 =	vmul.f32 v32, v17;
	v15 =	vmul.f32 v37, v17;
	v8 =	vld.idx.msk [tilespmem:v11+s2+$0x0], $0xffff  }
0x2e6: {  	v25 =	vadd.f32 v19, v25;
	v19 =	vmul.f32 v39, v31;
	v9 =	vld.idx.msk [tilespmem:v11+s20+$0x0], $0xffff;
	v11 =	vmul.f32 v35, v31  }
0x2e7: {  	v23 =	vmul.f32 v23, v40;
	v22 =	vmul.f32 v22, v29;
	v16 =	vadd.f32 v10, v16;
	v10 =	vld.idx.msk [tilespmem:v46+s2+$0x0], $0xffff  }
.Ltmp6:
0x2e8: {  	v17 =	vadd.f32 v15, v18;
	v18 =	vld.idx.msk [tilespmem:v46+s20+$0x0], $0xffff;
	v15 =	vadd.f32 v11, v20;
	v11 =	vmul.f32 v24, v7;
	(pc) =	sbr.rel @p0 .LBB2_14-.Ltmp6, $4  }
0x2e9: {  	v32 =	vmul.f32 v41, v22;
	v21 =	vadd.f32 v19, v21;
	v31 =	vmul.f32 v44, v22;
	v19 =	vld.idx.msk [tilespmem:v12+s2+$0x0], $0xffff  }
0x2ea: {  	v22 =	vmul.f32 v43, v23;
	v24 =	vmul.f32 v28, v23;
	v28 =	vadd.f32 v6, v5;
	v20 =	vld.idx.msk [tilespmem:v12+s20+$0x0], $0xffff  }
0x2eb: {  	v6 =	vadd.f32 v31, v30;
	v23 =	vmul.f32 v26, v11;
	v5 =	vmul.f32 v27, v11  }
0x2ec: {  	s25 =	sadd.s32 $0x40, s25;
	v13 =	vmul.f32 v13, v29;
	v11 =	vadd.f32 v32, v25;
	v12 =	vmul.f32 v14, v40;
	[tilespmem:s31+$0x0] =	vst v28;
	s31 =	smov.u32 s30  }
0x2ed: {  	_ = 	snop  }
0x2ee: {  	v8 =	vmul.f32 v8, v13  }
0x2ef: {  	v14 =	vadd.f32 v24, v16;
	v4 =	vmul.f32 v4, v7;
	v7 =	vmul.f32 v10, v12  }
0x2f0: {  	v9 =	vmul.f32 v9, v13;
	v6 =	vadd.f32 v8, v6  }
0x2f1: {  	v10 =	vmul.f32 v18, v12;
	v8 =	vadd.f32 v22, v17;
	v7 =	vadd.f32 v7, v14  }
0x2f2: {  	v12 =	vmul.f32 v19, v4;
	v9 =	vadd.f32 v9, v11;
	v11 =	vadd.f32 v23, v15;
	[tilespmem:s9+$0xFFFFFFE0] =	vst v6  }
0x2f3: {  	v5 =	vadd.f32 v5, v21;
	p0 =	seq.s32 s24, $0xF;
	v4 =	vmul.f32 v20, v4;
	v6 =	vadd.f32 v10, v8;
	[tilespmem:s9+$0xFFFFFFF0] =	vst v7  }
0x2f4: {  	s3 =	sadd.s32 @!p0 $0x1000, s11;
	v8 =	vadd.f32 v12, v11;
	[tilespmem:s30+$0xFFFFFFE0] =	vst v9  }
0x2f5: {  	s13 =	sor.u32 @!p0 s12, s3;
	v4 =	vadd.f32 v4, v5;
	[tilespmem:s30+$0xFFFFFFF0] =	vst v6  }
0x2f6: {  	[tilespmem:s9+$0x0] =	vst v8;
	s9 =	sshrl.u32 @!p0 s13, $0x3  }
0x2f7: {  	s14 =	simm.s32 @!p0 $0x18000;
	s13 =	simm.s32 @!p0 $0x0;
	[tilespmem:s31+$0x0] =	vst v4;
	s9 =	sadd.s32 @!p0 s5, s9  }
0x2f8: {  	[tilespmem:s14], [sflag:$0x1] =	stream.linear.gather @!p0 [hbm4b:s9+s13], $0x800, $0x38;
	[tilespmem:$0x1E000] =	vst v63  }
0x2f9: {  	s9 =	sadd.s32 @!p0 s7, s3  }
0x2fa: {  	s9 =	sshrl.u32 @!p0 s9, $0x3  }
0x2fb: {  	s14 =	simm.s32 @!p0 $0x19000;
	s9 =	sadd.s32 @!p0 s6, s9  }
0x2fc: {  	[tilespmem:s14], [sflag:$0x1] =	stream.linear.gather @!p0 [hbm4b:s9+s13], $0x800, $0x38;
	[tilespmem:$0x1E000] =	vst v63  }
0x2fd: {  	s9 =	sadd.s32 @!p0 s8, s3  }
0x2fe: {  	s3 =	sadd.s32 @!p0 s10, s3;
	s9 =	sshrl.u32 @!p0 s9, $0x3  }
0x2ff: {  	s14 =	simm.s32 @!p0 $0x1A000;
	s3 =	sshrl.u32 @!p0 s3, $0x3;
	s9 =	sadd.s32 @!p0 s6, s9  }
0x300: {  	[tilespmem:s14], [sflag:$0x1] =	stream.linear.gather @!p0 [hbm4b:s9+s13], $0x800, $0x38;
	[tilespmem:$0x1E000] =	vst v63  }
0x301: {  	s3 =	sadd.s32 @!p0 s6, s3;
	s9 =	simm.s32 @!p0 $0x1B000  }
0x302: {  	[tilespmem:s9], [sflag:$0x1] =	stream.linear.gather @!p0 [hbm4b:s3+s13], $0x800, $0x38;
	[tilespmem:$0x1E000] =	vst v63  }
0x303: {  	s13 =	sor.u32 s0, s11  }
0x304: {  	s3 =	sshrl.u32 s13, $0x3  }
0x305: {  	s15 =	sor.u32 s23, s11;
	s14 =	simm.s32 $0x1C000;
	s3 =	sadd.s32 s1, s3  }
0x306: {  	[hbm4b:s3+s2] =	stream.linear.scatter [tilespmem:s14], [sflag:$0x3], $0x800, $0x38;
	[tilespmem:$0x1E000] =	vst v63  }
0x307: {  	s3 =	sshrl.u32 s15, $0x3  }
0x308: {  	s3 =	sadd.s32 s1, s3  }
0x309: {  	[hbm4b:s3+s2] =	stream.linear.scatter [tilespmem:s26], [sflag:$0x3], $0x800, $0x38;
	[tilespmem:$0x1E000] =	vst v63  }
0x30a: {  	_ =	swait.ge [sflag:s22], $0x800  }
0x30b: {  	[sflag:s22] =	ssyncset.done $0x0  }
0x30c: {  	[sflag:s22] =	ssyncadd.s32 $0xFFFFF800  }
0x30d: {  	_ =	swait.ge [sflag:s22], $0x800  }
0x30e: {  	[sflag:s22] =	ssyncset.done $0x0  }
0x30f: {  	[sflag:s22] =	ssyncadd.s32 $0xFFFFF800  }
0x310: {  	_ =	swait.ge [sflag:s22], $0x800  }
0x311: {  	[sflag:s22] =	ssyncset.done $0x0  }
0x312: {  	[sflag:s22] =	ssyncadd.s32 $0xFFFFF800  }
0x313: {  	_ =	swait.ge [sflag:s22], $0x800  }
0x314: {  	[sflag:s22] =	ssyncset.done $0x0  }
0x315: {  	s3 =	simm.s32 @!p1 $0x4;
	[sflag:s22] =	ssyncadd.s32 $0xFFFFF800  }
0x316: {  	_ =	swait.ge @!p1 [sflag:s3], $0x800  }
0x317: {  	[sflag:s3] =	ssyncset.done @!p1 $0x0  }
0x318: {  	[sflag:s3] =	ssyncadd.s32 @!p1 $0xFFFFF800  }
0x319: {  	_ =	swait.ge @!p1 [sflag:s3], $0x800  }
0x31a: {  	[sflag:s3] =	ssyncset.done @!p1 $0x0  }
0x31b: {  	s25 =	simm.s32 $0x18820;
	[sflag:s3] =	ssyncadd.s32 @!p1 $0xFFFFF800  }
0x31c: {  	v4 =	vld [tilespmem:s25+$0x10]  }
0x31d: {  	v14 =	vld [tilespmem:s25+$0xFFFFFFF0]  }
0x31e: {  	v16 =	vld [tilespmem:s25+$0xFFFFFFE0]  }
0x31f: {  	s13 =	simm.s32 $0x19820;
	v13 =	vld [tilespmem:s25+$0x0]  }
0x320: {  	s14 =	simm.s32 $0x1A820;
	v11 =	vld [tilespmem:s13+$0x10]  }
0x321: {  	s15 =	simm.s32 $0x1B820;
	v15 =	vld [tilespmem:s14+$0x10]  }
0x322: {  	v20 =	vld [tilespmem:s15+$0x10]  }
0x323: {  	v5 =	vand.u32 $0x1F, v4;
	v12 =	vand.u32 $0x3E0, v14;
	v7 =	vand.u32 $0x1F, v14  }
0x324: {  	v6 =	vand.u32 $0x3E0, v4;
	v8 =	vand.u32 $0x1F, v16;
	vm0 =	vne.s32 v5, $0x1F  }
0x325: {  	v9 =	vand.u32 $0x1F, v13;
	v22 =	vsub.f32 $1.000000000e+00, v11;
	v17 =	vsel vm0, $0x1, v2  }
0x326: {  	v23 =	vsub.f32 $1.000000000e+00, v15;
	v5 =	vld [tilespmem:s13+$0xFFFFFFE0];
	vm7 =	veq.s32 v6, $0x3E0;
	v10 =	vadd.s32 v17, v4  }
0x327: {  	vm10 =	vlt.s32 v4, $0x7C00;
	v28 =	vsub.f32 $1.000000000e+00, v20;
	v6 =	vld [tilespmem:s14+$0xFFFFFFE0];
	v19 =	vsel vm7, $0x0, v3  }
0x328: {  	v32 =	vand.u32 $0x3E0, v16;
	vm8 =	vne.s32 v7, $0x1F;
	v7 =	vld [tilespmem:s13+$0xFFFFFFF0];
	v21 =	vadd.s32 v4, v19  }
0x329: {  	v37 =	vand.u32 $0x3E0, v13;
	vm13 =	vlt.s32 v16, $0x7C00;
	v27 =	vsel vm10, $0x400, v2;
	v24 =	vld.idx.msk [tilespmem:v4+s2+$0x0], $0xffff  }
0x32a: {  	vm14 =	vlt.s32 v14, $0x7C00;
	vm1 =	vne.s32 v8, $0x1F;
	v25 =	vld.idx.msk [tilespmem:v4+s20+$0x0], $0xffff;
	v4 =	vadd.s32 v4, v27  }
0x32b: {  	vm15 =	vlt.s32 v13, $0x7C00;
	vm9 =	vne.s32 v9, $0x1F;
	v8 =	vsel vm1, $0x1, v2;
	v30 =	vld.idx.msk [tilespmem:v10+s2+$0x0], $0xffff  }
0x32c: {  	vm11 =	veq.s32 v32, $0x3E0;
	vm12 =	veq.s32 v12, $0x3E0;
	v63 =	vadd.s32 v8, v16;
	v27 =	vld.idx.msk [tilespmem:v10+s20+$0x0], $0xffff  }
0x32d: {  	vm2 =	veq.s32 v37, $0x3E0;
	v29 =	vmul.f32 v23, v22;
	v26 =	vadd.s32 v17, v21;
	v34 =	vld.idx.msk [tilespmem:v21+s2+$0x0], $0xffff  }
0x32e: {  	v9 =	vsel vm8, $0x1, v2;
	v22 =	vmul.f32 v15, v22;
	v23 =	vmul.f32 v23, v11;
	v21 =	vld.idx.msk [tilespmem:v21+s20+$0x0], $0xffff  }
0x32f: {  	v11 =	vmul.f32 v15, v11;
	v37 =	vsel vm11, $0x0, v3;
	v36 =	vadd.s32 v17, v4;
	v39 =	vld.idx.msk [tilespmem:v4+s2+$0x0], $0xffff  }
0x330: {  	v33 =	vmul.f32 v28, v29;
	v29 =	vmul.f32 v29, v20;
	v19 =	vadd.s32 v19, v4;
	v4 =	vld.idx.msk [tilespmem:v4+s20+$0x0], $0xffff  }
0x331: {  	v60 =	vmul.f32 v28, v22;
	v22 =	vmul.f32 v20, v22;
	v17 =	vadd.s32 v17, v19;
	v52 =	vld.idx.msk [tilespmem:v63+s2+$0x0], $0xffff  }
0x332: {  	v40 =	vsel vm2, $0x0, v3;
	v56 =	vmul.f32 v28, v23;
	v24 =	vmul.f32 v33, v24;
	v38 =	vld.idx.msk [tilespmem:v26+s2+$0x0], $0xffff  }
0x333: {  	v43 =	vadd.s32 v16, v37;
	v23 =	vmul.f32 v23, v20;
	v25 =	vmul.f32 v25, v33;
	v26 =	vld.idx.msk [tilespmem:v26+s20+$0x0], $0xffff  }
0x334: {  	v28 =	vmul.f32 v28, v11;
	v62 =	vld.idx.msk [tilespmem:v36+s2+$0x0], $0xffff;
	v24 =	vadd.f32 $0.0e+00, v24;
	v30 =	vmul.f32 v30, v29  }
0x335: {  	v20 =	vmul.f32 v20, v11;
	v57 =	vld.idx.msk [tilespmem:v19+s2+$0x0], $0xffff;
	v25 =	vadd.f32 $0.0e+00, v25;
	v27 =	vmul.f32 v27, v29  }
0x336: {  	v31 =	vsub.f32 $1.000000000e+00, v5;
	v58 =	vld.idx.msk [tilespmem:v17+s20+$0x0], $0xffff;
	v61 =	vmul.f32 v34, v60;
	v24 =	vadd.f32 v24, v30  }
0x337: {  	v18 =	vsub.f32 $1.000000000e+00, v6;
	v21 =	vmul.f32 v21, v60;
	v34 =	vld.idx.msk [tilespmem:v63+s20+$0x0], $0xffff;
	v25 =	vadd.f32 v27, v25  }
0x338: {  	v35 =	vsub.f32 $1.000000000e+00, v7;
	v55 =	vmul.f32 v38, v22;
	v27 =	vld.idx.msk [tilespmem:v36+s20+$0x0], $0xffff;
	v24 =	vadd.f32 v61, v24  }
0x339: {  	v10 =	vsel vm9, $0x1, v2;
	v15 =	vadd.f32 v21, v25;
	v21 =	vmul.f32 v26, v22;
	v22 =	vld.idx.msk [tilespmem:v19+s20+$0x0], $0xffff  }
0x33a: {  	v59 =	vadd.s32 v10, v13;
	v25 =	vld.idx.msk [tilespmem:v17+s2+$0x0], $0xffff;
	v19 =	vadd.f32 v55, v24;
	v24 =	vmul.f32 v39, v56  }
0x33b: {  	v4 =	vmul.f32 v4, v56;
	v63 =	vsel vm13, $0x400, v2;
	v17 =	vld [tilespmem:s13+$0x0];
	v21 =	vadd.f32 v21, v15  }
0x33c: {  	v38 =	vsel vm12, $0x0, v3;
	v30 =	vmul.f32 v62, v23;
	v15 =	vld [tilespmem:s14+$0xFFFFFFF0];
	v24 =	vadd.f32 v24, v19  }
0x33d: {  	v44 =	vadd.s32 v14, v38;
	v4 =	vadd.f32 v4, v21;
	v21 =	vmul.f32 v27, v23;
	v19 =	vld [tilespmem:s14+$0x0]  }
0x33e: {  	v26 =	vadd.s32 v9, v14;
	v23 =	vadd.f32 v30, v24;
	v24 =	vmul.f32 v57, v28  }
0x33f: {  	v11 =	vld [tilespmem:s15+$0xFFFFFFE0];
	v27 =	vmul.f32 v18, v31;
	v22 =	vmul.f32 v22, v28;
	v21 =	vadd.f32 v21, v4  }
0x340: {  	v12 =	vld [tilespmem:s15+$0xFFFFFFF0];
	v31 =	vmul.f32 v6, v31;
	v23 =	vadd.f32 v24, v23;
	v24 =	vmul.f32 v25, v20  }
0x341: {  	v41 =	vld.idx.msk [tilespmem:v14+s20+$0x0], $0xffff;
	v25 =	vsub.f32 $1.000000000e+00, v15;
	v21 =	vadd.f32 v22, v21;
	v20 =	vmul.f32 v58, v20  }
0x342: {  	v18 =	vmul.f32 v18, v5;
	v4 =	vld [tilespmem:s15+$0x0];
	v28 =	vsub.f32 $1.000000000e+00, v17;
	v30 =	vsub.f32 $1.000000000e+00, v19  }
0x343: {  	v45 =	vld.idx.msk [tilespmem:v13+s2+$0x0], $0xffff;
	v23 =	vadd.f32 v24, v23;
	v24 =	vmul.f32 v25, v35;
	v36 =	vadd.f32 v20, v21  }
0x344: {  	v49 =	vld.idx.msk [tilespmem:v13+s20+$0x0], $0xffff;
	v20 =	vsub.f32 $1.000000000e+00, v11;
	v35 =	vmul.f32 v15, v35;
	v25 =	vmul.f32 v25, v7  }
0x345: {  	v60 =	vld.idx.msk [tilespmem:v16+s2+$0x0], $0xffff;
	v21 =	vsub.f32 $1.000000000e+00, v12;
	v42 =	vmul.f32 v30, v28;
	v28 =	vmul.f32 v19, v28  }
0x346: {  	v62 =	vld.idx.msk [tilespmem:v14+s2+$0x0], $0xffff;
	v53 =	vadd.s32 v9, v44;
	v30 =	vmul.f32 v30, v17;
	v46 =	vmul.f32 v20, v27  }
0x347: {  	v61 =	vld.idx.msk [tilespmem:v16+s20+$0x0], $0xffff;
	v22 =	vsub.f32 $1.000000000e+00, v4;
	v47 =	vmul.f32 v21, v24;
	v27 =	vmul.f32 v27, v11  }
0x348: {  	v33 =	vld.idx.msk [tilespmem:v59+s20+$0x0], $0xffff;
	v16 =	vadd.s32 v16, v63;
	v24 =	vmul.f32 v24, v12;
	v63 =	vmul.f32 v21, v35  }
0x349: {  	v55 =	vsel vm14, $0x400, v2;
	v54 =	vld.idx.msk [tilespmem:v26+s2+$0x0], $0xffff;
	v35 =	vmul.f32 v12, v35;
	v51 =	vmul.f32 v22, v42  }
0x34a: {  	v14 =	vadd.s32 v14, v55;
	v26 =	vld.idx.msk [tilespmem:v26+s20+$0x0], $0xffff;
	v42 =	vmul.f32 v42, v4;
	v55 =	vmul.f32 v22, v28  }
0x34b: {  	v48 =	vadd.s32 v13, v40;
	v58 =	vld.idx.msk [tilespmem:v53+s2+$0x0], $0xffff;
	v28 =	vmul.f32 v4, v28;
	v29 =	vmul.f32 v46, v60  }
0x34c: {  	v50 =	vadd.s32 v8, v43;
	v32 =	vmul.f32 v61, v46;
	v39 =	vmul.f32 v47, v62;
	v60 =	vld.idx.msk [tilespmem:v59+s2+$0x0], $0xffff  }
0x34d: {  	v56 =	vsel vm15, $0x400, v2;
	v41 =	vmul.f32 v41, v47;
	v52 =	vmul.f32 v52, v27;
	v61 =	vld.idx.msk [tilespmem:v43+s2+$0x0], $0xffff  }
0x34e: {  	v13 =	vadd.s32 v13, v56;
	v27 =	vmul.f32 v34, v27;
	v43 =	vld.idx.msk [tilespmem:v43+s20+$0x0], $0xffff;
	v54 =	vmul.f32 v54, v24  }
0x34f: {  	v46 =	vadd.s32 v10, v48;
	v24 =	vmul.f32 v26, v24;
	v26 =	vld.idx.msk [tilespmem:v44+s2+$0x0], $0xffff;
	v62 =	vmul.f32 v20, v31  }
0x350: {  	v44 =	vld.idx.msk [tilespmem:v44+s20+$0x0], $0xffff;
	v31 =	vmul.f32 v11, v31;
	v45 =	vmul.f32 v51, v45;
	v32 =	vadd.f32 $0.0e+00, v32  }
0x351: {  	s9 =	simm.s32 $0x1C820;
	v47 =	vld.idx.msk [tilespmem:v48+s2+$0x0], $0xffff;
	v49 =	vmul.f32 v49, v51;
	v29 =	vadd.f32 $0.0e+00, v29;
	v39 =	vadd.f32 $0.0e+00, v39  }
0x352: {  	s30 =	simm.s32 $0x1D820;
	[tilespmem:s9+$0x10] =	vst v23;
	v33 =	vmul.f32 v33, v42;
	v41 =	vadd.f32 $0.0e+00, v41;
	v27 =	vadd.f32 v27, v32;
	v32 =	vld.idx.msk [tilespmem:v50+s2+$0x0], $0xffff  }
0x353: {  	[tilespmem:s30+$0x10] =	vst v36;
	v45 =	vadd.f32 $0.0e+00, v45;
	v23 =	vadd.f32 $0.0e+00, v49;
	v49 =	vadd.s32 v9, v14;
	v50 =	vld.idx.msk [tilespmem:v50+s20+$0x0], $0xffff  }
0x354: {  	v39 =	vadd.f32 v39, v54;
	v24 =	vadd.f32 v24, v41;
	v41 =	vld.idx.msk [tilespmem:v16+s20+$0x0], $0xffff;
	v54 =	vmul.f32 v58, v35  }
0x355: {  	v29 =	vadd.f32 v29, v52;
	v58 =	vmul.f32 v20, v18;
	v51 =	vmul.f32 v60, v42;
	v42 =	vld.idx.msk [tilespmem:v48+s20+$0x0], $0xffff  }
0x356: {  	v34 =	vmul.f32 v61, v62;
	v56 =	vmul.f32 v43, v62;
	v23 =	vadd.f32 v33, v23;
	v60 =	vld.idx.msk [tilespmem:v53+s20+$0x0], $0xffff  }
0x357: {  	v26 =	vmul.f32 v26, v63;
	v59 =	vmul.f32 v44, v63;
	v61 =	vadd.s32 v8, v16;
	v62 =	vld.idx.msk [tilespmem:v46+s2+$0x0], $0xffff  }
0x358: {  	v47 =	vmul.f32 v47, v55;
	v63 =	vld.idx.msk [tilespmem:v16+s2+$0x0], $0xffff;
	v16 =	vadd.s32 v37, v16;
	v57 =	vadd.f32 v45, v51  }
0x359: {  	v46 =	vld.idx.msk [tilespmem:v46+s20+$0x0], $0xffff;
	v51 =	vadd.s32 v10, v13;
	v29 =	vadd.f32 v34, v29;
	v27 =	vadd.f32 v56, v27  }
0x35a: {  	v53 =	vld.idx.msk [tilespmem:v14+s20+$0x0], $0xffff;
	v26 =	vadd.f32 v26, v39;
	v24 =	vadd.f32 v59, v24;
	v59 =	vmul.f32 v21, v25  }
0x35b: {  	v39 =	vld.idx.msk [tilespmem:v14+s2+$0x0], $0xffff;
	v14 =	vadd.s32 v38, v14;
	v32 =	vmul.f32 v32, v31;
	v31 =	vmul.f32 v50, v31  }
0x35c: {  	v52 =	vadd.f32 v47, v57;
	v57 =	vld.idx.msk [tilespmem:v13+s20+$0x0], $0xffff;
	v26 =	vadd.f32 v54, v26;
	v48 =	vmul.f32 v41, v58  }
0x35d: {  	v54 =	vadd.s32 v8, v16;
	v36 =	vmul.f32 v42, v55;
	v35 =	vmul.f32 v60, v35;
	v55 =	vld.idx.msk [tilespmem:v13+s2+$0x0], $0xffff  }
0x35e: {  	v56 =	vmul.f32 v62, v28;
	v28 =	vmul.f32 v46, v28;
	v60 =	vld.idx.msk [tilespmem:v61+s2+$0x0], $0xffff;
	v13 =	vadd.s32 v40, v13  }
0x35f: {  	v61 =	vld.idx.msk [tilespmem:v61+s20+$0x0], $0xffff;
	v62 =	vmul.f32 v22, v30;
	v34 =	vmul.f32 v63, v58;
	v29 =	vadd.f32 v32, v29  }
0x360: {  	v63 =	vld.idx.msk [tilespmem:v49+s2+$0x0], $0xffff;
	v58 =	vmul.f32 v6, v5;
	v27 =	vadd.f32 v31, v27;
	v23 =	vadd.f32 v36, v23  }
0x361: {  	v49 =	vld.idx.msk [tilespmem:v49+s20+$0x0], $0xffff;
	v24 =	vadd.f32 v35, v24;
	v33 =	vadd.f32 v56, v52;
	v50 =	vmul.f32 v39, v59  }
0x362: {  	v6 =	vld.idx.msk [tilespmem:v16+s20+$0x0], $0xffff;
	v52 =	vmul.f32 v53, v59;
	v56 =	vadd.s32 v9, v14;
	v9 =	vmul.f32 v18, v11  }
0x363: {  	v53 =	vld.idx.msk [tilespmem:v51+s2+$0x0], $0xffff;
	v18 =	vmul.f32 v25, v12;
	v20 =	vmul.f32 v20, v58;
	v5 =	vadd.f32 v34, v29  }
0x364: {  	v25 =	vld.idx.msk [tilespmem:v16+s2+$0x0], $0xffff;
	v16 =	vadd.f32 v48, v27;
	v27 =	vmul.f32 v15, v7;
	v7 =	vmul.f32 v19, v17  }
0x365: {  	v59 =	vld.idx.msk [tilespmem:v14+s2+$0x0], $0xffff;
	v23 =	vadd.f32 v28, v23;
	v32 =	vmul.f32 v57, v62;
	v57 =	vadd.s32 v10, v13  }
0x366: {  	v14 =	vld.idx.msk [tilespmem:v14+s20+$0x0], $0xffff;
	v10 =	vmul.f32 v30, v4;
	v17 =	vadd.f32 v50, v26;
	v8 =	vmul.f32 v55, v62  }
0x367: {  	v19 =	vadd.f32 v52, v24;
	v55 =	vld.idx.msk [tilespmem:v51+s20+$0x0], $0xffff;
	v15 =	vmul.f32 v60, v9;
	v9 =	vmul.f32 v61, v9  }
0x368: {  	v26 =	vld.idx.msk [tilespmem:v13+s2+$0x0], $0xffff;
	v62 =	vmul.f32 v21, v27;
	v12 =	vmul.f32 v12, v27;
	v23 =	vadd.f32 v32, v23  }
0x369: {  	v13 =	vld.idx.msk [tilespmem:v13+s20+$0x0], $0xffff;
	v5 =	vadd.f32 v15, v5;
	v15 =	vmul.f32 v63, v18;
	v18 =	vmul.f32 v49, v18  }
0x36a: {  	v24 =	vadd.f32 v8, v33;
	v30 =	vmul.f32 v53, v10;
	v8 =	vld.idx.msk [tilespmem:v54+s2+$0x0], $0xffff;
	v63 =	vmul.f32 v22, v7  }
0x36b: {  	v60 =	vadd.f32 v9, v16;
	v9 =	vld.idx.msk [tilespmem:v54+s20+$0x0], $0xffff;
	v22 =	vmul.f32 v25, v20;
	v25 =	vmul.f32 v6, v20  }
0x36c: {  	v16 =	vadd.f32 v15, v17;
	v17 =	vadd.f32 v18, v19;
	v18 =	vld.idx.msk [tilespmem:v56+s20+$0x0], $0xffff;
	v61 =	vmul.f32 v55, v10  }
0x36d: {  	v15 =	vadd.f32 v30, v24;
	v24 =	vmul.f32 v59, v62;
	v6 =	vadd.f32 v22, v5;
	v10 =	vld.idx.msk [tilespmem:v56+s2+$0x0], $0xffff  }
0x36e: {  	v19 =	vld.idx.msk [tilespmem:v57+s2+$0x0], $0xffff;
	v22 =	vmul.f32 v26, v63;
	v21 =	vadd.f32 v61, v23;
	v23 =	vmul.f32 v14, v62  }
0x36f: {  	s31 =	simm.s32 $0x1D820;
	s3 =	simm.s32 $0x0;
	s25 =	simm.s32 $0x18860;
	v20 =	vld.idx.msk [tilespmem:v57+s20+$0x0], $0xffff;
	v5 =	vmul.f32 v13, v63;
	v13 =	vmul.f32 v11, v58;
	v11 =	vadd.f32 v25, v60  }
.LBB2_16:
0x370: {  	v14 =	vld [tilespmem:s25+$0x10];
	v24 =	vadd.f32 v24, v16;
	v23 =	vadd.f32 v23, v17;
	v4 =	vmul.f32 v4, v7  }
0x371: {  	s3 =	sadd.s32 $0x4, s3;
	v5 =	vadd.f32 v5, v21;
	v16 =	vld [tilespmem:s25+$0xFFFFFFF0];
	v7 =	vmul.f32 v8, v13;
	v8 =	vadd.f32 v22, v15  }
0x372: {  	p1 =	slt.u32 s3, $0x7C;
	v9 =	vmul.f32 v9, v13;
	v10 =	vmul.f32 v10, v12;
	v15 =	vld [tilespmem:s25+$0x0]  }
0x373: {  	v12 =	vmul.f32 v18, v12;
	v13 =	vmul.f32 v19, v4;
	v17 =	vld [tilespmem:s25+$0xFFFFFFE0];
	v7 =	vadd.f32 v7, v6  }
0x374: {  	s13 =	sadd.s32 $0x40, s13;
	v9 =	vadd.f32 v9, v11;
	v10 =	vadd.f32 v10, v24;
	v6 =	vmul.f32 v20, v4  }
0x375: {  	s14 =	sadd.s32 $0x40, s14;
	v12 =	vadd.f32 v12, v23;
	v13 =	vadd.f32 v13, v8;
	v4 =	vld [tilespmem:s13+$0x10];
	v11 =	vand.u32 $0x1F, v14;
	[tilespmem:s9+$0xFFFFFFE0] =	vst v7  }
0x376: {  	v22 =	vand.u32 $0x3E0, v16;
	v18 =	vand.u32 $0x1F, v16;
	v19 =	vld [tilespmem:s14+$0x10];
	vm0 =	vne.s32 v11, $0x1F;
	[tilespmem:s30+$0xFFFFFFE0] =	vst v9  }
0x377: {  	s15 =	sadd.s32 $0x40, s15;
	v8 =	vand.u32 $0x3E0, v14;
	v7 =	vld [tilespmem:s13+$0xFFFFFFE0];
	v20 =	vand.u32 $0x1F, v15;
	v21 =	vsel vm0, $0x1, v2;
	[tilespmem:s9+$0xFFFFFFF0] =	vst v10  }
0x378: {  	vm0 =	veq.s32 v8, $0x3E0;
	v9 =	vand.u32 $0x1F, v17;
	v23 =	vld [tilespmem:s15+$0x10];
	v24 =	vadd.s32 v21, v14;
	[tilespmem:s30+$0xFFFFFFF0] =	vst v12  }
0x379: {  	vm2 =	vne.s32 v18, $0x1F;
	v18 =	vsel vm0, $0x0, v3;
	v8 =	vld [tilespmem:s14+$0xFFFFFFE0];
	vm1 =	vne.s32 v9, $0x1F;
	[tilespmem:s9+$0x0] =	vst v13  }
0x37a: {  	vm0 =	vne.s32 v20, $0x1F;
	v13 =	vadd.s32 v14, v18;
	v11 =	vsel vm1, $0x1, v2;
	v9 =	vld [tilespmem:s13+$0xFFFFFFF0]  }
0x37b: {  	v10 =	vsel vm2, $0x1, v2;
	v27 =	vsub.f32 $1.000000000e+00, v4;
	v28 =	vsub.f32 $1.000000000e+00, v19;
	v29 =	vld.idx.msk [tilespmem:v14+s2+$0x0], $0xffff  }
0x37c: {  	vm1 =	vlt.s32 v14, $0x7C00;
	v31 =	vadd.s32 v21, v13;
	v25 =	vsub.f32 $1.000000000e+00, v7;
	v30 =	vld.idx.msk [tilespmem:v14+s20+$0x0], $0xffff  }
0x37d: {  	v26 =	vsel vm1, $0x400, v2;
	v32 =	vsub.f32 $1.000000000e+00, v23;
	v33 =	vmul.f32 v28, v27;
	v34 =	vld.idx.msk [tilespmem:v24+s2+$0x0], $0xffff  }
0x37e: {  	v12 =	vsel vm0, $0x1, v2;
	v14 =	vadd.s32 v14, v26;
	v20 =	vsub.f32 $1.000000000e+00, v8;
	v24 =	vld.idx.msk [tilespmem:v24+s20+$0x0], $0xffff  }
0x37f: {  	v35 =	vand.u32 $0x3E0, v17;
	v26 =	vsub.f32 $1.000000000e+00, v9;
	v36 =	vmul.f32 v32, v33;
	v37 =	vld.idx.msk [tilespmem:v13+s2+$0x0], $0xffff  }
0x380: {  	v38 =	vand.u32 $0x3E0, v15;
	v27 =	vmul.f32 v19, v27;
	v39 =	vadd.s32 v21, v14;
	v13 =	vld.idx.msk [tilespmem:v13+s20+$0x0], $0xffff  }
0x381: {  	v40 =	vadd.s32 v11, v17;
	v33 =	vmul.f32 v33, v23;
	v29 =	vmul.f32 v36, v29;
	v41 =	vld.idx.msk [tilespmem:v31+s2+$0x0], $0xffff  }
0x382: {  	v18 =	vadd.s32 v18, v14;
	v28 =	vmul.f32 v28, v4;
	v30 =	vmul.f32 v30, v36;
	v31 =	vld.idx.msk [tilespmem:v31+s20+$0x0], $0xffff  }
0x383: {  	v36 =	vmul.f32 v32, v27;
	v34 =	vmul.f32 v34, v33;
	v29 =	vadd.f32 $0.0e+00, v29;
	v42 =	vld.idx.msk [tilespmem:v14+s2+$0x0], $0xffff  }
0x384: {  	v21 =	vadd.s32 v21, v18;
	v30 =	vadd.f32 $0.0e+00, v30;
	v24 =	vmul.f32 v24, v33;
	v14 =	vld.idx.msk [tilespmem:v14+s20+$0x0], $0xffff  }
0x385: {  	v27 =	vmul.f32 v23, v27;
	v33 =	vmul.f32 v37, v36;
	v29 =	vadd.f32 v29, v34;
	v34 =	vld.idx.msk [tilespmem:v39+s2+$0x0], $0xffff  }
0x386: {  	v37 =	vadd.s32 v10, v16;
	v24 =	vadd.f32 v24, v30;
	v13 =	vmul.f32 v13, v36;
	v30 =	vld.idx.msk [tilespmem:v39+s20+$0x0], $0xffff  }
0x387: {  	v36 =	vmul.f32 v32, v28;
	v29 =	vadd.f32 v33, v29;
	v33 =	vmul.f32 v41, v27;
	v39 =	vld.idx.msk [tilespmem:v18+s2+$0x0], $0xffff  }
0x388: {  	v4 =	vmul.f32 v19, v4;
	v13 =	vadd.f32 v13, v24;
	v19 =	vmul.f32 v31, v27;
	v24 =	vld.idx.msk [tilespmem:v18+s20+$0x0], $0xffff  }
0x389: {  	v28 =	vmul.f32 v28, v23;
	v27 =	vadd.f32 v33, v29;
	v29 =	vmul.f32 v42, v36;
	v31 =	vld.idx.msk [tilespmem:v21+s2+$0x0], $0xffff  }
0x38a: {  	v33 =	vadd.s32 v12, v15;
	v13 =	vadd.f32 v19, v13;
	v14 =	vmul.f32 v14, v36;
	v36 =	vld.idx.msk [tilespmem:v21+s20+$0x0], $0xffff  }
0x38b: {  	v32 =	vmul.f32 v32, v4;
	v18 =	vld [tilespmem:s14+$0xFFFFFFF0];
	v27 =	vadd.f32 v29, v27;
	v29 =	vmul.f32 v34, v28  }
0x38c: {  	vm0 =	veq.s32 v35, $0x3E0;
	v14 =	vadd.f32 v14, v13;
	v28 =	vmul.f32 v30, v28;
	v19 =	vld [tilespmem:s13+$0x0]  }
0x38d: {  	v23 =	vmul.f32 v23, v4;
	v4 =	vmul.f32 v39, v32;
	v21 =	vld [tilespmem:s14+$0x0];
	v27 =	vadd.f32 v29, v27  }
0x38e: {  	vm1 =	veq.s32 v22, $0x3E0;
	v22 =	vadd.f32 v28, v14;
	v24 =	vmul.f32 v24, v32;
	v13 =	vld [tilespmem:s15+$0xFFFFFFE0]  }
0x38f: {  	vm2 =	veq.s32 v38, $0x3E0;
	v28 =	vmul.f32 v31, v23;
	v14 =	vld [tilespmem:s15+$0xFFFFFFF0];
	v27 =	vadd.f32 v4, v27  }
0x390: {  	v22 =	vadd.f32 v24, v22;
	v23 =	vmul.f32 v36, v23;
	v29 =	vsub.f32 $1.000000000e+00, v18;
	v4 =	vld [tilespmem:s15+$0x0]  }
0x391: {  	v32 =	vmul.f32 v20, v25;
	v34 =	vld.idx.msk [tilespmem:v17+s2+$0x0], $0xffff;
	v35 =	vsub.f32 $1.000000000e+00, v19;
	v24 =	vadd.f32 v28, v27  }
0x392: {  	s9 =	sadd.s32 $0x40, s9;
	v39 =	vadd.f32 v23, v22;
	v36 =	vld.idx.msk [tilespmem:v17+s20+$0x0], $0xffff;
	v38 =	vmul.f32 v29, v26;
	v31 =	vsub.f32 $1.000000000e+00, v21  }
0x393: {  	s30 =	sadd.s32 $0x40, s30;
	v30 =	vsel vm0, $0x0, v3;
	v27 =	vsel vm1, $0x0, v3;
	v22 =	vsub.f32 $1.000000000e+00, v13;
	v41 =	vld.idx.msk [tilespmem:v16+s2+$0x0], $0xffff;
	[tilespmem:s9+$0x10] =	vst v24  }
0x394: {  	v28 =	vsel vm2, $0x0, v3;
	v23 =	vsub.f32 $1.000000000e+00, v14;
	v42 =	vld.idx.msk [tilespmem:v16+s20+$0x0], $0xffff;
	v43 =	vmul.f32 v31, v35;
	[tilespmem:s30+$0x10] =	vst v39  }
0x395: {  	v44 =	vadd.s32 v16, v27;
	v39 =	vadd.s32 v17, v30;
	v24 =	vsub.f32 $1.000000000e+00, v4;
	v45 =	vld.idx.msk [tilespmem:v15+s2+$0x0], $0xffff  }
0x396: {  	v48 =	vadd.s32 v15, v28;
	v46 =	vmul.f32 v22, v32;
	v47 =	vmul.f32 v23, v38;
	v49 =	vld.idx.msk [tilespmem:v15+s20+$0x0], $0xffff  }
0x397: {  	v52 =	vadd.s32 v10, v44;
	v51 =	vadd.s32 v11, v39;
	v50 =	vld.idx.msk [tilespmem:v40+s2+$0x0], $0xffff;
	v53 =	vmul.f32 v24, v43  }
0x398: {  	v34 =	vmul.f32 v46, v34;
	v36 =	vmul.f32 v36, v46;
	v46 =	vadd.s32 v12, v48;
	v40 =	vld.idx.msk [tilespmem:v40+s20+$0x0], $0xffff  }
0x399: {  	vm0 =	vlt.s32 v17, $0x7C00;
	vm1 =	vlt.s32 v16, $0x7C00;
	v41 =	vmul.f32 v47, v41;
	v54 =	vld.idx.msk [tilespmem:v37+s2+$0x0], $0xffff  }
0x39a: {  	vm2 =	vlt.s32 v15, $0x7C00;
	v32 =	vmul.f32 v32, v13;
	v42 =	vmul.f32 v42, v47;
	v37 =	vld.idx.msk [tilespmem:v37+s20+$0x0], $0xffff  }
0x39b: {  	v38 =	vmul.f32 v38, v14;
	v47 =	vsel vm0, $0x400, v2;
	v45 =	vmul.f32 v53, v45;
	v55 =	vld.idx.msk [tilespmem:v33+s2+$0x0], $0xffff  }
0x39c: {  	v56 =	vsel vm1, $0x400, v2;
	v43 =	vmul.f32 v43, v4;
	v49 =	vmul.f32 v49, v53;
	v33 =	vld.idx.msk [tilespmem:v33+s20+$0x0], $0xffff  }
0x39d: {  	v25 =	vmul.f32 v8, v25;
	v26 =	vmul.f32 v18, v26;
	v57 =	vsel vm2, $0x400, v2;
	v53 =	vld.idx.msk [tilespmem:v39+s2+$0x0], $0xffff  }
0x39e: {  	v35 =	vmul.f32 v21, v35;
	v34 =	vadd.f32 $0.0e+00, v34;
	v50 =	vmul.f32 v50, v32;
	v39 =	vld.idx.msk [tilespmem:v39+s20+$0x0], $0xffff  }
0x39f: {  	v36 =	vadd.f32 $0.0e+00, v36;
	v32 =	vmul.f32 v40, v32;
	v40 =	vmul.f32 v54, v38;
	v54 =	vld.idx.msk [tilespmem:v44+s2+$0x0], $0xffff  }
0x3a0: {  	v41 =	vadd.f32 $0.0e+00, v41;
	v42 =	vadd.f32 $0.0e+00, v42;
	v37 =	vmul.f32 v37, v38;
	v38 =	vld.idx.msk [tilespmem:v44+s20+$0x0], $0xffff  }
0x3a1: {  	v49 =	vadd.f32 $0.0e+00, v49;
	v44 =	vadd.f32 $0.0e+00, v45;
	v45 =	vmul.f32 v55, v43;
	v55 =	vld.idx.msk [tilespmem:v48+s2+$0x0], $0xffff  }
0x3a2: {  	v16 =	vadd.s32 v16, v56;
	v17 =	vadd.s32 v17, v47;
	v33 =	vmul.f32 v33, v43;
	v43 =	vld.idx.msk [tilespmem:v48+s20+$0x0], $0xffff  }
0x3a3: {  	v56 =	vmul.f32 v23, v26;
	v15 =	vadd.s32 v15, v57;
	v47 =	vmul.f32 v22, v25;
	v48 =	vld.idx.msk [tilespmem:v51+s2+$0x0], $0xffff  }
0x3a4: {  	v34 =	vadd.f32 v34, v50;
	v50 =	vmul.f32 v24, v35;
	v32 =	vadd.f32 v32, v36;
	v36 =	vld.idx.msk [tilespmem:v51+s20+$0x0], $0xffff  }
0x3a5: {  	v40 =	vadd.f32 v41, v40;
	v37 =	vadd.f32 v37, v42;
	v51 =	vmul.f32 v53, v47;
	v41 =	vld.idx.msk [tilespmem:v52+s2+$0x0], $0xffff  }
0x3a6: {  	v44 =	vadd.f32 v44, v45;
	v39 =	vmul.f32 v39, v47;
	v33 =	vadd.f32 v33, v49;
	v42 =	vld.idx.msk [tilespmem:v52+s20+$0x0], $0xffff  }
0x3a7: {  	v45 =	vadd.s32 v11, v17;
	v47 =	vmul.f32 v54, v56;
	v38 =	vmul.f32 v38, v56;
	v49 =	vld.idx.msk [tilespmem:v46+s2+$0x0], $0xffff  }
0x3a8: {  	v52 =	vadd.s32 v10, v16;
	v53 =	vmul.f32 v55, v50;
	v43 =	vmul.f32 v43, v50;
	v46 =	vld.idx.msk [tilespmem:v46+s20+$0x0], $0xffff  }
0x3a9: {  	v26 =	vmul.f32 v14, v26;
	v25 =	vmul.f32 v13, v25;
	v54 =	vadd.s32 v12, v15;
	v50 =	vld.idx.msk [tilespmem:v17+s2+$0x0], $0xffff  }
0x3aa: {  	v20 =	vmul.f32 v20, v7;
	v35 =	vmul.f32 v4, v35;
	v34 =	vadd.f32 v51, v34;
	v51 =	vld.idx.msk [tilespmem:v17+s20+$0x0], $0xffff  }
0x3ab: {  	v29 =	vmul.f32 v29, v9;
	v31 =	vmul.f32 v31, v19;
	v32 =	vadd.f32 v39, v32;
	v39 =	vld.idx.msk [tilespmem:v16+s2+$0x0], $0xffff  }
0x3ac: {  	v40 =	vadd.f32 v47, v40;
	v37 =	vadd.f32 v38, v37;
	v48 =	vmul.f32 v48, v25;
	v38 =	vld.idx.msk [tilespmem:v16+s20+$0x0], $0xffff  }
0x3ad: {  	v25 =	vmul.f32 v36, v25;
	v36 =	vadd.f32 v53, v44;
	v33 =	vadd.f32 v43, v33;
	v43 =	vld.idx.msk [tilespmem:v15+s2+$0x0], $0xffff  }
0x3ae: {  	v17 =	vadd.s32 v30, v17;
	v30 =	vmul.f32 v41, v26;
	v26 =	vmul.f32 v42, v26;
	v41 =	vld.idx.msk [tilespmem:v15+s20+$0x0], $0xffff  }
0x3af: {  	v16 =	vadd.s32 v27, v16;
	v27 =	vmul.f32 v49, v35;
	v35 =	vmul.f32 v46, v35;
	v42 =	vld.idx.msk [tilespmem:v45+s2+$0x0], $0xffff  }
0x3b0: {  	v44 =	vmul.f32 v22, v20;
	v46 =	vmul.f32 v23, v29;
	v15 =	vadd.s32 v28, v15;
	v45 =	vld.idx.msk [tilespmem:v45+s20+$0x0], $0xffff  }
0x3b1: {  	v25 =	vadd.f32 v25, v32;
	v28 =	vadd.f32 v48, v34;
	v34 =	vmul.f32 v24, v31;
	v32 =	vld.idx.msk [tilespmem:v52+s2+$0x0], $0xffff  }
0x3b2: {  	v30 =	vadd.f32 v30, v40;
	v26 =	vadd.f32 v26, v37;
	v47 =	vmul.f32 v50, v44;
	v37 =	vld.idx.msk [tilespmem:v52+s20+$0x0], $0xffff  }
0x3b3: {  	v27 =	vadd.f32 v27, v36;
	v40 =	vmul.f32 v51, v44;
	v33 =	vadd.f32 v35, v33;
	v35 =	vld.idx.msk [tilespmem:v54+s2+$0x0], $0xffff  }
0x3b4: {  	v11 =	vadd.s32 v11, v17;
	v36 =	vmul.f32 v39, v46;
	v38 =	vmul.f32 v38, v46;
	v39 =	vld.idx.msk [tilespmem:v54+s20+$0x0], $0xffff  }
0x3b5: {  	v46 =	vadd.s32 v10, v16;
	v10 =	vmul.f32 v43, v34;
	v34 =	vmul.f32 v41, v34;
	v44 =	vld.idx.msk [tilespmem:v17+s2+$0x0], $0xffff  }
0x3b6: {  	v20 =	vmul.f32 v20, v13;
	v12 =	vadd.s32 v12, v15;
	v41 =	vld.idx.msk [tilespmem:v17+s20+$0x0], $0xffff;
	v17 =	vmul.f32 v29, v14  }
0x3b7: {  	v31 =	vmul.f32 v31, v4;
	v29 =	vmul.f32 v8, v7;
	v8 =	vadd.f32 v47, v28;
	v28 =	vld.idx.msk [tilespmem:v16+s2+$0x0], $0xffff  }
0x3b8: {  	v25 =	vadd.f32 v40, v25;
	v40 =	vmul.f32 v18, v9;
	v7 =	vmul.f32 v21, v19;
	v43 =	vld.idx.msk [tilespmem:v16+s20+$0x0], $0xffff  }
0x3b9: {  	v18 =	vadd.f32 v38, v26;
	v9 =	vmul.f32 v42, v20;
	v16 =	vadd.f32 v36, v30;
	v26 =	vld.idx.msk [tilespmem:v15+s2+$0x0], $0xffff  }
0x3ba: {  	v19 =	vmul.f32 v45, v20;
	v20 =	vadd.f32 v10, v27;
	v21 =	vadd.f32 v34, v33;
	v27 =	vld.idx.msk [tilespmem:v15+s20+$0x0], $0xffff  }
0x3bb: {  	v30 =	vadd.f32 v9, v8;
	v10 =	vmul.f32 v32, v17;
	v15 =	vmul.f32 v37, v17;
	v8 =	vld.idx.msk [tilespmem:v11+s2+$0x0], $0xffff  }
0x3bc: {  	v25 =	vadd.f32 v19, v25;
	v19 =	vmul.f32 v39, v31;
	v9 =	vld.idx.msk [tilespmem:v11+s20+$0x0], $0xffff;
	v11 =	vmul.f32 v35, v31  }
0x3bd: {  	v23 =	vmul.f32 v23, v40;
	v22 =	vmul.f32 v22, v29;
	v16 =	vadd.f32 v10, v16;
	v10 =	vld.idx.msk [tilespmem:v46+s2+$0x0], $0xffff  }
.Ltmp7:
0x3be: {  	v17 =	vadd.f32 v15, v18;
	v18 =	vld.idx.msk [tilespmem:v46+s20+$0x0], $0xffff;
	v15 =	vadd.f32 v11, v20;
	v11 =	vmul.f32 v24, v7;
	(pc) =	sbr.rel @p1 .LBB2_16-.Ltmp7, $4  }
0x3bf: {  	v32 =	vmul.f32 v41, v22;
	v21 =	vadd.f32 v19, v21;
	v31 =	vmul.f32 v44, v22;
	v19 =	vld.idx.msk [tilespmem:v12+s2+$0x0], $0xffff  }
0x3c0: {  	v24 =	vmul.f32 v28, v23;
	v23 =	vmul.f32 v43, v23;
	v28 =	vadd.f32 v6, v5;
	v20 =	vld.idx.msk [tilespmem:v12+s20+$0x0], $0xffff  }
0x3c1: {  	v6 =	vadd.f32 v31, v30;
	v22 =	vmul.f32 v26, v11;
	v5 =	vmul.f32 v27, v11  }
0x3c2: {  	s25 =	sadd.s32 $0x40, s25;
	v13 =	vmul.f32 v13, v29;
	v11 =	vadd.f32 v32, v25;
	v12 =	vmul.f32 v14, v40;
	[tilespmem:s31+$0x0] =	vst v28;
	s31 =	smov.u32 s30  }
0x3c3: {  	_ = 	snop  }
0x3c4: {  	v8 =	vmul.f32 v8, v13  }
0x3c5: {  	v14 =	vadd.f32 v24, v16;
	v57 =	vmul.f32 v10, v12  }
0x3c6: {  	v4 =	vmul.f32 v4, v7;
	v9 =	vmul.f32 v9, v13;
	v6 =	vadd.f32 v8, v6  }
0x3c7: {  	v58 =	vadd.f32 v23, v17;
	v59 =	vmul.f32 v18, v12;
	v7 =	vadd.f32 v57, v14  }
0x3c8: {  	v60 =	vadd.f32 v22, v15;
	v61 =	vmul.f32 v19, v4;
	v9 =	vadd.f32 v9, v11;
	[tilespmem:s9+$0xFFFFFFE0] =	vst v6  }
0x3c9: {  	v5 =	vadd.f32 v5, v21;
	v4 =	vmul.f32 v20, v4;
	v62 =	vadd.f32 v59, v58;
	[tilespmem:s9+$0xFFFFFFF0] =	vst v7  }
0x3ca: {  	s3 =	sadd.s32 @!p0 $0x1800, s11;
	v63 =	vadd.f32 v61, v60;
	[tilespmem:s30+$0xFFFFFFE0] =	vst v9  }
0x3cb: {  	s13 =	sor.u32 @!p0 s12, s3;
	v4 =	vadd.f32 v4, v5;
	[tilespmem:s30+$0xFFFFFFF0] =	vst v62  }
0x3cc: {  	[tilespmem:s9+$0x0] =	vst v63;
	s9 =	sshrl.u32 @!p0 s13, $0x3  }
0x3cd: {  	s14 =	simm.s32 @!p0 $0x18800;
	s13 =	simm.s32 @!p0 $0x0;
	[tilespmem:s31+$0x0] =	vst v4;
	s9 =	sadd.s32 @!p0 s5, s9  }
0x3ce: {  	[tilespmem:s14], [sflag:$0x2] =	stream.linear.gather @!p0 [hbm4b:s9+s13], $0x800, $0x38;
	[tilespmem:$0x1E000] =	vst v63  }
0x3cf: {  	s9 =	sadd.s32 @!p0 s7, s3  }
0x3d0: {  	s9 =	sshrl.u32 @!p0 s9, $0x3  }
0x3d1: {  	s14 =	simm.s32 @!p0 $0x19800;
	s9 =	sadd.s32 @!p0 s6, s9  }
0x3d2: {  	[tilespmem:s14], [sflag:$0x2] =	stream.linear.gather @!p0 [hbm4b:s9+s13], $0x800, $0x38;
	[tilespmem:$0x1E000] =	vst v63  }
0x3d3: {  	s9 =	sadd.s32 @!p0 s8, s3  }
0x3d4: {  	s24 =	sadd.s32 $0x1, s24;
	s3 =	sadd.s32 @!p0 s10, s3;
	s9 =	sshrl.u32 @!p0 s9, $0x3  }
0x3d5: {  	s14 =	simm.s32 @!p0 $0x1A800;
	s3 =	sshrl.u32 @!p0 s3, $0x3;
	s9 =	sadd.s32 @!p0 s6, s9  }
0x3d6: {  	[tilespmem:s14], [sflag:$0x2] =	stream.linear.gather @!p0 [hbm4b:s9+s13], $0x800, $0x38;
	[tilespmem:$0x1E000] =	vst v63  }
0x3d7: {  	s30 =	sor.u32 $0x800, s11;
	s3 =	sadd.s32 @!p0 s6, s3;
	s9 =	simm.s32 @!p0 $0x1B800  }
0x3d8: {  	[tilespmem:s9], [sflag:$0x2] =	stream.linear.gather @!p0 [hbm4b:s3+s13], $0x800, $0x38;
	[tilespmem:$0x1E000] =	vst v63  }
0x3d9: {  	s31 =	sor.u32 s0, s30;
	p0 =	sne.s32 s24, $0x10  }
.Ltmp8:
0x3da: {  	s9 =	sshrl.u32 s31, $0x3;
	s3 =	sor.u32 s23, s30;
	(pc) =	sbr.rel @p0 .LBB2_13-.Ltmp8, $4  }
0x3db: {  	s9 =	sadd.s32 s1, s9;
	s3 =	sshrl.u32 s3, $0x3  }
0x3dc: {  	[hbm4b:s9+s2] =	stream.linear.scatter [tilespmem:s28], [sflag:$0x4], $0x800, $0x38;
	[tilespmem:$0x1E000] =	vst v63  }
0x3dd: {  	s3 =	sadd.s32 s1, s3  }
0x3de: {  	[hbm4b:s3+s2] =	stream.linear.scatter [tilespmem:s29], [sflag:$0x4], $0x800, $0x38;
	[tilespmem:$0x1E000] =	vst v63  }
0x3df: {  	s0 =	simm.s32 $0x3  }
0x3e0: {  	_ =	swait.ge [sflag:s0], $0x800  }
0x3e1: {  	[sflag:s0] =	ssyncset.done $0x0  }
0x3e2: {  	[sflag:s0] =	ssyncadd.s32 $0xFFFFF800  }
0x3e3: {  	_ =	swait.ge [sflag:s0], $0x800  }
0x3e4: {  	[sflag:s0] =	ssyncset.done $0x0  }
0x3e5: {  	s25 =	simm.s32 $0x4;
	[sflag:s0] =	ssyncadd.s32 $0xFFFFF800  }
0x3e6: {  	_ =	swait.ge [sflag:s25], $0x800  }
0x3e7: {  	[sflag:s25] =	ssyncset.done $0x0  }
0x3e8: {  	[sflag:s25] =	ssyncadd.s32 $0xFFFFF800  }
0x3e9: {  	_ =	swait.ge [sflag:s25], $0x800  }
0x3ea: {  	s31 =	rddreg [dreg:$0xa]  }
0x3eb: {  	s31 =	sadd.s32 $0x1, s31  }
0x3ec: {  	p0 =	sne.s32 s31, $0x4  }
.Ltmp9:
0x3ed: {  	_ = 	snop;
	(pc) =	sbr.rel @p0 .LBB2_2-.Ltmp9, $3  }
0x3ee: {  	_ =	sdelay $0x1  }
0x3ef: {  	s15 =	simm.s32 $0x18000;
	[sflag:s25] =	ssyncset.done $0x0  }
0x3f0: {  	s30 =	simm.s32 $0x1A000;
	[sflag:s25] =	ssyncadd.s32 $0xFFFFF800;
	s25 =	simm.s32 $0x19000  }
0x3f1: {  	s3 =	rddreg [dreg:$0x9]  }
0x3f2: {  	s0 =	rddreg [dreg:$0x8];
	s3 =	sadd.s32 $0x1, s3  }
0x3f3: {  	p0 =	sne.s32 s3, s0  }
.Ltmp10:
0x3f4: {  	_ = 	snop;
	(pc) =	sbr.rel @p0 .LBB2_1-.Ltmp10, $1  }
0x3f5: {  	_ =	sdelay $0x3  }
0x3f6: {  	_ =	sfence.sel $0x180000  }
0x3f7: {  	[bflag:$0x0] =	sbarrier.arrive $0xFFFF  }
0x3f8: {  	_ =	strace $0x9000004A  }
0x3f9: {  	s0 =	stileid.u32;
	[bflag:$0x2] =	sbarrier.arrive $0xFFFF  }
0x3fa: {  	p0 =	sne.s32 s0, $0x0;
	s0 =	rddreg [dreg:$0x2]  }
0x3fb: {  	s0 =	sadd.s32 @!p0 $0x100000, s0  }
0x3fc: {  	[sflag:s0] =	ssyncadd.tile.s32 @!p0 $0x1;
	_ =	shalt  }
.Lfunc_end2:
_tile_overlayer_lowered:
.L_overlay_start_2:
0x3fd: {  	(tag) =	ssettag $0x2  }
0x3fe: {  	s0 =	rddreg [dreg:$0x0];
	s2 =	stileid.u32  }
0x3ff: {  	s1 =	rddreg [dreg:$0x1];
	p0 =	sne.s32 s2, $0x0  }
0x400: {  	s3 =	rddreg [dreg:$0x2];
	[bflag:$0x3] =	sbarrier.arrive $0xFFFF;
	s2 =	simm.s32 @!p0 $0x1C05  }
0x401: {  	[timem:s3], [sflag:s2] =	dma.local @!p0 [hbm:s0], s1  }
0x402: {  	s0 =	simm.s32 @!p0 $0x5  }
0x403: {  	_ =	swait.ge @!p0 [sflag:s0], s1  }
0x404: {  	s1 =	ssub.s32 @!p0 $0x0, s1;
	[sflag:s0] =	ssyncset.done @!p0 $0x0  }
0x405: {  	[sflag:s0] =	ssyncadd.s32 @!p0 s1  }
0x406: {  	[bflag:$0x3] =	sbarrier.arrive $0xFFFF  }
0x407: {  	_ =	shalt  }

// kernel: sparse-core-data-format-call.cloned.1.call-start
scs
called_computation_lowered:
.L_overlay_start_0:
0x0: {  	s2 =	sld [smem:$0x3FD9]  }
0x1: {  	s3 =	sld [smem:$0x3FFE];
	_ =	sdelay $0x1  }
0x2: {  	s1 =	srdreg.scid  }
0x3: {  	s0 =	sand.u32 $0x1, s1  }
0x4: {  	s18 =	sshll.u32 s0, $0xA;
	s2 =	sadd.s32 s3, s2  }
0x5: {  	s2 =	sadd.s32 s2, s18  }
0x6: {  	[smem:$0x3FC4] =	sst s2  }
0x7: {  	_ = 	snop  }
0x8: {  	s2 =	sld [smem:$0x3FC8];
	(tm) =	ssettm $0x1  }
0x9: {  	s19 =	sld [smem:$0x3FFB];
	_ =	sdelay $0x3  }
0xa: {  	_ =	strace s19  }
0xb: {  	s3 =	sld [smem:$0x3FFC];
	_ =	sdelay $0x3  }
0xc: {  	_ =	strace s3  }
0xd: {  	s3 =	sld [smem:$0x3FFD];
	_ =	sdelay $0x3  }
0xe: {  	_ =	strace s3  }
0xf: {  	_ =	strace $0x8FFFFFFF  }
0x10: {  	s20 =	sld [smem:$0x3FDB];
	_ =	sdelay $0x1  }
0x11: {  	s4 =	simm.s32 $_scs_section_size  }
0x12: {  	s5 =	simm.s32 $_size__tile_overlayer_lowered;
	s6 =	simm.s32 $_tile_overlayer_lowered  }
0x13: {  	s23 =	simm.s32 $0x1BFF;
	s22 =	sshll.u32 s6, $0x1;
	s3 =	sadd.s32 s4, s20  }
0x14: {  	s7 =	simm.s32 $0x0;
	s21 =	sshll.u32 s5, $0x1;
	s5 =	sadd.s32 s22, s3  }
0x15: {  	[timem:s7], [sflag:s23] =	dma.local [hbm:s5], s21  }
0x16: {  	_ =	swait.ge [sflag:s23], s21  }
0x17: {  	s4 =	ssub.s32 $0x0, s21;
	[sflag:s23] =	ssyncset.done $0x0  }
0x18: {  	[sflag:s23] =	ssyncadd.s32 s4;
	_ =	sdelay $0x1  }
0x19: {  	s24 =	simm.s32 $0x1B8B  }
0x1a: {  	_ =	swait.ge [sflag:s24], $0x1  }
0x1b: {  	[sflag:s24] =	ssyncset.done $0x0  }
0x1c: {  	s26 =	simm.s32 $0x1B8E;
	s25 =	sld [smem:$0x3FFE];
	[sflag:s24] =	ssyncadd.s32 $0xFFFFFFFF  }
0x1d: {  	s27 =	simm.s32 $execute0_lowered;
	[smem:$0x3FD2] =	sst s26  }
0x1e: {  	s5 =	sshll.u32 s27, $0x1;
	_ =	strace $0x80000046;
	[dreg:$0x1] =	wrdreg $0xFFFFFFFF  }
0x1f: {  	s28 =	simm.s32 $_size_execute0_lowered;
	s3 =	sadd.s32 s3, s5;
	[dreg:$0x0] =	wrdreg $0x0  }
0x20: {  	s5 =	sshll.u32 s28, $0x1;
	[dreg:$0x2] =	wrdreg s3  }
0x21: {  	[dreg:$0x3] =	wrdreg s5  }
0x22: {  	[dreg:$0x4] =	wrdreg $0xC0  }
0x23: {  	_ =	task [dreg:s7], $0x5FFFF  }
0x24: {  	[dreg:$0x1] =	wrdreg $0xFFFFFFFF  }
0x25: {  	[dreg:$0x0] =	wrdreg $0x60  }
0x26: {  	[dreg:$0x2] =	wrdreg s2  }
0x27: {  	[dreg:$0x3] =	wrdreg s25  }
0x28: {  	[dreg:$0x4] =	wrdreg $0x9  }
0x29: {  	_ =	task.clear_ibuf [dreg:s7], $0x5FFFF;
	_ =	strace $0x90000046  }
0x2a: {  	s29 =	simm.s32 $0x9;
	_ =	strace $0x80000048  }
0x2b: {  	_ =	swait.ge [sflag:s29], $0x1  }
0x2c: {  	[sflag:s29] =	ssyncadd.s32 $0xFFFFFFFF  }
0x2d: {  	_ =	strace $0x90000048  }
0x2e: {  	_ =	sfence  }
0x2f: {  	s30 =	sld [smem:$0x0];
	_ =	sdelay $0x2  }
0x30: {  	s31 =	sshll.u32 s1, $0xD;
	s1 =	sshrl.u32 s1, $0x2  }
0x31: {  	s3 =	sand.u32 $0x4000, s31;
	s1 =	sadd.s32 s1, s30  }
0x32: {  	s0 =	sor.u32 s3, s0;
	s1 =	sshll.u32 s1, $0x11  }
0x33: {  	s0 =	sor.u32 s1, s0  }
0x34: {  	s0 =	sadd.s32 $0x8F2B, s0  }
0x35: {  	[sflag:s0] =	ssyncadd.remote.s32 $0x1  }
0x36: {  	_ =	sfence.sel $0xFFFF  }
0x37: {  	[dreg:$0x0] =	wrdreg $0xFFFFFFFF;
	(pc) =	sbr.abs _section_cstart, $3  }
0x38: {  	[dreg:$0x1] =	wrdreg $0xFFFFFFFF  }
0x39: {  	_ =	task.clear_ibuf [dreg:s7], $0x2FFFF;
	_ =	strace $0x9FFFFFFF  }
0x3a: {  	(tm) =	ssettm $0x7FFFFFFF  }
0x3b: {  	_ =	shalt  }
tec
execute0_lowered:
.L_overlay_start_1:
0x0: {  	(tag) =	ssettag $0x1  }
0x1: {  	s2 =	rddreg [dreg:$0x0]  }
0x2: {  	s1 =	rddreg [dreg:$0x1]  }
0x3: {  	s0 =	rddreg [dreg:$0x2];
	_ =	strace $0x80000047;
	s4 =	srdreg.scid  }
0x4: {  	s6 =	simm.s32 $0x2;
	s11 =	simm.s32 $0x0;
	p0 =	por $0x0, $0x0  }
.Ltmp0:
0x5: {  	s7 =	simm.s32 $0x10000;
	s12 =	simm.s32 $0x0;
	(pc) =	sbr.rel .LBB1_1-.Ltmp0, $4  }
0x6: {  	s9 =	simm.s32 $0x0;
	s3 =	sadd.s32 $0xE00, s1;
	s5 =	sshll.u32 s4, $0x4  }
0x7: {  	s1 =	stileid.u32;
	s4 =	simm.s32 $0x1;
	s5 =	sand.u32 $0x10, s5  }
0x8: {  	s8 =	simm.s32 $0x0;
	[sflag:s4] =	ssyncpa.u1 $0x0;
	s5 =	sor.u32 s1, s5  }
0x9: {  	[sflag:s6] =	ssyncpa.u1 $0x0;
	s6 =	simm.s32 $0x800;
	s10 =	smov.u32 s5  }
.LBB1_7:
0xa: {  	s13 =	sadd.s32 $0x10, s9  }
0xb: {  	s11 =	sadd.s32 $0x20, s10;
	s15 =	smov.u32 s10;
	p2 =	sgt.s32 s13, $0x1FF  }
0xc: {  	p1 =	slt.u32 s8, $0x2;
	s15 =	smov.u32 @p2 s11  }
0xd: {  	s8 =	sadd.s32 $0x1, s8;
	s13 =	simm.s32 @p2 $0x0;
	p2 =	sgt.s32 s15, $0x1F  }
0xe: {  	s15 =	smov.u32 @p2 s5;
	p2 =	sne.s32 s8, $0x22  }
.Ltmp1:
0xf: {  	_ = 	snop;
	(pc) =	sbr.rel @!p2 .LBB1_8-.Ltmp1, $4  }
0x10: {  	s14 =	simm.s32 @!p1 $0x2  }
0x11: {  	s12 =	smov.u32 s10;
	_ =	swait.ge @!p1 [sflag:s14], $0x4000  }
0x12: {  	p0 =	por !p0, !p0;
	s11 =	smov.u32 s9;
	[sflag:s14] =	ssyncset.done @!p1 $0x0  }
0x13: {  	s9 =	smov.u32 s13;
	[sflag:s14] =	ssyncadd.s32 @!p1 $0xFFFFC000;
	s10 =	smov.u32 s15  }
.LBB1_1:
0x14: {  	p1 =	sgt.u32 s8, $0x1F  }
0x15: {  	s13 =	sxor.u32 @!p1 $0xFFFFFFFF, s8;
	s14 =	sshll.u32 @!p1 s10, $0x10  }
0x16: {  	s15 =	sshll.u32 @!p1 s9, $0x7;
	s13 =	sshll.u32 @!p1 s13, $0xE;
	s14 =	sadd.s32 @!p1 s2, s14  }
0x17: {  	s13 =	sand.u32 @!p1 $0x4000, s13;
	s14 =	sadd.s32 @!p1 s15, s14;
	s15 =	simm.s32 @!p1 $0x0  }
0x18: {  	[tilespmem:s13], [sflag:$0x1] =	stream.linear.gather @!p1 [hbm4b:s14+s15], $0x4000, $0x38;
	[tilespmem:$0x10000] =	vst v63  }
0x19: {  	p1 =	seq.s32 s8, $0x0  }
0x1a: {  	p2 =	seq.s32 @!p1 s8, $0x21  }
0x1b: {  	p1 =	por p1, p2  }
.Ltmp2:
0x1c: {  	_ = 	snop;
	(pc) =	sbr.rel @p1 .LBB1_7-.Ltmp2, $1  }
0x1d: {  	_ =	sdelay $0x3  }
0x1e: {  	s13 =	simm.s32 $0x1;
	_ =	swait.ge [sflag:s4], $0x4000;
	s16 =	sshll.u32 s8, $0xE  }
0x1f: {  	s13 =	simm.s32 @!p0 $0x0;
	[sflag:s4] =	ssyncset.done $0x0;
	s31 =	sand.u32 $0x4000, s16  }
0x20: {  	s16 =	simm.s32 $0x0;
	s14 =	sshll.u32 s13, $0xE;
	[sflag:s4] =	ssyncadd.s32 $0xFFFFC000  }
0x21: {  	s13 =	sor.u32 $0x8040, s14;
	s15 =	sor.u32 $0x40, s14;
	s14 =	sor.u32 $0x8000, s31  }
.LBB1_3:
0x22: {  	v0 =	vmov s15;
	_ =	sdelay $0x3  }
0x23: {  	s18 =	simm.s32 $0x0  }
0x24: {  	v6 =	vld.idx.msk [tilespmem:v0+s18+$0x30 ss:$0x1], $0xffff  }
0x25: {  	v7 =	vld.idx.msk [tilespmem:v0+s18+$0xFFFFFFC0 ss:$0x1], $0xffff  }
0x26: {  	v5 =	vld.idx.msk [tilespmem:v0+s18+$0xFFFFFFD0 ss:$0x1], $0xffff  }
0x27: {  	v4 =	vld.idx.msk [tilespmem:v0+s18+$0xFFFFFFE0 ss:$0x1], $0xffff  }
0x28: {  	v3 =	vld.idx.msk [tilespmem:v0+s18+$0xFFFFFFF0 ss:$0x1], $0xffff  }
0x29: {  	v1 =	vld.idx.msk [tilespmem:v0+s18+$0x0 ss:$0x1], $0xffff  }
0x2a: {  	v2 =	vld.idx.msk [tilespmem:v0+s18+$0x10 ss:$0x1], $0xffff;
	[tilespmem:s13+$0x30] =	vst v6  }
0x2b: {  	s17 =	simm.s32 $0x80;
	s19 =	simm.s32 $0x400;
	[tilespmem:s13+$0xFFFFFFC0] =	vst v7;
	v6 =	vld.idx.msk [tilespmem:v0+s18+$0x20 ss:$0x1], $0xffff;
	s18 =	smov.u32 s13  }
.LBB1_4:
0x2c: {  	p1 =	sne.s32 s19, $0xE00;
	v7 =	vld.idx.msk [tilespmem:v0+s17+$0x30 ss:$0x1], $0xffff;
	[tilespmem:s18+$0xFFFFFFD0] =	vst v5  }
0x2d: {  	v8 =	vld.idx.msk [tilespmem:v0+s17+$0xFFFFFFC0 ss:$0x1], $0xffff;
	[tilespmem:s18+$0xFFFFFFE0] =	vst v4  }
0x2e: {  	v5 =	vld.idx.msk [tilespmem:v0+s17+$0xFFFFFFD0 ss:$0x1], $0xffff;
	[tilespmem:s18+$0xFFFFFFF0] =	vst v3  }
.Ltmp3:
0x2f: {  	v4 =	vld.idx.msk [tilespmem:v0+s17+$0xFFFFFFE0 ss:$0x1], $0xffff;
	[tilespmem:s18+$0x0] =	vst v1;
	(pc) =	sbr.rel @p1 .LBB1_4-.Ltmp3, $4  }
0x30: {  	v3 =	vld.idx.msk [tilespmem:v0+s17+$0xFFFFFFF0 ss:$0x1], $0xffff;
	[tilespmem:s18+$0x10] =	vst v2  }
0x31: {  	v1 =	vld.idx.msk [tilespmem:v0+s17+$0x0 ss:$0x1], $0xffff;
	[tilespmem:s18+$0x20] =	vst v6;
	s18 =	sadd.s32 $0x800, s18  }
0x32: {  	v2 =	vld.idx.msk [tilespmem:v0+s17+$0x10 ss:$0x1], $0xffff;
	[tilespmem:s18+$0x30] =	vst v7  }
0x33: {  	[tilespmem:s18+$0xFFFFFFC0] =	vst v8;
	v6 =	vld.idx.msk [tilespmem:v0+s17+$0x20 ss:$0x1], $0xffff;
	s17 =	sshra.s32 s19, $0x2;
	s19 =	sadd.s32 $0x200, s19  }
0x34: {  	_ =	sdelay $0x2  }
0x35: {  	[tilespmem:s18+$0xFFFFFFD0] =	vst v5  }
0x36: {  	v56 =	vld.idx.msk [tilespmem:v0+s17+$0x30 ss:$0x1], $0xffff;
	[tilespmem:s18+$0xFFFFFFE0] =	vst v4  }
0x37: {  	v57 =	vld.idx.msk [tilespmem:v0+s17+$0xFFFFFFC0 ss:$0x1], $0xffff;
	[tilespmem:s18+$0xFFFFFFF0] =	vst v3  }
0x38: {  	v58 =	vld.idx.msk [tilespmem:v0+s17+$0xFFFFFFD0 ss:$0x1], $0xffff;
	[tilespmem:s18+$0x0] =	vst v1  }
0x39: {  	v59 =	vld.idx.msk [tilespmem:v0+s17+$0xFFFFFFE0 ss:$0x1], $0xffff;
	[tilespmem:s18+$0x10] =	vst v2  }
0x3a: {  	v60 =	vld.idx.msk [tilespmem:v0+s17+$0xFFFFFFF0 ss:$0x1], $0xffff;
	s31 =	sadd.s32 $0x800, s18;
	[tilespmem:s18+$0x20] =	vst v6  }
0x3b: {  	v61 =	vld.idx.msk [tilespmem:v0+s17+$0x0 ss:$0x1], $0xffff;
	[tilespmem:s31+$0x30] =	vst v56  }
0x3c: {  	v62 =	vld.idx.msk [tilespmem:v0+s17+$0x10 ss:$0x1], $0xffff;
	s16 =	sadd.s32 $0x1, s16;
	[tilespmem:s31+$0xFFFFFFC0] =	vst v57  }
0x3d: {  	v63 =	vld.idx.msk [tilespmem:v0+s17+$0x20 ss:$0x1], $0xffff;
	p1 =	sne.s32 s16, $0x10;
	[tilespmem:s31+$0xFFFFFFD0] =	vst v58  }
.Ltmp4:
0x3e: {  	[tilespmem:s31+$0xFFFFFFE0] =	vst v59;
	(pc) =	sbr.rel @p1 .LBB1_3-.Ltmp4, $4  }
0x3f: {  	[tilespmem:s31+$0xFFFFFFF0] =	vst v60  }
0x40: {  	[tilespmem:s31+$0x0] =	vst v61  }
0x41: {  	[tilespmem:s31+$0x10] =	vst v62  }
0x42: {  	s13 =	sadd.s32 $0x80, s13;
	s15 =	sadd.s32 $0x400, s15;
	[tilespmem:s31+$0x20] =	vst v63  }
.Ltmp5:
0x43: {  	(pc) =	sbr.rel .LBB1_7-.Ltmp5, $4  }
0x44: {  	s12 =	sshll.u32 s12, $0x10;
	s11 =	sshll.u32 s11, $0x4  }
0x45: {  	s11 =	sand.u32 $0x1FF0, s11;
	s12 =	sadd.s32 s3, s12  }
0x46: {  	s11 =	sadd.s32 s11, s12  }
0x47: {  	[hbm4b:s11+s6] =	stream.strided.scatter [tilespmem:s14], [sflag:$0x2], $0x4000, s7, s6, $0x38;
	[tilespmem:$0x10000] =	vst v63  }
.LBB1_8:
0x48: {  	_ =	sfence.sel $0x180000  }
0x49: {  	s2 =	simm.s32 $0x1;
	[bflag:$0x0] =	sbarrier.arrive $0xFFFF  }
0x4a: {  	s31 =	simm.s32 $0x2;
	[sflag:s2] =	ssyncpa.u1 $0x1  }
0x4b: {  	[sflag:s31] =	ssyncpa.u1 $0x1  }
0x4c: {  	p0 =	sne.s32 s1, $0x0;
	_ =	strace $0x90000047  }
0x4d: {  	s0 =	sadd.s32 @!p0 $0x100000, s0;
	[bflag:$0x2] =	sbarrier.arrive $0xFFFF  }
0x4e: {  	[sflag:s0] =	ssyncadd.tile.s32 @!p0 $0x1;
	_ =	shalt  }
.Lfunc_end1:
_tile_overlayer_lowered:
.L_overlay_start_2:
0x4f: {  	(tag) =	ssettag $0x2  }
0x50: {  	s0 =	rddreg [dreg:$0x0];
	s2 =	stileid.u32  }
0x51: {  	s1 =	rddreg [dreg:$0x1];
	p0 =	sne.s32 s2, $0x0  }
0x52: {  	s3 =	rddreg [dreg:$0x2];
	[bflag:$0x3] =	sbarrier.arrive $0xFFFF;
	s2 =	simm.s32 @!p0 $0x1C01  }
0x53: {  	[timem:s3], [sflag:s2] =	dma.local @!p0 [hbm:s0], s1  }
0x54: {  	s0 =	simm.s32 @!p0 $0x1  }
0x55: {  	_ =	swait.ge @!p0 [sflag:s0], s1  }
0x56: {  	s1 =	ssub.s32 @!p0 $0x0, s1;
	[sflag:s0] =	ssyncset.done @!p0 $0x0  }
0x57: {  	[sflag:s0] =	ssyncadd.s32 @!p0 s1  }
0x58: {  	[bflag:$0x3] =	sbarrier.arrive $0xFFFF  }
0x59: {  	_ =	shalt  }

</sc_bundles>
